<compile_context>
chip_gen: v7x
topology: tpu7x:2x2x1
jax: 0.10.2.dev20260603
libtpu: 0.0.44.dev20260713+nightly
codegen_flags: <defaults>
</compile_context>

<pallas_src>
import functools

import jax
import jax.numpy as jnp
from jax import lax
from jax.experimental import pallas as pl
from jax.experimental.pallas import tpu as pltpu
from jax.experimental.pallas import tpu_sc as plsc

B = 16
L = 2048
K = 8
FA = 128
M = 12
FN = 64
DV = 256
NC = 2
NS = 16
NW = NC * NS
PARTS = NW // K
ROWS = L // PARTS
IDX_CHUNK = ROWS * M


def _sc_body(atom_hbm, nbr_hbm, idx_hbm, vft_hbm, w_hbm, tgt_hbm,
             out_atom, out_nbr, out_idx, out_tgt,
             vft_v, w_v, idx_v, tgt_v, outtgt_v, sem):
    wid = lax.axis_index("s") * NC + lax.axis_index("c")
    r = wid // PARTS
    part = wid % PARTS

    pltpu.sync_copy(vft_hbm, vft_v)
    pltpu.sync_copy(w_hbm, w_v)

    def fma(c, acc):
        wchunk = w_v[pl.ds(c * B, B)]
        for lane in range(B):
            acc = acc + wchunk[lane] * vft_v[pl.ds((c * B + lane) * B, B)]
        return acc

    scores = lax.fori_loop(0, DV // B, fma, jnp.zeros((B,), jnp.float32))

    s = [scores[j] for j in range(B)]
    rank = []
    for j in range(B):
        rj = jnp.int32(0)
        for i in range(B):
            if i == j:
                continue
            beats = (s[i] > s[j]) | ((s[i] == s[j]) & (i < j))
            rj = rj + jnp.where(beats, 1, 0).astype(jnp.int32)
        rank.append(rj)

    sel_r = jnp.int32(0)
    for j in range(B):
        sel_r = sel_r + jnp.where(rank[j] == r, j, 0).astype(jnp.int32)
    delta = (r - sel_r) * L

    src0 = sel_r * L + part * ROWS
    dst0 = r * L + part * ROWS

    atom_cp = pltpu.async_copy(
        atom_hbm.at[pl.ds(src0, ROWS)], out_atom.at[pl.ds(dst0, ROWS)], sem)
    nbr_cp = pltpu.async_copy(
        nbr_hbm.at[pl.ds(src0, ROWS)], out_nbr.at[pl.ds(dst0, ROWS)], sem)

    isrc = sel_r * (L * M) + part * IDX_CHUNK
    idst = r * (L * M) + part * IDX_CHUNK
    pltpu.sync_copy(idx_hbm.at[pl.ds(isrc, IDX_CHUNK)], idx_v)

    def add_delta(i, _):
        sl = pl.ds(i * B, B)
        idx_v[sl] = idx_v[sl] + delta
        return 0

    lax.fori_loop(0, IDX_CHUNK // B, add_delta, 0)
    pltpu.sync_copy(idx_v, out_idx.at[pl.ds(idst, IDX_CHUNK)])

    @pl.when(wid == 0)
    def _():
        pltpu.sync_copy(tgt_hbm, tgt_v)
        t = tgt_v[...]
        iota = lax.iota(jnp.int32, B)
        out_vec = jnp.zeros((B,), jnp.float32)
        for j in range(B):
            out_vec = jnp.where(iota == rank[j], t[j], out_vec)
        outtgt_v[...] = out_vec
        pltpu.sync_copy(outtgt_v.at[pl.ds(0, K)], out_tgt)

    atom_cp.wait()
    nbr_cp.wait()


@jax.jit
def _run(atom_fea, nbr2d, idx_flat, vft, w, tgt):
    kern = pl.kernel(
        _sc_body,
        out_type=[
            jax.ShapeDtypeStruct((K * L, FA), jnp.float32),
            jax.ShapeDtypeStruct((K * L, M * FN), jnp.float32),
            jax.ShapeDtypeStruct((K * L * M,), jnp.int32),
            jax.ShapeDtypeStruct((K,), jnp.float32),
        ],
        mesh=plsc.VectorSubcoreMesh(core_axis_name="c", subcore_axis_name="s"),
        scratch_types=[
            pltpu.VMEM((DV * B,), jnp.float32),
            pltpu.VMEM((DV,), jnp.float32),
            pltpu.VMEM((IDX_CHUNK,), jnp.int32),
            pltpu.VMEM((B,), jnp.float32),
            pltpu.VMEM((B,), jnp.float32),
            pltpu.SemaphoreType.DMA,
        ],
    )
    return kern(atom_fea, nbr2d, idx_flat, vft, w, tgt)


def kernel(atom_fea, nbr_fea, nbr_fea_idx, cu_seqlens, val_feat, target, W_val):
    total = atom_fea.shape[0]
    nbr2d = nbr_fea.reshape(total, M * FN)
    idx_flat = nbr_fea_idx.reshape(total * M)
    vft = val_feat.T.reshape(DV * B)
    w = W_val.reshape(DV)
    tgt = target.reshape(B)
    na, nn, ni, nt = _run(atom_fea, nbr2d, idx_flat, vft, w, tgt)
    return (na, nn.reshape(K * L, M, FN), ni.reshape(K * L, M),
            nt.reshape(K, 1))

# --- scband reference (transcript-rebuilt; emitter-appended) ---
"""Pipeline reference for scband-data-selector-cgcnn-30107720745196 (READ-ONLY COPY).

The authoritative reference and input builder live on the scoring server;
editing this copy changes nothing except your own understanding.
"""

import jax, jax.numpy as jnp
import numpy as np

B = 16
L = 2048  # atoms per crystal (uniform ragged layout)
TOTAL = B * L
FA = 128
M = 12
FN = 64
DV = 256
SEL_RATIO = 0.5


def setup_inputs(seed: int = 0) -> dict:
    key = jax.random.key(seed)
    k1, k2, k3, k4, k5, k6 = jax.random.split(key, 6)
    atom_fea = jax.random.normal(k1, (TOTAL, FA), dtype=jnp.float32)
    nbr_fea = jax.random.normal(k2, (TOTAL, M, FN), dtype=jnp.float32)
    # neighbor indices point within each crystal's contiguous atom block
    base = (jnp.arange(TOTAL, dtype=jnp.int32) // L) * L
    local = jax.random.randint(k3, (TOTAL, M), 0, L, dtype=jnp.int32)
    nbr_fea_idx = base[:, None] + local
    cu_seqlens = (jnp.arange(B + 1, dtype=jnp.int32) * L)
    val_feat = jax.random.normal(k4, (B, DV), dtype=jnp.float32)
    target = jax.random.normal(k5, (B, 1), dtype=jnp.float32)
    # DualDataValuator approximated as a learned linear scorer
    W_val = jax.random.normal(k6, (DV, 1), dtype=jnp.float32) * 0.05
    return {"atom_fea": atom_fea, "nbr_fea": nbr_fea, "nbr_fea_idx": nbr_fea_idx,
            "cu_seqlens": cu_seqlens, "val_feat": val_feat, "target": target,
            "W_val": W_val}


def reference(atom_fea, nbr_fea, nbr_fea_idx, cu_seqlens, val_feat, target, W_val):
    Bn = val_feat.shape[0]
    total = atom_fea.shape[0]
    Ln = total // Bn
    # valuator: combined scores per crystal
    combined_scores = (val_feat @ W_val).squeeze(-1)  # [B]
    num_select = max(1, int(Bn * SEL_RATIO))
    _, sel = jax.lax.top_k(combined_scores, num_select)  # [num_select]
    # gather contiguous atom blocks of selected crystals
    gather_idx = (sel[:, None] * Ln + jnp.arange(Ln)[None, :]).reshape(-1)
    new_atom_fea = jnp.take(atom_fea, gather_idx, axis=0)
    new_nbr_fea = jnp.take(nbr_fea, gather_idx, axis=0)
    old_idx = jnp.take(nbr_fea_idx, gather_idx, axis=0)
    # reindex neighbor indices: delta = new_start - old_start per crystal
    new_starts = jnp.arange(num_select) * Ln
    old_starts = sel * Ln
    delta = jnp.repeat(new_starts - old_starts, Ln)
    new_nbr_idx = old_idx + delta[:, None]
    new_target = jnp.take(target, sel, axis=0)
    return new_atom_fea, new_nbr_fea, new_nbr_idx, new_target

if __name__ == "__main__":
    import jax
    _d = setup_inputs()
    print(jax.jit(kernel)(*tuple(_d.values())))

</pallas_src>

<mosaic_0001>
#map = affine_map<(d0, d1) -> (0, 0)>
#map1 = affine_map<(d0, d1) -> (0)>
module attributes {stable_mosaic.version = 14 : i64} {
  func.func @_sc_body(%arg0: i32, %arg1: i32, %arg2: memref<32768x128xf32, #tpu.memory_space<hbm>>, %arg3: memref<32768x768xf32, #tpu.memory_space<hbm>>, %arg4: memref<393216xi32, #tpu.memory_space<hbm>>, %arg5: memref<4096xf32, #tpu.memory_space<hbm>>, %arg6: memref<256xf32, #tpu.memory_space<hbm>>, %arg7: memref<16xf32, #tpu.memory_space<hbm>>, %arg8: memref<16384x128xf32, #tpu.memory_space<hbm>>, %arg9: memref<16384x768xf32, #tpu.memory_space<hbm>>, %arg10: memref<196608xi32, #tpu.memory_space<hbm>>, %arg11: memref<8xf32, #tpu.memory_space<hbm>>, %arg12: memref<4096xf32, #tpu.memory_space<vmem>>, %arg13: memref<256xf32, #tpu.memory_space<vmem>>, %arg14: memref<6144xi32, #tpu.memory_space<vmem>>, %arg15: memref<16xf32, #tpu.memory_space<vmem>>, %arg16: memref<16xf32, #tpu.memory_space<vmem>>, %arg17: memref<!tpu.dma_semaphore, #tpu.memory_space<semaphore_mem>>) attributes {dimension_semantics = [#tpu.dimension_semantics<core_parallel>, #tpu.dimension_semantics<subcore_parallel>], iteration_bounds = array<i64: 2, 16>, scalar_prefetch = 0 : i64, scratch_operands = 6 : i64, tpu.core_type = #tpu.core_type<sc_vector_subcore>, window_params = [{transform_indices = #map}, {transform_indices = #map}, {transform_indices = #map1}, {transform_indices = #map1}, {transform_indices = #map1}, {transform_indices = #map1}, {transform_indices = #map}, {transform_indices = #map}, {transform_indices = #map1}, {transform_indices = #map1}]} {
    %mul3A = arith.constant 2 : i32
    %mul3A_0 = arith.muli %arg1, %mul3A : i32
    %add3A = arith.addi %mul3A_0, %arg0 : i32
    %jit3A = arith.constant 4 : i32
    %div3A = arith.divsi %add3A, %jit3A : i32
    %sign3A = arith.constant 0 : i32
    %sign3A_1 = arith.cmpi sgt, %add3A, %sign3A : i32
    %sign3A_2 = arith.extui %sign3A_1 : i1 to i32
    %sign3A_3 = arith.constant 0 : i32
    %sign3A_4 = arith.cmpi slt, %add3A, %sign3A_3 : i32
    %sign3A_5 = arith.extui %sign3A_4 : i1 to i32
    %sign3A_6 = arith.subi %sign3A_2, %sign3A_5 : i32
    %sign3A_7 = arith.constant 0 : i32
    %sign3A_8 = arith.cmpi sgt, %jit3A, %sign3A_7 : i32
    %sign3A_9 = arith.extui %sign3A_8 : i1 to i32
    %sign3A_10 = arith.constant 0 : i32
    %sign3A_11 = arith.cmpi slt, %jit3A, %sign3A_10 : i32
    %sign3A_12 = arith.extui %sign3A_11 : i1 to i32
    %sign3A_13 = arith.subi %sign3A_9, %sign3A_12 : i32
    %ne3A = arith.cmpi ne, %sign3A_6, %sign3A_13 : i32
    %rem3A = arith.remsi %add3A, %jit3A : i32
    %ne3A_14 = arith.constant 0 : i32
    %ne3A_15 = arith.cmpi ne, %rem3A, %ne3A_14 : i32
    %and3A = arith.andi %ne3A, %ne3A_15 : i1
    %sub3A = arith.constant 1 : i32
    %sub3A_16 = arith.subi %div3A, %sub3A : i32
    %select_n3A = arith.select %and3A, %sub3A_16, %div3A : i32
    %jit3A_17 = arith.constant 4 : i32
    %eq3A = arith.constant 0 : i32
    %eq3A_18 = arith.cmpi eq, %jit3A_17, %eq3A : i32
    %jit3A_19 = arith.constant 1 : i32
    %select_n3A_20 = arith.select %eq3A_18, %jit3A_19, %jit3A_17 : i32
    %rem3A_21 = arith.remsi %add3A, %select_n3A_20 : i32
    %ne3A_22 = arith.constant 0 : i32
    %ne3A_23 = arith.cmpi ne, %rem3A_21, %ne3A_22 : i32
    %lt3A = arith.constant 0 : i32
    %lt3A_24 = arith.cmpi slt, %rem3A_21, %lt3A : i32
    %lt3A_25 = arith.constant 0 : i32
    %lt3A_26 = arith.cmpi slt, %select_n3A_20, %lt3A_25 : i32
    %ne3A_27 = arith.xori %lt3A_24, %lt3A_26 : i1
    %and3A_28 = arith.andi %ne3A_27, %ne3A_23 : i1
    %add3A_29 = arith.addi %rem3A_21, %select_n3A_20 : i32
    %select_n3A_30 = arith.select %and3A_28, %add3A_29, %rem3A_21 : i32
    "tpu.region"() ({
      %run_scoped3A = tpu.sem_alloc : memref<!tpu.dma_semaphore, #tpu.memory_space<semaphore_mem>>
      tpu.enqueue_dma source(%arg5 : memref<4096xf32, #tpu.memory_space<hbm>>) target(%arg12 : memref<4096xf32, #tpu.memory_space<vmem>>) target_semaphore(%run_scoped3A : memref<!tpu.dma_semaphore, #tpu.memory_space<semaphore_mem>>)
      tpu.wait_dma2 semaphore(%run_scoped3A : memref<!tpu.dma_semaphore, #tpu.memory_space<semaphore_mem>>) src(%arg5 : memref<4096xf32, #tpu.memory_space<hbm>>) dst(%arg12 : memref<4096xf32, #tpu.memory_space<vmem>>)
      tpu.yield
    }) : () -> ()
    "tpu.region"() ({
      %run_scoped3A = tpu.sem_alloc : memref<!tpu.dma_semaphore, #tpu.memory_space<semaphore_mem>>
      tpu.enqueue_dma source(%arg6 : memref<256xf32, #tpu.memory_space<hbm>>) target(%arg13 : memref<256xf32, #tpu.memory_space<vmem>>) target_semaphore(%run_scoped3A : memref<!tpu.dma_semaphore, #tpu.memory_space<semaphore_mem>>)
      tpu.wait_dma2 semaphore(%run_scoped3A : memref<!tpu.dma_semaphore, #tpu.memory_space<semaphore_mem>>) src(%arg6 : memref<256xf32, #tpu.memory_space<hbm>>) dst(%arg13 : memref<256xf32, #tpu.memory_space<vmem>>)
      tpu.yield
    }) : () -> ()
    %broadcast_in_dim3A = arith.constant 0.000000e+00 : f32
    %broadcast_in_dim3A_31 = vector.broadcast %broadcast_in_dim3A : f32 to vector<16xf32>
    %scan3A = arith.constant 0 : i32
    %scan3A_32 = arith.constant 16 : i32
    %scan3A_33 = arith.addi %scan3A, %scan3A_32 : i32
    %scan3A_34 = arith.constant 1 : i32
    %scan3A_35 = scf.for %scan3A_2369 = %scan3A to %scan3A_33 step %scan3A_34 iter_args(%scan3A_2370 = %broadcast_in_dim3A_31) -> (vector<16xf32>)  : i32 {
      %mul3A_2371 = arith.constant 16 : i32
      %mul3A_2372 = arith.muli %scan3A_2369, %mul3A_2371 : i32
      %get3A = arith.index_cast %mul3A_2372 : i32 to index
      %get3A_2373 = tpu.vector_load %arg13[%get3A] {strides = array<i32>} : memref<256xf32, #tpu.memory_space<vmem>>, vector<16xf32>,
      %get3A_2374 = vector.shape_cast %get3A_2373 : vector<16xf32> to vector<16xf32>
      %slice3A_2375 = vector.extract_strided_slice %get3A_2374 {offsets = [0], sizes = [1], strides = [1]} : vector<16xf32> to vector<1xf32>
      %squeeze3A_2376 = vector.extract %slice3A_2375[0] : f32 from vector<1xf32>
      %mul3A_2377 = arith.constant 16 : i32
      %mul3A_2378 = arith.muli %scan3A_2369, %mul3A_2377 : i32
      %add3A_2379 = arith.constant 0 : i32
      %add3A_2380 = arith.addi %mul3A_2378, %add3A_2379 : i32
      %mul3A_2381 = arith.constant 16 : i32
      %mul3A_2382 = arith.muli %add3A_2380, %mul3A_2381 : i32
      %get3A_2383 = arith.index_cast %mul3A_2382 : i32 to index
      %get3A_2384 = tpu.vector_load %arg12[%get3A_2383] {strides = array<i32>} : memref<4096xf32, #tpu.memory_space<vmem>>, vector<16xf32>,
      %get3A_2385 = vector.shape_cast %get3A_2384 : vector<16xf32> to vector<16xf32>
      %mul3A_2386 = vector.broadcast %squeeze3A_2376 : f32 to vector<16xf32>
      %mul3A_2387 = arith.mulf %mul3A_2386, %get3A_2385 : vector<16xf32>
      %add3A_2388 = arith.addf %scan3A_2370, %mul3A_2387 : vector<16xf32>
      %slice3A_2389 = vector.extract_strided_slice %get3A_2374 {offsets = [1], sizes = [1], strides = [1]} : vector<16xf32> to vector<1xf32>
      %squeeze3A_2390 = vector.extract %slice3A_2389[0] : f32 from vector<1xf32>
      %mul3A_2391 = arith.constant 16 : i32
      %mul3A_2392 = arith.muli %scan3A_2369, %mul3A_2391 : i32
      %add3A_2393 = arith.constant 1 : i32
      %add3A_2394 = arith.addi %mul3A_2392, %add3A_2393 : i32
      %mul3A_2395 = arith.constant 16 : i32
      %mul3A_2396 = arith.muli %add3A_2394, %mul3A_2395 : i32
      %get3A_2397 = arith.index_cast %mul3A_2396 : i32 to index
      %get3A_2398 = tpu.vector_load %arg12[%get3A_2397] {strides = array<i32>} : memref<4096xf32, #tpu.memory_space<vmem>>, vector<16xf32>,
      %get3A_2399 = vector.shape_cast %get3A_2398 : vector<16xf32> to vector<16xf32>
      %mul3A_2400 = vector.broadcast %squeeze3A_2390 : f32 to vector<16xf32>
      %mul3A_2401 = arith.mulf %mul3A_2400, %get3A_2399 : vector<16xf32>
      %add3A_2402 = arith.addf %add3A_2388, %mul3A_2401 : vector<16xf32>
      %slice3A_2403 = vector.extract_strided_slice %get3A_2374 {offsets = [2], sizes = [1], strides = [1]} : vector<16xf32> to vector<1xf32>
      %squeeze3A_2404 = vector.extract %slice3A_2403[0] : f32 from vector<1xf32>
      %mul3A_2405 = arith.constant 16 : i32
      %mul3A_2406 = arith.muli %scan3A_2369, %mul3A_2405 : i32
      %add3A_2407 = arith.constant 2 : i32
      %add3A_2408 = arith.addi %mul3A_2406, %add3A_2407 : i32
      %mul3A_2409 = arith.constant 16 : i32
      %mul3A_2410 = arith.muli %add3A_2408, %mul3A_2409 : i32
      %get3A_2411 = arith.index_cast %mul3A_2410 : i32 to index
      %get3A_2412 = tpu.vector_load %arg12[%get3A_2411] {strides = array<i32>} : memref<4096xf32, #tpu.memory_space<vmem>>, vector<16xf32>,
      %get3A_2413 = vector.shape_cast %get3A_2412 : vector<16xf32> to vector<16xf32>
      %mul3A_2414 = vector.broadcast %squeeze3A_2404 : f32 to vector<16xf32>
      %mul3A_2415 = arith.mulf %mul3A_2414, %get3A_2413 : vector<16xf32>
      %add3A_2416 = arith.addf %add3A_2402, %mul3A_2415 : vector<16xf32>
      %slice3A_2417 = vector.extract_strided_slice %get3A_2374 {offsets = [3], sizes = [1], strides = [1]} : vector<16xf32> to vector<1xf32>
      %squeeze3A_2418 = vector.extract %slice3A_2417[0] : f32 from vector<1xf32>
      %mul3A_2419 = arith.constant 16 : i32
      %mul3A_2420 = arith.muli %scan3A_2369, %mul3A_2419 : i32
      %add3A_2421 = arith.constant 3 : i32
      %add3A_2422 = arith.addi %mul3A_2420, %add3A_2421 : i32
      %mul3A_2423 = arith.constant 16 : i32
      %mul3A_2424 = arith.muli %add3A_2422, %mul3A_2423 : i32
      %get3A_2425 = arith.index_cast %mul3A_2424 : i32 to index
      %get3A_2426 = tpu.vector_load %arg12[%get3A_2425] {strides = array<i32>} : memref<4096xf32, #tpu.memory_space<vmem>>, vector<16xf32>,
      %get3A_2427 = vector.shape_cast %get3A_2426 : vector<16xf32> to vector<16xf32>
      %mul3A_2428 = vector.broadcast %squeeze3A_2418 : f32 to vector<16xf32>
      %mul3A_2429 = arith.mulf %mul3A_2428, %get3A_2427 : vector<16xf32>
      %add3A_2430 = arith.addf %add3A_2416, %mul3A_2429 : vector<16xf32>
      %slice3A_2431 = vector.extract_strided_slice %get3A_2374 {offsets = [4], sizes = [1], strides = [1]} : vector<16xf32> to vector<1xf32>
      %squeeze3A_2432 = vector.extract %slice3A_2431[0] : f32 from vector<1xf32>
      %mul3A_2433 = arith.constant 16 : i32
      %mul3A_2434 = arith.muli %scan3A_2369, %mul3A_2433 : i32
      %add3A_2435 = arith.constant 4 : i32
      %add3A_2436 = arith.addi %mul3A_2434, %add3A_2435 : i32
      %mul3A_2437 = arith.constant 16 : i32
      %mul3A_2438 = arith.muli %add3A_2436, %mul3A_2437 : i32
      %get3A_2439 = arith.index_cast %mul3A_2438 : i32 to index
      %get3A_2440 = tpu.vector_load %arg12[%get3A_2439] {strides = array<i32>} : memref<4096xf32, #tpu.memory_space<vmem>>, vector<16xf32>,
      %get3A_2441 = vector.shape_cast %get3A_2440 : vector<16xf32> to vector<16xf32>
      %mul3A_2442 = vector.broadcast %squeeze3A_2432 : f32 to vector<16xf32>
      %mul3A_2443 = arith.mulf %mul3A_2442, %get3A_2441 : vector<16xf32>
      %add3A_2444 = arith.addf %add3A_2430, %mul3A_2443 : vector<16xf32>
      %slice3A_2445 = vector.extract_strided_slice %get3A_2374 {offsets = [5], sizes = [1], strides = [1]} : vector<16xf32> to vector<1xf32>
      %squeeze3A_2446 = vector.extract %slice3A_2445[0] : f32 from vector<1xf32>
      %mul3A_2447 = arith.constant 16 : i32
      %mul3A_2448 = arith.muli %scan3A_2369, %mul3A_2447 : i32
      %add3A_2449 = arith.constant 5 : i32
      %add3A_2450 = arith.addi %mul3A_2448, %add3A_2449 : i32
      %mul3A_2451 = arith.constant 16 : i32
      %mul3A_2452 = arith.muli %add3A_2450, %mul3A_2451 : i32
      %get3A_2453 = arith.index_cast %mul3A_2452 : i32 to index
      %get3A_2454 = tpu.vector_load %arg12[%get3A_2453] {strides = array<i32>} : memref<4096xf32, #tpu.memory_space<vmem>>, vector<16xf32>,
      %get3A_2455 = vector.shape_cast %get3A_2454 : vector<16xf32> to vector<16xf32>
      %mul3A_2456 = vector.broadcast %squeeze3A_2446 : f32 to vector<16xf32>
      %mul3A_2457 = arith.mulf %mul3A_2456, %get3A_2455 : vector<16xf32>
      %add3A_2458 = arith.addf %add3A_2444, %mul3A_2457 : vector<16xf32>
      %slice3A_2459 = vector.extract_strided_slice %get3A_2374 {offsets = [6], sizes = [1], strides = [1]} : vector<16xf32> to vector<1xf32>
      %squeeze3A_2460 = vector.extract %slice3A_2459[0] : f32 from vector<1xf32>
      %mul3A_2461 = arith.constant 16 : i32
      %mul3A_2462 = arith.muli %scan3A_2369, %mul3A_2461 : i32
      %add3A_2463 = arith.constant 6 : i32
      %add3A_2464 = arith.addi %mul3A_2462, %add3A_2463 : i32
      %mul3A_2465 = arith.constant 16 : i32
      %mul3A_2466 = arith.muli %add3A_2464, %mul3A_2465 : i32
      %get3A_2467 = arith.index_cast %mul3A_2466 : i32 to index
      %get3A_2468 = tpu.vector_load %arg12[%get3A_2467] {strides = array<i32>} : memref<4096xf32, #tpu.memory_space<vmem>>, vector<16xf32>,
      %get3A_2469 = vector.shape_cast %get3A_2468 : vector<16xf32> to vector<16xf32>
      %mul3A_2470 = vector.broadcast %squeeze3A_2460 : f32 to vector<16xf32>
      %mul3A_2471 = arith.mulf %mul3A_2470, %get3A_2469 : vector<16xf32>
      %add3A_2472 = arith.addf %add3A_2458, %mul3A_2471 : vector<16xf32>
      %slice3A_2473 = vector.extract_strided_slice %get3A_2374 {offsets = [7], sizes = [1], strides = [1]} : vector<16xf32> to vector<1xf32>
      %squeeze3A_2474 = vector.extract %slice3A_2473[0] : f32 from vector<1xf32>
      %mul3A_2475 = arith.constant 16 : i32
      %mul3A_2476 = arith.muli %scan3A_2369, %mul3A_2475 : i32
      %add3A_2477 = arith.constant 7 : i32
      %add3A_2478 = arith.addi %mul3A_2476, %add3A_2477 : i32
      %mul3A_2479 = arith.constant 16 : i32
      %mul3A_2480 = arith.muli %add3A_2478, %mul3A_2479 : i32
      %get3A_2481 = arith.index_cast %mul3A_2480 : i32 to index
      %get3A_2482 = tpu.vector_load %arg12[%get3A_2481] {strides = array<i32>} : memref<4096xf32, #tpu.memory_space<vmem>>, vector<16xf32>,
      %get3A_2483 = vector.shape_cast %get3A_2482 : vector<16xf32> to vector<16xf32>
      %mul3A_2484 = vector.broadcast %squeeze3A_2474 : f32 to vector<16xf32>
      %mul3A_2485 = arith.mulf %mul3A_2484, %get3A_2483 : vector<16xf32>
      %add3A_2486 = arith.addf %add3A_2472, %mul3A_2485 : vector<16xf32>
      %slice3A_2487 = vector.extract_strided_slice %get3A_2374 {offsets = [8], sizes = [1], strides = [1]} : vector<16xf32> to vector<1xf32>
      %squeeze3A_2488 = vector.extract %slice3A_2487[0] : f32 from vector<1xf32>
      %mul3A_2489 = arith.constant 16 : i32
      %mul3A_2490 = arith.muli %scan3A_2369, %mul3A_2489 : i32
      %add3A_2491 = arith.constant 8 : i32
      %add3A_2492 = arith.addi %mul3A_2490, %add3A_2491 : i32
      %mul3A_2493 = arith.constant 16 : i32
      %mul3A_2494 = arith.muli %add3A_2492, %mul3A_2493 : i32
      %get3A_2495 = arith.index_cast %mul3A_2494 : i32 to index
      %get3A_2496 = tpu.vector_load %arg12[%get3A_2495] {strides = array<i32>} : memref<4096xf32, #tpu.memory_space<vmem>>, vector<16xf32>,
      %get3A_2497 = vector.shape_cast %get3A_2496 : vector<16xf32> to vector<16xf32>
      %mul3A_2498 = vector.broadcast %squeeze3A_2488 : f32 to vector<16xf32>
      %mul3A_2499 = arith.mulf %mul3A_2498, %get3A_2497 : vector<16xf32>
      %add3A_2500 = arith.addf %add3A_2486, %mul3A_2499 : vector<16xf32>
      %slice3A_2501 = vector.extract_strided_slice %get3A_2374 {offsets = [9], sizes = [1], strides = [1]} : vector<16xf32> to vector<1xf32>
      %squeeze3A_2502 = vector.extract %slice3A_2501[0] : f32 from vector<1xf32>
      %mul3A_2503 = arith.constant 16 : i32
      %mul3A_2504 = arith.muli %scan3A_2369, %mul3A_2503 : i32
      %add3A_2505 = arith.constant 9 : i32
      %add3A_2506 = arith.addi %mul3A_2504, %add3A_2505 : i32
      %mul3A_2507 = arith.constant 16 : i32
      %mul3A_2508 = arith.muli %add3A_2506, %mul3A_2507 : i32
      %get3A_2509 = arith.index_cast %mul3A_2508 : i32 to index
      %get3A_2510 = tpu.vector_load %arg12[%get3A_2509] {strides = array<i32>} : memref<4096xf32, #tpu.memory_space<vmem>>, vector<16xf32>,
      %get3A_2511 = vector.shape_cast %get3A_2510 : vector<16xf32> to vector<16xf32>
      %mul3A_2512 = vector.broadcast %squeeze3A_2502 : f32 to vector<16xf32>
      %mul3A_2513 = arith.mulf %mul3A_2512, %get3A_2511 : vector<16xf32>
      %add3A_2514 = arith.addf %add3A_2500, %mul3A_2513 : vector<16xf32>
      %slice3A_2515 = vector.extract_strided_slice %get3A_2374 {offsets = [10], sizes = [1], strides = [1]} : vector<16xf32> to vector<1xf32>
      %squeeze3A_2516 = vector.extract %slice3A_2515[0] : f32 from vector<1xf32>
      %mul3A_2517 = arith.constant 16 : i32
      %mul3A_2518 = arith.muli %scan3A_2369, %mul3A_2517 : i32
      %add3A_2519 = arith.constant 10 : i32
      %add3A_2520 = arith.addi %mul3A_2518, %add3A_2519 : i32
      %mul3A_2521 = arith.constant 16 : i32
      %mul3A_2522 = arith.muli %add3A_2520, %mul3A_2521 : i32
      %get3A_2523 = arith.index_cast %mul3A_2522 : i32 to index
      %get3A_2524 = tpu.vector_load %arg12[%get3A_2523] {strides = array<i32>} : memref<4096xf32, #tpu.memory_space<vmem>>, vector<16xf32>,
      %get3A_2525 = vector.shape_cast %get3A_2524 : vector<16xf32> to vector<16xf32>
      %mul3A_2526 = vector.broadcast %squeeze3A_2516 : f32 to vector<16xf32>
      %mul3A_2527 = arith.mulf %mul3A_2526, %get3A_2525 : vector<16xf32>
      %add3A_2528 = arith.addf %add3A_2514, %mul3A_2527 : vector<16xf32>
      %slice3A_2529 = vector.extract_strided_slice %get3A_2374 {offsets = [11], sizes = [1], strides = [1]} : vector<16xf32> to vector<1xf32>
      %squeeze3A_2530 = vector.extract %slice3A_2529[0] : f32 from vector<1xf32>
      %mul3A_2531 = arith.constant 16 : i32
      %mul3A_2532 = arith.muli %scan3A_2369, %mul3A_2531 : i32
      %add3A_2533 = arith.constant 11 : i32
      %add3A_2534 = arith.addi %mul3A_2532, %add3A_2533 : i32
      %mul3A_2535 = arith.constant 16 : i32
      %mul3A_2536 = arith.muli %add3A_2534, %mul3A_2535 : i32
      %get3A_2537 = arith.index_cast %mul3A_2536 : i32 to index
      %get3A_2538 = tpu.vector_load %arg12[%get3A_2537] {strides = array<i32>} : memref<4096xf32, #tpu.memory_space<vmem>>, vector<16xf32>,
      %get3A_2539 = vector.shape_cast %get3A_2538 : vector<16xf32> to vector<16xf32>
      %mul3A_2540 = vector.broadcast %squeeze3A_2530 : f32 to vector<16xf32>
      %mul3A_2541 = arith.mulf %mul3A_2540, %get3A_2539 : vector<16xf32>
      %add3A_2542 = arith.addf %add3A_2528, %mul3A_2541 : vector<16xf32>
      %slice3A_2543 = vector.extract_strided_slice %get3A_2374 {offsets = [12], sizes = [1], strides = [1]} : vector<16xf32> to vector<1xf32>
      %squeeze3A_2544 = vector.extract %slice3A_2543[0] : f32 from vector<1xf32>
      %mul3A_2545 = arith.constant 16 : i32
      %mul3A_2546 = arith.muli %scan3A_2369, %mul3A_2545 : i32
      %add3A_2547 = arith.constant 12 : i32
      %add3A_2548 = arith.addi %mul3A_2546, %add3A_2547 : i32
      %mul3A_2549 = arith.constant 16 : i32
      %mul3A_2550 = arith.muli %add3A_2548, %mul3A_2549 : i32
      %get3A_2551 = arith.index_cast %mul3A_2550 : i32 to index
      %get3A_2552 = tpu.vector_load %arg12[%get3A_2551] {strides = array<i32>} : memref<4096xf32, #tpu.memory_space<vmem>>, vector<16xf32>,
      %get3A_2553 = vector.shape_cast %get3A_2552 : vector<16xf32> to vector<16xf32>
      %mul3A_2554 = vector.broadcast %squeeze3A_2544 : f32 to vector<16xf32>
      %mul3A_2555 = arith.mulf %mul3A_2554, %get3A_2553 : vector<16xf32>
      %add3A_2556 = arith.addf %add3A_2542, %mul3A_2555 : vector<16xf32>
      %slice3A_2557 = vector.extract_strided_slice %get3A_2374 {offsets = [13], sizes = [1], strides = [1]} : vector<16xf32> to vector<1xf32>
      %squeeze3A_2558 = vector.extract %slice3A_2557[0] : f32 from vector<1xf32>
      %mul3A_2559 = arith.constant 16 : i32
      %mul3A_2560 = arith.muli %scan3A_2369, %mul3A_2559 : i32
      %add3A_2561 = arith.constant 13 : i32
      %add3A_2562 = arith.addi %mul3A_2560, %add3A_2561 : i32
      %mul3A_2563 = arith.constant 16 : i32
      %mul3A_2564 = arith.muli %add3A_2562, %mul3A_2563 : i32
      %get3A_2565 = arith.index_cast %mul3A_2564 : i32 to index
      %get3A_2566 = tpu.vector_load %arg12[%get3A_2565] {strides = array<i32>} : memref<4096xf32, #tpu.memory_space<vmem>>, vector<16xf32>,
      %get3A_2567 = vector.shape_cast %get3A_2566 : vector<16xf32> to vector<16xf32>
      %mul3A_2568 = vector.broadcast %squeeze3A_2558 : f32 to vector<16xf32>
      %mul3A_2569 = arith.mulf %mul3A_2568, %get3A_2567 : vector<16xf32>
      %add3A_2570 = arith.addf %add3A_2556, %mul3A_2569 : vector<16xf32>
      %slice3A_2571 = vector.extract_strided_slice %get3A_2374 {offsets = [14], sizes = [1], strides = [1]} : vector<16xf32> to vector<1xf32>
      %squeeze3A_2572 = vector.extract %slice3A_2571[0] : f32 from vector<1xf32>
      %mul3A_2573 = arith.constant 16 : i32
      %mul3A_2574 = arith.muli %scan3A_2369, %mul3A_2573 : i32
      %add3A_2575 = arith.constant 14 : i32
      %add3A_2576 = arith.addi %mul3A_2574, %add3A_2575 : i32
      %mul3A_2577 = arith.constant 16 : i32
      %mul3A_2578 = arith.muli %add3A_2576, %mul3A_2577 : i32
      %get3A_2579 = arith.index_cast %mul3A_2578 : i32 to index
      %get3A_2580 = tpu.vector_load %arg12[%get3A_2579] {strides = array<i32>} : memref<4096xf32, #tpu.memory_space<vmem>>, vector<16xf32>,
      %get3A_2581 = vector.shape_cast %get3A_2580 : vector<16xf32> to vector<16xf32>
      %mul3A_2582 = vector.broadcast %squeeze3A_2572 : f32 to vector<16xf32>
      %mul3A_2583 = arith.mulf %mul3A_2582, %get3A_2581 : vector<16xf32>
      %add3A_2584 = arith.addf %add3A_2570, %mul3A_2583 : vector<16xf32>
      %slice3A_2585 = vector.extract_strided_slice %get3A_2374 {offsets = [15], sizes = [1], strides = [1]} : vector<16xf32> to vector<1xf32>
      %squeeze3A_2586 = vector.extract %slice3A_2585[0] : f32 from vector<1xf32>
      %mul3A_2587 = arith.constant 16 : i32
      %mul3A_2588 = arith.muli %scan3A_2369, %mul3A_2587 : i32
      %add3A_2589 = arith.constant 15 : i32
      %add3A_2590 = arith.addi %mul3A_2588, %add3A_2589 : i32
      %mul3A_2591 = arith.constant 16 : i32
      %mul3A_2592 = arith.muli %add3A_2590, %mul3A_2591 : i32
      %get3A_2593 = arith.index_cast %mul3A_2592 : i32 to index
      %get3A_2594 = tpu.vector_load %arg12[%get3A_2593] {strides = array<i32>} : memref<4096xf32, #tpu.memory_space<vmem>>, vector<16xf32>,
      %get3A_2595 = vector.shape_cast %get3A_2594 : vector<16xf32> to vector<16xf32>
      %mul3A_2596 = vector.broadcast %squeeze3A_2586 : f32 to vector<16xf32>
      %mul3A_2597 = arith.mulf %mul3A_2596, %get3A_2595 : vector<16xf32>
      %add3A_2598 = arith.addf %add3A_2584, %mul3A_2597 : vector<16xf32>
      scf.yield %add3A_2598 : vector<16xf32>
    }
    %scan3A_36 = arith.constant 16 : i32
    %slice3A = vector.extract_strided_slice %scan3A_35 {offsets = [0], sizes = [1], strides = [1]} : vector<16xf32> to vector<1xf32>
    %squeeze3A = vector.extract %slice3A[0] : f32 from vector<1xf32>
    %slice3A_37 = vector.extract_strided_slice %scan3A_35 {offsets = [1], sizes = [1], strides = [1]} : vector<16xf32> to vector<1xf32>
    %squeeze3A_38 = vector.extract %slice3A_37[0] : f32 from vector<1xf32>
    %slice3A_39 = vector.extract_strided_slice %scan3A_35 {offsets = [2], sizes = [1], strides = [1]} : vector<16xf32> to vector<1xf32>
    %squeeze3A_40 = vector.extract %slice3A_39[0] : f32 from vector<1xf32>
    %slice3A_41 = vector.extract_strided_slice %scan3A_35 {offsets = [3], sizes = [1], strides = [1]} : vector<16xf32> to vector<1xf32>
    %squeeze3A_42 = vector.extract %slice3A_41[0] : f32 from vector<1xf32>
    %slice3A_43 = vector.extract_strided_slice %scan3A_35 {offsets = [4], sizes = [1], strides = [1]} : vector<16xf32> to vector<1xf32>
    %squeeze3A_44 = vector.extract %slice3A_43[0] : f32 from vector<1xf32>
    %slice3A_45 = vector.extract_strided_slice %scan3A_35 {offsets = [5], sizes = [1], strides = [1]} : vector<16xf32> to vector<1xf32>
    %squeeze3A_46 = vector.extract %slice3A_45[0] : f32 from vector<1xf32>
    %slice3A_47 = vector.extract_strided_slice %scan3A_35 {offsets = [6], sizes = [1], strides = [1]} : vector<16xf32> to vector<1xf32>
    %squeeze3A_48 = vector.extract %slice3A_47[0] : f32 from vector<1xf32>
    %slice3A_49 = vector.extract_strided_slice %scan3A_35 {offsets = [7], sizes = [1], strides = [1]} : vector<16xf32> to vector<1xf32>
    %squeeze3A_50 = vector.extract %slice3A_49[0] : f32 from vector<1xf32>
    %slice3A_51 = vector.extract_strided_slice %scan3A_35 {offsets = [8], sizes = [1], strides = [1]} : vector<16xf32> to vector<1xf32>
    %squeeze3A_52 = vector.extract %slice3A_51[0] : f32 from vector<1xf32>
    %slice3A_53 = vector.extract_strided_slice %scan3A_35 {offsets = [9], sizes = [1], strides = [1]} : vector<16xf32> to vector<1xf32>
    %squeeze3A_54 = vector.extract %slice3A_53[0] : f32 from vector<1xf32>
    %slice3A_55 = vector.extract_strided_slice %scan3A_35 {offsets = [10], sizes = [1], strides = [1]} : vector<16xf32> to vector<1xf32>
    %squeeze3A_56 = vector.extract %slice3A_55[0] : f32 from vector<1xf32>
    %slice3A_57 = vector.extract_strided_slice %scan3A_35 {offsets = [11], sizes = [1], strides = [1]} : vector<16xf32> to vector<1xf32>
    %squeeze3A_58 = vector.extract %slice3A_57[0] : f32 from vector<1xf32>
    %slice3A_59 = vector.extract_strided_slice %scan3A_35 {offsets = [12], sizes = [1], strides = [1]} : vector<16xf32> to vector<1xf32>
    %squeeze3A_60 = vector.extract %slice3A_59[0] : f32 from vector<1xf32>
    %slice3A_61 = vector.extract_strided_slice %scan3A_35 {offsets = [13], sizes = [1], strides = [1]} : vector<16xf32> to vector<1xf32>
    %squeeze3A_62 = vector.extract %slice3A_61[0] : f32 from vector<1xf32>
    %slice3A_63 = vector.extract_strided_slice %scan3A_35 {offsets = [14], sizes = [1], strides = [1]} : vector<16xf32> to vector<1xf32>
    %squeeze3A_64 = vector.extract %slice3A_63[0] : f32 from vector<1xf32>
    %slice3A_65 = vector.extract_strided_slice %scan3A_35 {offsets = [15], sizes = [1], strides = [1]} : vector<16xf32> to vector<1xf32>
    %squeeze3A_66 = vector.extract %slice3A_65[0] : f32 from vector<1xf32>
    %gt3A = arith.cmpf ogt, %squeeze3A_38, %squeeze3A : f32
    %eq3A_67 = arith.cmpf oeq, %squeeze3A_38, %squeeze3A : f32
    %and3A_68 = arith.constant false
    %and3A_69 = arith.andi %eq3A_67, %and3A_68 : i1
    %or3A = arith.ori %gt3A, %and3A_69 : i1
    %jit3A_70 = arith.constant 1 : i32
    %jit3A_71 = arith.constant 0 : i32
    %select_n3A_72 = arith.select %or3A, %jit3A_70, %jit3A_71 : i32
    %add3A_73 = arith.constant 0 : i32
    %add3A_74 = arith.addi %add3A_73, %select_n3A_72 : i32
    %gt3A_75 = arith.cmpf ogt, %squeeze3A_40, %squeeze3A : f32
    %eq3A_76 = arith.cmpf oeq, %squeeze3A_40, %squeeze3A : f32
    %and3A_77 = arith.constant false
    %and3A_78 = arith.andi %eq3A_76, %and3A_77 : i1
    %or3A_79 = arith.ori %gt3A_75, %and3A_78 : i1
    %jit3A_80 = arith.constant 1 : i32
    %jit3A_81 = arith.constant 0 : i32
    %select_n3A_82 = arith.select %or3A_79, %jit3A_80, %jit3A_81 : i32
    %add3A_83 = arith.addi %add3A_74, %select_n3A_82 : i32
    %gt3A_84 = arith.cmpf ogt, %squeeze3A_42, %squeeze3A : f32
    %eq3A_85 = arith.cmpf oeq, %squeeze3A_42, %squeeze3A : f32
    %and3A_86 = arith.constant false
    %and3A_87 = arith.andi %eq3A_85, %and3A_86 : i1
    %or3A_88 = arith.ori %gt3A_84, %and3A_87 : i1
    %jit3A_89 = arith.constant 1 : i32
    %jit3A_90 = arith.constant 0 : i32
    %select_n3A_91 = arith.select %or3A_88, %jit3A_89, %jit3A_90 : i32
    %add3A_92 = arith.addi %add3A_83, %select_n3A_91 : i32
    %gt3A_93 = arith.cmpf ogt, %squeeze3A_44, %squeeze3A : f32
    %eq3A_94 = arith.cmpf oeq, %squeeze3A_44, %squeeze3A : f32
    %and3A_95 = arith.constant false
    %and3A_96 = arith.andi %eq3A_94, %and3A_95 : i1
    %or3A_97 = arith.ori %gt3A_93, %and3A_96 : i1
    %jit3A_98 = arith.constant 1 : i32
    %jit3A_99 = arith.constant 0 : i32
    %select_n3A_100 = arith.select %or3A_97, %jit3A_98, %jit3A_99 : i32
    %add3A_101 = arith.addi %add3A_92, %select_n3A_100 : i32
    %gt3A_102 = arith.cmpf ogt, %squeeze3A_46, %squeeze3A : f32
    %eq3A_103 = arith.cmpf oeq, %squeeze3A_46, %squeeze3A : f32
    %and3A_104 = arith.constant false
    %and3A_105 = arith.andi %eq3A_103, %and3A_104 : i1
    %or3A_106 = arith.ori %gt3A_102, %and3A_105 : i1
    %jit3A_107 = arith.constant 1 : i32
    %jit3A_108 = arith.constant 0 : i32
    %select_n3A_109 = arith.select %or3A_106, %jit3A_107, %jit3A_108 : i32
    %add3A_110 = arith.addi %add3A_101, %select_n3A_109 : i32
    %gt3A_111 = arith.cmpf ogt, %squeeze3A_48, %squeeze3A : f32
    %eq3A_112 = arith.cmpf oeq, %squeeze3A_48, %squeeze3A : f32
    %and3A_113 = arith.constant false
    %and3A_114 = arith.andi %eq3A_112, %and3A_113 : i1
    %or3A_115 = arith.ori %gt3A_111, %and3A_114 : i1
    %jit3A_116 = arith.constant 1 : i32
    %jit3A_117 = arith.constant 0 : i32
    %select_n3A_118 = arith.select %or3A_115, %jit3A_116, %jit3A_117 : i32
    %add3A_119 = arith.addi %add3A_110, %select_n3A_118 : i32
    %gt3A_120 = arith.cmpf ogt, %squeeze3A_50, %squeeze3A : f32
    %eq3A_121 = arith.cmpf oeq, %squeeze3A_50, %squeeze3A : f32
    %and3A_122 = arith.constant false
    %and3A_123 = arith.andi %eq3A_121, %and3A_122 : i1
    %or3A_124 = arith.ori %gt3A_120, %and3A_123 : i1
    %jit3A_125 = arith.constant 1 : i32
    %jit3A_126 = arith.constant 0 : i32
    %select_n3A_127 = arith.select %or3A_124, %jit3A_125, %jit3A_126 : i32
    %add3A_128 = arith.addi %add3A_119, %select_n3A_127 : i32
    %gt3A_129 = arith.cmpf ogt, %squeeze3A_52, %squeeze3A : f32
    %eq3A_130 = arith.cmpf oeq, %squeeze3A_52, %squeeze3A : f32
    %and3A_131 = arith.constant false
    %and3A_132 = arith.andi %eq3A_130, %and3A_131 : i1
    %or3A_133 = arith.ori %gt3A_129, %and3A_132 : i1
    %jit3A_134 = arith.constant 1 : i32
    %jit3A_135 = arith.constant 0 : i32
    %select_n3A_136 = arith.select %or3A_133, %jit3A_134, %jit3A_135 : i32
    %add3A_137 = arith.addi %add3A_128, %select_n3A_136 : i32
    %gt3A_138 = arith.cmpf ogt, %squeeze3A_54, %squeeze3A : f32
    %eq3A_139 = arith.cmpf oeq, %squeeze3A_54, %squeeze3A : f32
    %and3A_140 = arith.constant false
    %and3A_141 = arith.andi %eq3A_139, %and3A_140 : i1
    %or3A_142 = arith.ori %gt3A_138, %and3A_141 : i1
    %jit3A_143 = arith.constant 1 : i32
    %jit3A_144 = arith.constant 0 : i32
    %select_n3A_145 = arith.select %or3A_142, %jit3A_143, %jit3A_144 : i32
    %add3A_146 = arith.addi %add3A_137, %select_n3A_145 : i32
    %gt3A_147 = arith.cmpf ogt, %squeeze3A_56, %squeeze3A : f32
    %eq3A_148 = arith.cmpf oeq, %squeeze3A_56, %squeeze3A : f32
    %and3A_149 = arith.constant false
    %and3A_150 = arith.andi %eq3A_148, %and3A_149 : i1
    %or3A_151 = arith.ori %gt3A_147, %and3A_150 : i1
    %jit3A_152 = arith.constant 1 : i32
    %jit3A_153 = arith.constant 0 : i32
    %select_n3A_154 = arith.select %or3A_151, %jit3A_152, %jit3A_153 : i32
    %add3A_155 = arith.addi %add3A_146, %select_n3A_154 : i32
    %gt3A_156 = arith.cmpf ogt, %squeeze3A_58, %squeeze3A : f32
    %eq3A_157 = arith.cmpf oeq, %squeeze3A_58, %squeeze3A : f32
    %and3A_158 = arith.constant false
    %and3A_159 = arith.andi %eq3A_157, %and3A_158 : i1
    %or3A_160 = arith.ori %gt3A_156, %and3A_159 : i1
    %jit3A_161 = arith.constant 1 : i32
    %jit3A_162 = arith.constant 0 : i32
    %select_n3A_163 = arith.select %or3A_160, %jit3A_161, %jit3A_162 : i32
    %add3A_164 = arith.addi %add3A_155, %select_n3A_163 : i32
    %gt3A_165 = arith.cmpf ogt, %squeeze3A_60, %squeeze3A : f32
    %eq3A_166 = arith.cmpf oeq, %squeeze3A_60, %squeeze3A : f32
    %and3A_167 = arith.constant false
    %and3A_168 = arith.andi %eq3A_166, %and3A_167 : i1
    %or3A_169 = arith.ori %gt3A_165, %and3A_168 : i1
    %jit3A_170 = arith.constant 1 : i32
    %jit3A_171 = arith.constant 0 : i32
    %select_n3A_172 = arith.select %or3A_169, %jit3A_170, %jit3A_171 : i32
    %add3A_173 = arith.addi %add3A_164, %select_n3A_172 : i32
    %gt3A_174 = arith.cmpf ogt, %squeeze3A_62, %squeeze3A : f32
    %eq3A_175 = arith.cmpf oeq, %squeeze3A_62, %squeeze3A : f32
    %and3A_176 = arith.constant false
    %and3A_177 = arith.andi %eq3A_175, %and3A_176 : i1
    %or3A_178 = arith.ori %gt3A_174, %and3A_177 : i1
    %jit3A_179 = arith.constant 1 : i32
    %jit3A_180 = arith.constant 0 : i32
    %select_n3A_181 = arith.select %or3A_178, %jit3A_179, %jit3A_180 : i32
    %add3A_182 = arith.addi %add3A_173, %select_n3A_181 : i32
    %gt3A_183 = arith.cmpf ogt, %squeeze3A_64, %squeeze3A : f32
    %eq3A_184 = arith.cmpf oeq, %squeeze3A_64, %squeeze3A : f32
    %and3A_185 = arith.constant false
    %and3A_186 = arith.andi %eq3A_184, %and3A_185 : i1
    %or3A_187 = arith.ori %gt3A_183, %and3A_186 : i1
    %jit3A_188 = arith.constant 1 : i32
    %jit3A_189 = arith.constant 0 : i32
    %select_n3A_190 = arith.select %or3A_187, %jit3A_188, %jit3A_189 : i32
    %add3A_191 = arith.addi %add3A_182, %select_n3A_190 : i32
    %gt3A_192 = arith.cmpf ogt, %squeeze3A_66, %squeeze3A : f32
    %eq3A_193 = arith.cmpf oeq, %squeeze3A_66, %squeeze3A : f32
    %and3A_194 = arith.constant false
    %and3A_195 = arith.andi %eq3A_193, %and3A_194 : i1
    %or3A_196 = arith.ori %gt3A_192, %and3A_195 : i1
    %jit3A_197 = arith.constant 1 : i32
    %jit3A_198 = arith.constant 0 : i32
    %select_n3A_199 = arith.select %or3A_196, %jit3A_197, %jit3A_198 : i32
    %add3A_200 = arith.addi %add3A_191, %select_n3A_199 : i32
    %gt3A_201 = arith.cmpf ogt, %squeeze3A, %squeeze3A_38 : f32
    %eq3A_202 = arith.cmpf oeq, %squeeze3A, %squeeze3A_38 : f32
    %and3A_203 = arith.constant true
    %and3A_204 = arith.andi %eq3A_202, %and3A_203 : i1
    %or3A_205 = arith.ori %gt3A_201, %and3A_204 : i1
    %jit3A_206 = arith.constant 1 : i32
    %jit3A_207 = arith.constant 0 : i32
    %select_n3A_208 = arith.select %or3A_205, %jit3A_206, %jit3A_207 : i32
    %add3A_209 = arith.constant 0 : i32
    %add3A_210 = arith.addi %add3A_209, %select_n3A_208 : i32
    %gt3A_211 = arith.cmpf ogt, %squeeze3A_40, %squeeze3A_38 : f32
    %eq3A_212 = arith.cmpf oeq, %squeeze3A_40, %squeeze3A_38 : f32
    %and3A_213 = arith.constant false
    %and3A_214 = arith.andi %eq3A_212, %and3A_213 : i1
    %or3A_215 = arith.ori %gt3A_211, %and3A_214 : i1
    %jit3A_216 = arith.constant 1 : i32
    %jit3A_217 = arith.constant 0 : i32
    %select_n3A_218 = arith.select %or3A_215, %jit3A_216, %jit3A_217 : i32
    %add3A_219 = arith.addi %add3A_210, %select_n3A_218 : i32
    %gt3A_220 = arith.cmpf ogt, %squeeze3A_42, %squeeze3A_38 : f32
    %eq3A_221 = arith.cmpf oeq, %squeeze3A_42, %squeeze3A_38 : f32
    %and3A_222 = arith.constant false
    %and3A_223 = arith.andi %eq3A_221, %and3A_222 : i1
    %or3A_224 = arith.ori %gt3A_220, %and3A_223 : i1
    %jit3A_225 = arith.constant 1 : i32
    %jit3A_226 = arith.constant 0 : i32
    %select_n3A_227 = arith.select %or3A_224, %jit3A_225, %jit3A_226 : i32
    %add3A_228 = arith.addi %add3A_219, %select_n3A_227 : i32
    %gt3A_229 = arith.cmpf ogt, %squeeze3A_44, %squeeze3A_38 : f32
    %eq3A_230 = arith.cmpf oeq, %squeeze3A_44, %squeeze3A_38 : f32
    %and3A_231 = arith.constant false
    %and3A_232 = arith.andi %eq3A_230, %and3A_231 : i1
    %or3A_233 = arith.ori %gt3A_229, %and3A_232 : i1
    %jit3A_234 = arith.constant 1 : i32
    %jit3A_235 = arith.constant 0 : i32
    %select_n3A_236 = arith.select %or3A_233, %jit3A_234, %jit3A_235 : i32
    %add3A_237 = arith.addi %add3A_228, %select_n3A_236 : i32
    %gt3A_238 = arith.cmpf ogt, %squeeze3A_46, %squeeze3A_38 : f32
    %eq3A_239 = arith.cmpf oeq, %squeeze3A_46, %squeeze3A_38 : f32
    %and3A_240 = arith.constant false
    %and3A_241 = arith.andi %eq3A_239, %and3A_240 : i1
    %or3A_242 = arith.ori %gt3A_238, %and3A_241 : i1
    %jit3A_243 = arith.constant 1 : i32
    %jit3A_244 = arith.constant 0 : i32
    %select_n3A_245 = arith.select %or3A_242, %jit3A_243, %jit3A_244 : i32
    %add3A_246 = arith.addi %add3A_237, %select_n3A_245 : i32
    %gt3A_247 = arith.cmpf ogt, %squeeze3A_48, %squeeze3A_38 : f32
    %eq3A_248 = arith.cmpf oeq, %squeeze3A_48, %squeeze3A_38 : f32
    %and3A_249 = arith.constant false
    %and3A_250 = arith.andi %eq3A_248, %and3A_249 : i1
    %or3A_251 = arith.ori %gt3A_247, %and3A_250 : i1
    %jit3A_252 = arith.constant 1 : i32
    %jit3A_253 = arith.constant 0 : i32
    %select_n3A_254 = arith.select %or3A_251, %jit3A_252, %jit3A_253 : i32
    %add3A_255 = arith.addi %add3A_246, %select_n3A_254 : i32
    %gt3A_256 = arith.cmpf ogt, %squeeze3A_50, %squeeze3A_38 : f32
    %eq3A_257 = arith.cmpf oeq, %squeeze3A_50, %squeeze3A_38 : f32
    %and3A_258 = arith.constant false
    %and3A_259 = arith.andi %eq3A_257, %and3A_258 : i1
    %or3A_260 = arith.ori %gt3A_256, %and3A_259 : i1
    %jit3A_261 = arith.constant 1 : i32
    %jit3A_262 = arith.constant 0 : i32
    %select_n3A_263 = arith.select %or3A_260, %jit3A_261, %jit3A_262 : i32
    %add3A_264 = arith.addi %add3A_255, %select_n3A_263 : i32
    %gt3A_265 = arith.cmpf ogt, %squeeze3A_52, %squeeze3A_38 : f32
    %eq3A_266 = arith.cmpf oeq, %squeeze3A_52, %squeeze3A_38 : f32
    %and3A_267 = arith.constant false
    %and3A_268 = arith.andi %eq3A_266, %and3A_267 : i1
    %or3A_269 = arith.ori %gt3A_265, %and3A_268 : i1
    %jit3A_270 = arith.constant 1 : i32
    %jit3A_271 = arith.constant 0 : i32
    %select_n3A_272 = arith.select %or3A_269, %jit3A_270, %jit3A_271 : i32
    %add3A_273 = arith.addi %add3A_264, %select_n3A_272 : i32
    %gt3A_274 = arith.cmpf ogt, %squeeze3A_54, %squeeze3A_38 : f32
    %eq3A_275 = arith.cmpf oeq, %squeeze3A_54, %squeeze3A_38 : f32
    %and3A_276 = arith.constant false
    %and3A_277 = arith.andi %eq3A_275, %and3A_276 : i1
    %or3A_278 = arith.ori %gt3A_274, %and3A_277 : i1
    %jit3A_279 = arith.constant 1 : i32
    %jit3A_280 = arith.constant 0 : i32
    %select_n3A_281 = arith.select %or3A_278, %jit3A_279, %jit3A_280 : i32
    %add3A_282 = arith.addi %add3A_273, %select_n3A_281 : i32
    %gt3A_283 = arith.cmpf ogt, %squeeze3A_56, %squeeze3A_38 : f32
    %eq3A_284 = arith.cmpf oeq, %squeeze3A_56, %squeeze3A_38 : f32
    %and3A_285 = arith.constant false
    %and3A_286 = arith.andi %eq3A_284, %and3A_285 : i1
    %or3A_287 = arith.ori %gt3A_283, %and3A_286 : i1
    %jit3A_288 = arith.constant 1 : i32
    %jit3A_289 = arith.constant 0 : i32
    %select_n3A_290 = arith.select %or3A_287, %jit3A_288, %jit3A_289 : i32
    %add3A_291 = arith.addi %add3A_282, %select_n3A_290 : i32
    %gt3A_292 = arith.cmpf ogt, %squeeze3A_58, %squeeze3A_38 : f32
    %eq3A_293 = arith.cmpf oeq, %squeeze3A_58, %squeeze3A_38 : f32
    %and3A_294 = arith.constant false
    %and3A_295 = arith.andi %eq3A_293, %and3A_294 : i1
    %or3A_296 = arith.ori %gt3A_292, %and3A_295 : i1
    %jit3A_297 = arith.constant 1 : i32
    %jit3A_298 = arith.constant 0 : i32
    %select_n3A_299 = arith.select %or3A_296, %jit3A_297, %jit3A_298 : i32
    %add3A_300 = arith.addi %add3A_291, %select_n3A_299 : i32
    %gt3A_301 = arith.cmpf ogt, %squeeze3A_60, %squeeze3A_38 : f32
    %eq3A_302 = arith.cmpf oeq, %squeeze3A_60, %squeeze3A_38 : f32
    %and3A_303 = arith.constant false
    %and3A_304 = arith.andi %eq3A_302, %and3A_303 : i1
    %or3A_305 = arith.ori %gt3A_301, %and3A_304 : i1
    %jit3A_306 = arith.constant 1 : i32
    %jit3A_307 = arith.constant 0 : i32
    %select_n3A_308 = arith.select %or3A_305, %jit3A_306, %jit3A_307 : i32
    %add3A_309 = arith.addi %add3A_300, %select_n3A_308 : i32
    %gt3A_310 = arith.cmpf ogt, %squeeze3A_62, %squeeze3A_38 : f32
    %eq3A_311 = arith.cmpf oeq, %squeeze3A_62, %squeeze3A_38 : f32
    %and3A_312 = arith.constant false
    %and3A_313 = arith.andi %eq3A_311, %and3A_312 : i1
    %or3A_314 = arith.ori %gt3A_310, %and3A_313 : i1
    %jit3A_315 = arith.constant 1 : i32
    %jit3A_316 = arith.constant 0 : i32
    %select_n3A_317 = arith.select %or3A_314, %jit3A_315, %jit3A_316 : i32
    %add3A_318 = arith.addi %add3A_309, %select_n3A_317 : i32
    %gt3A_319 = arith.cmpf ogt, %squeeze3A_64, %squeeze3A_38 : f32
    %eq3A_320 = arith.cmpf oeq, %squeeze3A_64, %squeeze3A_38 : f32
    %and3A_321 = arith.constant false
    %and3A_322 = arith.andi %eq3A_320, %and3A_321 : i1
    %or3A_323 = arith.ori %gt3A_319, %and3A_322 : i1
    %jit3A_324 = arith.constant 1 : i32
    %jit3A_325 = arith.constant 0 : i32
    %select_n3A_326 = arith.select %or3A_323, %jit3A_324, %jit3A_325 : i32
    %add3A_327 = arith.addi %add3A_318, %select_n3A_326 : i32
    %gt3A_328 = arith.cmpf ogt, %squeeze3A_66, %squeeze3A_38 : f32
    %eq3A_329 = arith.cmpf oeq, %squeeze3A_66, %squeeze3A_38 : f32
    %and3A_330 = arith.constant false
    %and3A_331 = arith.andi %eq3A_329, %and3A_330 : i1
    %or3A_332 = arith.ori %gt3A_328, %and3A_331 : i1
    %jit3A_333 = arith.constant 1 : i32
    %jit3A_334 = arith.constant 0 : i32
    %select_n3A_335 = arith.select %or3A_332, %jit3A_333, %jit3A_334 : i32
    %add3A_336 = arith.addi %add3A_327, %select_n3A_335 : i32
    %gt3A_337 = arith.cmpf ogt, %squeeze3A, %squeeze3A_40 : f32
    %eq3A_338 = arith.cmpf oeq, %squeeze3A, %squeeze3A_40 : f32
    %and3A_339 = arith.constant true
    %and3A_340 = arith.andi %eq3A_338, %and3A_339 : i1
    %or3A_341 = arith.ori %gt3A_337, %and3A_340 : i1
    %jit3A_342 = arith.constant 1 : i32
    %jit3A_343 = arith.constant 0 : i32
    %select_n3A_344 = arith.select %or3A_341, %jit3A_342, %jit3A_343 : i32
    %add3A_345 = arith.constant 0 : i32
    %add3A_346 = arith.addi %add3A_345, %select_n3A_344 : i32
    %gt3A_347 = arith.cmpf ogt, %squeeze3A_38, %squeeze3A_40 : f32
    %eq3A_348 = arith.cmpf oeq, %squeeze3A_38, %squeeze3A_40 : f32
    %and3A_349 = arith.constant true
    %and3A_350 = arith.andi %eq3A_348, %and3A_349 : i1
    %or3A_351 = arith.ori %gt3A_347, %and3A_350 : i1
    %jit3A_352 = arith.constant 1 : i32
    %jit3A_353 = arith.constant 0 : i32
    %select_n3A_354 = arith.select %or3A_351, %jit3A_352, %jit3A_353 : i32
    %add3A_355 = arith.addi %add3A_346, %select_n3A_354 : i32
    %gt3A_356 = arith.cmpf ogt, %squeeze3A_42, %squeeze3A_40 : f32
    %eq3A_357 = arith.cmpf oeq, %squeeze3A_42, %squeeze3A_40 : f32
    %and3A_358 = arith.constant false
    %and3A_359 = arith.andi %eq3A_357, %and3A_358 : i1
    %or3A_360 = arith.ori %gt3A_356, %and3A_359 : i1
    %jit3A_361 = arith.constant 1 : i32
    %jit3A_362 = arith.constant 0 : i32
    %select_n3A_363 = arith.select %or3A_360, %jit3A_361, %jit3A_362 : i32
    %add3A_364 = arith.addi %add3A_355, %select_n3A_363 : i32
    %gt3A_365 = arith.cmpf ogt, %squeeze3A_44, %squeeze3A_40 : f32
    %eq3A_366 = arith.cmpf oeq, %squeeze3A_44, %squeeze3A_40 : f32
    %and3A_367 = arith.constant false
    %and3A_368 = arith.andi %eq3A_366, %and3A_367 : i1
    %or3A_369 = arith.ori %gt3A_365, %and3A_368 : i1
    %jit3A_370 = arith.constant 1 : i32
    %jit3A_371 = arith.constant 0 : i32
    %select_n3A_372 = arith.select %or3A_369, %jit3A_370, %jit3A_371 : i32
    %add3A_373 = arith.addi %add3A_364, %select_n3A_372 : i32
    %gt3A_374 = arith.cmpf ogt, %squeeze3A_46, %squeeze3A_40 : f32
    %eq3A_375 = arith.cmpf oeq, %squeeze3A_46, %squeeze3A_40 : f32
    %and3A_376 = arith.constant false
    %and3A_377 = arith.andi %eq3A_375, %and3A_376 : i1
    %or3A_378 = arith.ori %gt3A_374, %and3A_377 : i1
    %jit3A_379 = arith.constant 1 : i32
    %jit3A_380 = arith.constant 0 : i32
    %select_n3A_381 = arith.select %or3A_378, %jit3A_379, %jit3A_380 : i32
    %add3A_382 = arith.addi %add3A_373, %select_n3A_381 : i32
    %gt3A_383 = arith.cmpf ogt, %squeeze3A_48, %squeeze3A_40 : f32
    %eq3A_384 = arith.cmpf oeq, %squeeze3A_48, %squeeze3A_40 : f32
    %and3A_385 = arith.constant false
    %and3A_386 = arith.andi %eq3A_384, %and3A_385 : i1
    %or3A_387 = arith.ori %gt3A_383, %and3A_386 : i1
    %jit3A_388 = arith.constant 1 : i32
    %jit3A_389 = arith.constant 0 : i32
    %select_n3A_390 = arith.select %or3A_387, %jit3A_388, %jit3A_389 : i32
    %add3A_391 = arith.addi %add3A_382, %select_n3A_390 : i32
    %gt3A_392 = arith.cmpf ogt, %squeeze3A_50, %squeeze3A_40 : f32
    %eq3A_393 = arith.cmpf oeq, %squeeze3A_50, %squeeze3A_40 : f32
    %and3A_394 = arith.constant false
    %and3A_395 = arith.andi %eq3A_393, %and3A_394 : i1
    %or3A_396 = arith.ori %gt3A_392, %and3A_395 : i1
    %jit3A_397 = arith.constant 1 : i32
    %jit3A_398 = arith.constant 0 : i32
    %select_n3A_399 = arith.select %or3A_396, %jit3A_397, %jit3A_398 : i32
    %add3A_400 = arith.addi %add3A_391, %select_n3A_399 : i32
    %gt3A_401 = arith.cmpf ogt, %squeeze3A_52, %squeeze3A_40 : f32
    %eq3A_402 = arith.cmpf oeq, %squeeze3A_52, %squeeze3A_40 : f32
    %and3A_403 = arith.constant false
    %and3A_404 = arith.andi %eq3A_402, %and3A_403 : i1
    %or3A_405 = arith.ori %gt3A_401, %and3A_404 : i1
    %jit3A_406 = arith.constant 1 : i32
    %jit3A_407 = arith.constant 0 : i32
    %select_n3A_408 = arith.select %or3A_405, %jit3A_406, %jit3A_407 : i32
    %add3A_409 = arith.addi %add3A_400, %select_n3A_408 : i32
    %gt3A_410 = arith.cmpf ogt, %squeeze3A_54, %squeeze3A_40 : f32
    %eq3A_411 = arith.cmpf oeq, %squeeze3A_54, %squeeze3A_40 : f32
    %and3A_412 = arith.constant false
    %and3A_413 = arith.andi %eq3A_411, %and3A_412 : i1
    %or3A_414 = arith.ori %gt3A_410, %and3A_413 : i1
    %jit3A_415 = arith.constant 1 : i32
    %jit3A_416 = arith.constant 0 : i32
    %select_n3A_417 = arith.select %or3A_414, %jit3A_415, %jit3A_416 : i32
    %add3A_418 = arith.addi %add3A_409, %select_n3A_417 : i32
    %gt3A_419 = arith.cmpf ogt, %squeeze3A_56, %squeeze3A_40 : f32
    %eq3A_420 = arith.cmpf oeq, %squeeze3A_56, %squeeze3A_40 : f32
    %and3A_421 = arith.constant false
    %and3A_422 = arith.andi %eq3A_420, %and3A_421 : i1
    %or3A_423 = arith.ori %gt3A_419, %and3A_422 : i1
    %jit3A_424 = arith.constant 1 : i32
    %jit3A_425 = arith.constant 0 : i32
    %select_n3A_426 = arith.select %or3A_423, %jit3A_424, %jit3A_425 : i32
    %add3A_427 = arith.addi %add3A_418, %select_n3A_426 : i32
    %gt3A_428 = arith.cmpf ogt, %squeeze3A_58, %squeeze3A_40 : f32
    %eq3A_429 = arith.cmpf oeq, %squeeze3A_58, %squeeze3A_40 : f32
    %and3A_430 = arith.constant false
    %and3A_431 = arith.andi %eq3A_429, %and3A_430 : i1
    %or3A_432 = arith.ori %gt3A_428, %and3A_431 : i1
    %jit3A_433 = arith.constant 1 : i32
    %jit3A_434 = arith.constant 0 : i32
    %select_n3A_435 = arith.select %or3A_432, %jit3A_433, %jit3A_434 : i32
    %add3A_436 = arith.addi %add3A_427, %select_n3A_435 : i32
    %gt3A_437 = arith.cmpf ogt, %squeeze3A_60, %squeeze3A_40 : f32
    %eq3A_438 = arith.cmpf oeq, %squeeze3A_60, %squeeze3A_40 : f32
    %and3A_439 = arith.constant false
    %and3A_440 = arith.andi %eq3A_438, %and3A_439 : i1
    %or3A_441 = arith.ori %gt3A_437, %and3A_440 : i1
    %jit3A_442 = arith.constant 1 : i32
    %jit3A_443 = arith.constant 0 : i32
    %select_n3A_444 = arith.select %or3A_441, %jit3A_442, %jit3A_443 : i32
    %add3A_445 = arith.addi %add3A_436, %select_n3A_444 : i32
    %gt3A_446 = arith.cmpf ogt, %squeeze3A_62, %squeeze3A_40 : f32
    %eq3A_447 = arith.cmpf oeq, %squeeze3A_62, %squeeze3A_40 : f32
    %and3A_448 = arith.constant false
    %and3A_449 = arith.andi %eq3A_447, %and3A_448 : i1
    %or3A_450 = arith.ori %gt3A_446, %and3A_449 : i1
    %jit3A_451 = arith.constant 1 : i32
    %jit3A_452 = arith.constant 0 : i32
    %select_n3A_453 = arith.select %or3A_450, %jit3A_451, %jit3A_452 : i32
    %add3A_454 = arith.addi %add3A_445, %select_n3A_453 : i32
    %gt3A_455 = arith.cmpf ogt, %squeeze3A_64, %squeeze3A_40 : f32
    %eq3A_456 = arith.cmpf oeq, %squeeze3A_64, %squeeze3A_40 : f32
    %and3A_457 = arith.constant false
    %and3A_458 = arith.andi %eq3A_456, %and3A_457 : i1
    %or3A_459 = arith.ori %gt3A_455, %and3A_458 : i1
    %jit3A_460 = arith.constant 1 : i32
    %jit3A_461 = arith.constant 0 : i32
    %select_n3A_462 = arith.select %or3A_459, %jit3A_460, %jit3A_461 : i32
    %add3A_463 = arith.addi %add3A_454, %select_n3A_462 : i32
    %gt3A_464 = arith.cmpf ogt, %squeeze3A_66, %squeeze3A_40 : f32
    %eq3A_465 = arith.cmpf oeq, %squeeze3A_66, %squeeze3A_40 : f32
    %and3A_466 = arith.constant false
    %and3A_467 = arith.andi %eq3A_465, %and3A_466 : i1
    %or3A_468 = arith.ori %gt3A_464, %and3A_467 : i1
    %jit3A_469 = arith.constant 1 : i32
    %jit3A_470 = arith.constant 0 : i32
    %select_n3A_471 = arith.select %or3A_468, %jit3A_469, %jit3A_470 : i32
    %add3A_472 = arith.addi %add3A_463, %select_n3A_471 : i32
    %gt3A_473 = arith.cmpf ogt, %squeeze3A, %squeeze3A_42 : f32
    %eq3A_474 = arith.cmpf oeq, %squeeze3A, %squeeze3A_42 : f32
    %and3A_475 = arith.constant true
    %and3A_476 = arith.andi %eq3A_474, %and3A_475 : i1
    %or3A_477 = arith.ori %gt3A_473, %and3A_476 : i1
    %jit3A_478 = arith.constant 1 : i32
    %jit3A_479 = arith.constant 0 : i32
    %select_n3A_480 = arith.select %or3A_477, %jit3A_478, %jit3A_479 : i32
    %add3A_481 = arith.constant 0 : i32
    %add3A_482 = arith.addi %add3A_481, %select_n3A_480 : i32
    %gt3A_483 = arith.cmpf ogt, %squeeze3A_38, %squeeze3A_42 : f32
    %eq3A_484 = arith.cmpf oeq, %squeeze3A_38, %squeeze3A_42 : f32
    %and3A_485 = arith.constant true
    %and3A_486 = arith.andi %eq3A_484, %and3A_485 : i1
    %or3A_487 = arith.ori %gt3A_483, %and3A_486 : i1
    %jit3A_488 = arith.constant 1 : i32
    %jit3A_489 = arith.constant 0 : i32
    %select_n3A_490 = arith.select %or3A_487, %jit3A_488, %jit3A_489 : i32
    %add3A_491 = arith.addi %add3A_482, %select_n3A_490 : i32
    %gt3A_492 = arith.cmpf ogt, %squeeze3A_40, %squeeze3A_42 : f32
    %eq3A_493 = arith.cmpf oeq, %squeeze3A_40, %squeeze3A_42 : f32
    %and3A_494 = arith.constant true
    %and3A_495 = arith.andi %eq3A_493, %and3A_494 : i1
    %or3A_496 = arith.ori %gt3A_492, %and3A_495 : i1
    %jit3A_497 = arith.constant 1 : i32
    %jit3A_498 = arith.constant 0 : i32
    %select_n3A_499 = arith.select %or3A_496, %jit3A_497, %jit3A_498 : i32
    %add3A_500 = arith.addi %add3A_491, %select_n3A_499 : i32
    %gt3A_501 = arith.cmpf ogt, %squeeze3A_44, %squeeze3A_42 : f32
    %eq3A_502 = arith.cmpf oeq, %squeeze3A_44, %squeeze3A_42 : f32
    %and3A_503 = arith.constant false
    %and3A_504 = arith.andi %eq3A_502, %and3A_503 : i1
    %or3A_505 = arith.ori %gt3A_501, %and3A_504 : i1
    %jit3A_506 = arith.constant 1 : i32
    %jit3A_507 = arith.constant 0 : i32
    %select_n3A_508 = arith.select %or3A_505, %jit3A_506, %jit3A_507 : i32
    %add3A_509 = arith.addi %add3A_500, %select_n3A_508 : i32
    %gt3A_510 = arith.cmpf ogt, %squeeze3A_46, %squeeze3A_42 : f32
    %eq3A_511 = arith.cmpf oeq, %squeeze3A_46, %squeeze3A_42 : f32
    %and3A_512 = arith.constant false
    %and3A_513 = arith.andi %eq3A_511, %and3A_512 : i1
    %or3A_514 = arith.ori %gt3A_510, %and3A_513 : i1
    %jit3A_515 = arith.constant 1 : i32
    %jit3A_516 = arith.constant 0 : i32
    %select_n3A_517 = arith.select %or3A_514, %jit3A_515, %jit3A_516 : i32
    %add3A_518 = arith.addi %add3A_509, %select_n3A_517 : i32
    %gt3A_519 = arith.cmpf ogt, %squeeze3A_48, %squeeze3A_42 : f32
    %eq3A_520 = arith.cmpf oeq, %squeeze3A_48, %squeeze3A_42 : f32
    %and3A_521 = arith.constant false
    %and3A_522 = arith.andi %eq3A_520, %and3A_521 : i1
    %or3A_523 = arith.ori %gt3A_519, %and3A_522 : i1
    %jit3A_524 = arith.constant 1 : i32
    %jit3A_525 = arith.constant 0 : i32
    %select_n3A_526 = arith.select %or3A_523, %jit3A_524, %jit3A_525 : i32
    %add3A_527 = arith.addi %add3A_518, %select_n3A_526 : i32
    %gt3A_528 = arith.cmpf ogt, %squeeze3A_50, %squeeze3A_42 : f32
    %eq3A_529 = arith.cmpf oeq, %squeeze3A_50, %squeeze3A_42 : f32
    %and3A_530 = arith.constant false
    %and3A_531 = arith.andi %eq3A_529, %and3A_530 : i1
    %or3A_532 = arith.ori %gt3A_528, %and3A_531 : i1
    %jit3A_533 = arith.constant 1 : i32
    %jit3A_534 = arith.constant 0 : i32
    %select_n3A_535 = arith.select %or3A_532, %jit3A_533, %jit3A_534 : i32
    %add3A_536 = arith.addi %add3A_527, %select_n3A_535 : i32
    %gt3A_537 = arith.cmpf ogt, %squeeze3A_52, %squeeze3A_42 : f32
    %eq3A_538 = arith.cmpf oeq, %squeeze3A_52, %squeeze3A_42 : f32
    %and3A_539 = arith.constant false
    %and3A_540 = arith.andi %eq3A_538, %and3A_539 : i1
    %or3A_541 = arith.ori %gt3A_537, %and3A_540 : i1
    %jit3A_542 = arith.constant 1 : i32
    %jit3A_543 = arith.constant 0 : i32
    %select_n3A_544 = arith.select %or3A_541, %jit3A_542, %jit3A_543 : i32
    %add3A_545 = arith.addi %add3A_536, %select_n3A_544 : i32
    %gt3A_546 = arith.cmpf ogt, %squeeze3A_54, %squeeze3A_42 : f32
    %eq3A_547 = arith.cmpf oeq, %squeeze3A_54, %squeeze3A_42 : f32
    %and3A_548 = arith.constant false
    %and3A_549 = arith.andi %eq3A_547, %and3A_548 : i1
    %or3A_550 = arith.ori %gt3A_546, %and3A_549 : i1
    %jit3A_551 = arith.constant 1 : i32
    %jit3A_552 = arith.constant 0 : i32
    %select_n3A_553 = arith.select %or3A_550, %jit3A_551, %jit3A_552 : i32
    %add3A_554 = arith.addi %add3A_545, %select_n3A_553 : i32
    %gt3A_555 = arith.cmpf ogt, %squeeze3A_56, %squeeze3A_42 : f32
    %eq3A_556 = arith.cmpf oeq, %squeeze3A_56, %squeeze3A_42 : f32
    %and3A_557 = arith.constant false
    %and3A_558 = arith.andi %eq3A_556, %and3A_557 : i1
    %or3A_559 = arith.ori %gt3A_555, %and3A_558 : i1
    %jit3A_560 = arith.constant 1 : i32
    %jit3A_561 = arith.constant 0 : i32
    %select_n3A_562 = arith.select %or3A_559, %jit3A_560, %jit3A_561 : i32
    %add3A_563 = arith.addi %add3A_554, %select_n3A_562 : i32
    %gt3A_564 = arith.cmpf ogt, %squeeze3A_58, %squeeze3A_42 : f32
    %eq3A_565 = arith.cmpf oeq, %squeeze3A_58, %squeeze3A_42 : f32
    %and3A_566 = arith.constant false
    %and3A_567 = arith.andi %eq3A_565, %and3A_566 : i1
    %or3A_568 = arith.ori %gt3A_564, %and3A_567 : i1
    %jit3A_569 = arith.constant 1 : i32
    %jit3A_570 = arith.constant 0 : i32
    %select_n3A_571 = arith.select %or3A_568, %jit3A_569, %jit3A_570 : i32
    %add3A_572 = arith.addi %add3A_563, %select_n3A_571 : i32
    %gt3A_573 = arith.cmpf ogt, %squeeze3A_60, %squeeze3A_42 : f32
    %eq3A_574 = arith.cmpf oeq, %squeeze3A_60, %squeeze3A_42 : f32
    %and3A_575 = arith.constant false
    %and3A_576 = arith.andi %eq3A_574, %and3A_575 : i1
    %or3A_577 = arith.ori %gt3A_573, %and3A_576 : i1
    %jit3A_578 = arith.constant 1 : i32
    %jit3A_579 = arith.constant 0 : i32
    %select_n3A_580 = arith.select %or3A_577, %jit3A_578, %jit3A_579 : i32
    %add3A_581 = arith.addi %add3A_572, %select_n3A_580 : i32
    %gt3A_582 = arith.cmpf ogt, %squeeze3A_62, %squeeze3A_42 : f32
    %eq3A_583 = arith.cmpf oeq, %squeeze3A_62, %squeeze3A_42 : f32
    %and3A_584 = arith.constant false
    %and3A_585 = arith.andi %eq3A_583, %and3A_584 : i1
    %or3A_586 = arith.ori %gt3A_582, %and3A_585 : i1
    %jit3A_587 = arith.constant 1 : i32
    %jit3A_588 = arith.constant 0 : i32
    %select_n3A_589 = arith.select %or3A_586, %jit3A_587, %jit3A_588 : i32
    %add3A_590 = arith.addi %add3A_581, %select_n3A_589 : i32
    %gt3A_591 = arith.cmpf ogt, %squeeze3A_64, %squeeze3A_42 : f32
    %eq3A_592 = arith.cmpf oeq, %squeeze3A_64, %squeeze3A_42 : f32
    %and3A_593 = arith.constant false
    %and3A_594 = arith.andi %eq3A_592, %and3A_593 : i1
    %or3A_595 = arith.ori %gt3A_591, %and3A_594 : i1
    %jit3A_596 = arith.constant 1 : i32
    %jit3A_597 = arith.constant 0 : i32
    %select_n3A_598 = arith.select %or3A_595, %jit3A_596, %jit3A_597 : i32
    %add3A_599 = arith.addi %add3A_590, %select_n3A_598 : i32
    %gt3A_600 = arith.cmpf ogt, %squeeze3A_66, %squeeze3A_42 : f32
    %eq3A_601 = arith.cmpf oeq, %squeeze3A_66, %squeeze3A_42 : f32
    %and3A_602 = arith.constant false
    %and3A_603 = arith.andi %eq3A_601, %and3A_602 : i1
    %or3A_604 = arith.ori %gt3A_600, %and3A_603 : i1
    %jit3A_605 = arith.constant 1 : i32
    %jit3A_606 = arith.constant 0 : i32
    %select_n3A_607 = arith.select %or3A_604, %jit3A_605, %jit3A_606 : i32
    %add3A_608 = arith.addi %add3A_599, %select_n3A_607 : i32
    %gt3A_609 = arith.cmpf ogt, %squeeze3A, %squeeze3A_44 : f32
    %eq3A_610 = arith.cmpf oeq, %squeeze3A, %squeeze3A_44 : f32
    %and3A_611 = arith.constant true
    %and3A_612 = arith.andi %eq3A_610, %and3A_611 : i1
    %or3A_613 = arith.ori %gt3A_609, %and3A_612 : i1
    %jit3A_614 = arith.constant 1 : i32
    %jit3A_615 = arith.constant 0 : i32
    %select_n3A_616 = arith.select %or3A_613, %jit3A_614, %jit3A_615 : i32
    %add3A_617 = arith.constant 0 : i32
    %add3A_618 = arith.addi %add3A_617, %select_n3A_616 : i32
    %gt3A_619 = arith.cmpf ogt, %squeeze3A_38, %squeeze3A_44 : f32
    %eq3A_620 = arith.cmpf oeq, %squeeze3A_38, %squeeze3A_44 : f32
    %and3A_621 = arith.constant true
    %and3A_622 = arith.andi %eq3A_620, %and3A_621 : i1
    %or3A_623 = arith.ori %gt3A_619, %and3A_622 : i1
    %jit3A_624 = arith.constant 1 : i32
    %jit3A_625 = arith.constant 0 : i32
    %select_n3A_626 = arith.select %or3A_623, %jit3A_624, %jit3A_625 : i32
    %add3A_627 = arith.addi %add3A_618, %select_n3A_626 : i32
    %gt3A_628 = arith.cmpf ogt, %squeeze3A_40, %squeeze3A_44 : f32
    %eq3A_629 = arith.cmpf oeq, %squeeze3A_40, %squeeze3A_44 : f32
    %and3A_630 = arith.constant true
    %and3A_631 = arith.andi %eq3A_629, %and3A_630 : i1
    %or3A_632 = arith.ori %gt3A_628, %and3A_631 : i1
    %jit3A_633 = arith.constant 1 : i32
    %jit3A_634 = arith.constant 0 : i32
    %select_n3A_635 = arith.select %or3A_632, %jit3A_633, %jit3A_634 : i32
    %add3A_636 = arith.addi %add3A_627, %select_n3A_635 : i32
    %gt3A_637 = arith.cmpf ogt, %squeeze3A_42, %squeeze3A_44 : f32
    %eq3A_638 = arith.cmpf oeq, %squeeze3A_42, %squeeze3A_44 : f32
    %and3A_639 = arith.constant true
    %and3A_640 = arith.andi %eq3A_638, %and3A_639 : i1
    %or3A_641 = arith.ori %gt3A_637, %and3A_640 : i1
    %jit3A_642 = arith.constant 1 : i32
    %jit3A_643 = arith.constant 0 : i32
    %select_n3A_644 = arith.select %or3A_641, %jit3A_642, %jit3A_643 : i32
    %add3A_645 = arith.addi %add3A_636, %select_n3A_644 : i32
    %gt3A_646 = arith.cmpf ogt, %squeeze3A_46, %squeeze3A_44 : f32
    %eq3A_647 = arith.cmpf oeq, %squeeze3A_46, %squeeze3A_44 : f32
    %and3A_648 = arith.constant false
    %and3A_649 = arith.andi %eq3A_647, %and3A_648 : i1
    %or3A_650 = arith.ori %gt3A_646, %and3A_649 : i1
    %jit3A_651 = arith.constant 1 : i32
    %jit3A_652 = arith.constant 0 : i32
    %select_n3A_653 = arith.select %or3A_650, %jit3A_651, %jit3A_652 : i32
    %add3A_654 = arith.addi %add3A_645, %select_n3A_653 : i32
    %gt3A_655 = arith.cmpf ogt, %squeeze3A_48, %squeeze3A_44 : f32
    %eq3A_656 = arith.cmpf oeq, %squeeze3A_48, %squeeze3A_44 : f32
    %and3A_657 = arith.constant false
    %and3A_658 = arith.andi %eq3A_656, %and3A_657 : i1
    %or3A_659 = arith.ori %gt3A_655, %and3A_658 : i1
    %jit3A_660 = arith.constant 1 : i32
    %jit3A_661 = arith.constant 0 : i32
    %select_n3A_662 = arith.select %or3A_659, %jit3A_660, %jit3A_661 : i32
    %add3A_663 = arith.addi %add3A_654, %select_n3A_662 : i32
    %gt3A_664 = arith.cmpf ogt, %squeeze3A_50, %squeeze3A_44 : f32
    %eq3A_665 = arith.cmpf oeq, %squeeze3A_50, %squeeze3A_44 : f32
    %and3A_666 = arith.constant false
    %and3A_667 = arith.andi %eq3A_665, %and3A_666 : i1
    %or3A_668 = arith.ori %gt3A_664, %and3A_667 : i1
    %jit3A_669 = arith.constant 1 : i32
    %jit3A_670 = arith.constant 0 : i32
    %select_n3A_671 = arith.select %or3A_668, %jit3A_669, %jit3A_670 : i32
    %add3A_672 = arith.addi %add3A_663, %select_n3A_671 : i32
    %gt3A_673 = arith.cmpf ogt, %squeeze3A_52, %squeeze3A_44 : f32
    %eq3A_674 = arith.cmpf oeq, %squeeze3A_52, %squeeze3A_44 : f32
    %and3A_675 = arith.constant false
    %and3A_676 = arith.andi %eq3A_674, %and3A_675 : i1
    %or3A_677 = arith.ori %gt3A_673, %and3A_676 : i1
    %jit3A_678 = arith.constant 1 : i32
    %jit3A_679 = arith.constant 0 : i32
    %select_n3A_680 = arith.select %or3A_677, %jit3A_678, %jit3A_679 : i32
    %add3A_681 = arith.addi %add3A_672, %select_n3A_680 : i32
    %gt3A_682 = arith.cmpf ogt, %squeeze3A_54, %squeeze3A_44 : f32
    %eq3A_683 = arith.cmpf oeq, %squeeze3A_54, %squeeze3A_44 : f32
    %and3A_684 = arith.constant false
    %and3A_685 = arith.andi %eq3A_683, %and3A_684 : i1
    %or3A_686 = arith.ori %gt3A_682, %and3A_685 : i1
    %jit3A_687 = arith.constant 1 : i32
    %jit3A_688 = arith.constant 0 : i32
    %select_n3A_689 = arith.select %or3A_686, %jit3A_687, %jit3A_688 : i32
    %add3A_690 = arith.addi %add3A_681, %select_n3A_689 : i32
    %gt3A_691 = arith.cmpf ogt, %squeeze3A_56, %squeeze3A_44 : f32
    %eq3A_692 = arith.cmpf oeq, %squeeze3A_56, %squeeze3A_44 : f32
    %and3A_693 = arith.constant false
    %and3A_694 = arith.andi %eq3A_692, %and3A_693 : i1
    %or3A_695 = arith.ori %gt3A_691, %and3A_694 : i1
    %jit3A_696 = arith.constant 1 : i32
    %jit3A_697 = arith.constant 0 : i32
    %select_n3A_698 = arith.select %or3A_695, %jit3A_696, %jit3A_697 : i32
    %add3A_699 = arith.addi %add3A_690, %select_n3A_698 : i32
    %gt3A_700 = arith.cmpf ogt, %squeeze3A_58, %squeeze3A_44 : f32
    %eq3A_701 = arith.cmpf oeq, %squeeze3A_58, %squeeze3A_44 : f32
    %and3A_702 = arith.constant false
    %and3A_703 = arith.andi %eq3A_701, %and3A_702 : i1
    %or3A_704 = arith.ori %gt3A_700, %and3A_703 : i1
    %jit3A_705 = arith.constant 1 : i32
    %jit3A_706 = arith.constant 0 : i32
    %select_n3A_707 = arith.select %or3A_704, %jit3A_705, %jit3A_706 : i32
    %add3A_708 = arith.addi %add3A_699, %select_n3A_707 : i32
    %gt3A_709 = arith.cmpf ogt, %squeeze3A_60, %squeeze3A_44 : f32
    %eq3A_710 = arith.cmpf oeq, %squeeze3A_60, %squeeze3A_44 : f32
    %and3A_711 = arith.constant false
    %and3A_712 = arith.andi %eq3A_710, %and3A_711 : i1
    %or3A_713 = arith.ori %gt3A_709, %and3A_712 : i1
    %jit3A_714 = arith.constant 1 : i32
    %jit3A_715 = arith.constant 0 : i32
    %select_n3A_716 = arith.select %or3A_713, %jit3A_714, %jit3A_715 : i32
    %add3A_717 = arith.addi %add3A_708, %select_n3A_716 : i32
    %gt3A_718 = arith.cmpf ogt, %squeeze3A_62, %squeeze3A_44 : f32
    %eq3A_719 = arith.cmpf oeq, %squeeze3A_62, %squeeze3A_44 : f32
    %and3A_720 = arith.constant false
    %and3A_721 = arith.andi %eq3A_719, %and3A_720 : i1
    %or3A_722 = arith.ori %gt3A_718, %and3A_721 : i1
    %jit3A_723 = arith.constant 1 : i32
    %jit3A_724 = arith.constant 0 : i32
    %select_n3A_725 = arith.select %or3A_722, %jit3A_723, %jit3A_724 : i32
    %add3A_726 = arith.addi %add3A_717, %select_n3A_725 : i32
    %gt3A_727 = arith.cmpf ogt, %squeeze3A_64, %squeeze3A_44 : f32
    %eq3A_728 = arith.cmpf oeq, %squeeze3A_64, %squeeze3A_44 : f32
    %and3A_729 = arith.constant false
    %and3A_730 = arith.andi %eq3A_728, %and3A_729 : i1
    %or3A_731 = arith.ori %gt3A_727, %and3A_730 : i1
    %jit3A_732 = arith.constant 1 : i32
    %jit3A_733 = arith.constant 0 : i32
    %select_n3A_734 = arith.select %or3A_731, %jit3A_732, %jit3A_733 : i32
    %add3A_735 = arith.addi %add3A_726, %select_n3A_734 : i32
    %gt3A_736 = arith.cmpf ogt, %squeeze3A_66, %squeeze3A_44 : f32
    %eq3A_737 = arith.cmpf oeq, %squeeze3A_66, %squeeze3A_44 : f32
    %and3A_738 = arith.constant false
    %and3A_739 = arith.andi %eq3A_737, %and3A_738 : i1
    %or3A_740 = arith.ori %gt3A_736, %and3A_739 : i1
    %jit3A_741 = arith.constant 1 : i32
    %jit3A_742 = arith.constant 0 : i32
    %select_n3A_743 = arith.select %or3A_740, %jit3A_741, %jit3A_742 : i32
    %add3A_744 = arith.addi %add3A_735, %select_n3A_743 : i32
    %gt3A_745 = arith.cmpf ogt, %squeeze3A, %squeeze3A_46 : f32
    %eq3A_746 = arith.cmpf oeq, %squeeze3A, %squeeze3A_46 : f32
    %and3A_747 = arith.constant true
    %and3A_748 = arith.andi %eq3A_746, %and3A_747 : i1
    %or3A_749 = arith.ori %gt3A_745, %and3A_748 : i1
    %jit3A_750 = arith.constant 1 : i32
    %jit3A_751 = arith.constant 0 : i32
    %select_n3A_752 = arith.select %or3A_749, %jit3A_750, %jit3A_751 : i32
    %add3A_753 = arith.constant 0 : i32
    %add3A_754 = arith.addi %add3A_753, %select_n3A_752 : i32
    %gt3A_755 = arith.cmpf ogt, %squeeze3A_38, %squeeze3A_46 : f32
    %eq3A_756 = arith.cmpf oeq, %squeeze3A_38, %squeeze3A_46 : f32
    %and3A_757 = arith.constant true
    %and3A_758 = arith.andi %eq3A_756, %and3A_757 : i1
    %or3A_759 = arith.ori %gt3A_755, %and3A_758 : i1
    %jit3A_760 = arith.constant 1 : i32
    %jit3A_761 = arith.constant 0 : i32
    %select_n3A_762 = arith.select %or3A_759, %jit3A_760, %jit3A_761 : i32
    %add3A_763 = arith.addi %add3A_754, %select_n3A_762 : i32
    %gt3A_764 = arith.cmpf ogt, %squeeze3A_40, %squeeze3A_46 : f32
    %eq3A_765 = arith.cmpf oeq, %squeeze3A_40, %squeeze3A_46 : f32
    %and3A_766 = arith.constant true
    %and3A_767 = arith.andi %eq3A_765, %and3A_766 : i1
    %or3A_768 = arith.ori %gt3A_764, %and3A_767 : i1
    %jit3A_769 = arith.constant 1 : i32
    %jit3A_770 = arith.constant 0 : i32
    %select_n3A_771 = arith.select %or3A_768, %jit3A_769, %jit3A_770 : i32
    %add3A_772 = arith.addi %add3A_763, %select_n3A_771 : i32
    %gt3A_773 = arith.cmpf ogt, %squeeze3A_42, %squeeze3A_46 : f32
    %eq3A_774 = arith.cmpf oeq, %squeeze3A_42, %squeeze3A_46 : f32
    %and3A_775 = arith.constant true
    %and3A_776 = arith.andi %eq3A_774, %and3A_775 : i1
    %or3A_777 = arith.ori %gt3A_773, %and3A_776 : i1
    %jit3A_778 = arith.constant 1 : i32
    %jit3A_779 = arith.constant 0 : i32
    %select_n3A_780 = arith.select %or3A_777, %jit3A_778, %jit3A_779 : i32
    %add3A_781 = arith.addi %add3A_772, %select_n3A_780 : i32
    %gt3A_782 = arith.cmpf ogt, %squeeze3A_44, %squeeze3A_46 : f32
    %eq3A_783 = arith.cmpf oeq, %squeeze3A_44, %squeeze3A_46 : f32
    %and3A_784 = arith.constant true
    %and3A_785 = arith.andi %eq3A_783, %and3A_784 : i1
    %or3A_786 = arith.ori %gt3A_782, %and3A_785 : i1
    %jit3A_787 = arith.constant 1 : i32
    %jit3A_788 = arith.constant 0 : i32
    %select_n3A_789 = arith.select %or3A_786, %jit3A_787, %jit3A_788 : i32
    %add3A_790 = arith.addi %add3A_781, %select_n3A_789 : i32
    %gt3A_791 = arith.cmpf ogt, %squeeze3A_48, %squeeze3A_46 : f32
    %eq3A_792 = arith.cmpf oeq, %squeeze3A_48, %squeeze3A_46 : f32
    %and3A_793 = arith.constant false
    %and3A_794 = arith.andi %eq3A_792, %and3A_793 : i1
    %or3A_795 = arith.ori %gt3A_791, %and3A_794 : i1
    %jit3A_796 = arith.constant 1 : i32
    %jit3A_797 = arith.constant 0 : i32
    %select_n3A_798 = arith.select %or3A_795, %jit3A_796, %jit3A_797 : i32
    %add3A_799 = arith.addi %add3A_790, %select_n3A_798 : i32
    %gt3A_800 = arith.cmpf ogt, %squeeze3A_50, %squeeze3A_46 : f32
    %eq3A_801 = arith.cmpf oeq, %squeeze3A_50, %squeeze3A_46 : f32
    %and3A_802 = arith.constant false
    %and3A_803 = arith.andi %eq3A_801, %and3A_802 : i1
    %or3A_804 = arith.ori %gt3A_800, %and3A_803 : i1
    %jit3A_805 = arith.constant 1 : i32
    %jit3A_806 = arith.constant 0 : i32
    %select_n3A_807 = arith.select %or3A_804, %jit3A_805, %jit3A_806 : i32
    %add3A_808 = arith.addi %add3A_799, %select_n3A_807 : i32
    %gt3A_809 = arith.cmpf ogt, %squeeze3A_52, %squeeze3A_46 : f32
    %eq3A_810 = arith.cmpf oeq, %squeeze3A_52, %squeeze3A_46 : f32
    %and3A_811 = arith.constant false
    %and3A_812 = arith.andi %eq3A_810, %and3A_811 : i1
    %or3A_813 = arith.ori %gt3A_809, %and3A_812 : i1
    %jit3A_814 = arith.constant 1 : i32
    %jit3A_815 = arith.constant 0 : i32
    %select_n3A_816 = arith.select %or3A_813, %jit3A_814, %jit3A_815 : i32
    %add3A_817 = arith.addi %add3A_808, %select_n3A_816 : i32
    %gt3A_818 = arith.cmpf ogt, %squeeze3A_54, %squeeze3A_46 : f32
    %eq3A_819 = arith.cmpf oeq, %squeeze3A_54, %squeeze3A_46 : f32
    %and3A_820 = arith.constant false
    %and3A_821 = arith.andi %eq3A_819, %and3A_820 : i1
    %or3A_822 = arith.ori %gt3A_818, %and3A_821 : i1
    %jit3A_823 = arith.constant 1 : i32
    %jit3A_824 = arith.constant 0 : i32
    %select_n3A_825 = arith.select %or3A_822, %jit3A_823, %jit3A_824 : i32
    %add3A_826 = arith.addi %add3A_817, %select_n3A_825 : i32
    %gt3A_827 = arith.cmpf ogt, %squeeze3A_56, %squeeze3A_46 : f32
    %eq3A_828 = arith.cmpf oeq, %squeeze3A_56, %squeeze3A_46 : f32
    %and3A_829 = arith.constant false
    %and3A_830 = arith.andi %eq3A_828, %and3A_829 : i1
    %or3A_831 = arith.ori %gt3A_827, %and3A_830 : i1
    %jit3A_832 = arith.constant 1 : i32
    %jit3A_833 = arith.constant 0 : i32
    %select_n3A_834 = arith.select %or3A_831, %jit3A_832, %jit3A_833 : i32
    %add3A_835 = arith.addi %add3A_826, %select_n3A_834 : i32
    %gt3A_836 = arith.cmpf ogt, %squeeze3A_58, %squeeze3A_46 : f32
    %eq3A_837 = arith.cmpf oeq, %squeeze3A_58, %squeeze3A_46 : f32
    %and3A_838 = arith.constant false
    %and3A_839 = arith.andi %eq3A_837, %and3A_838 : i1
    %or3A_840 = arith.ori %gt3A_836, %and3A_839 : i1
    %jit3A_841 = arith.constant 1 : i32
    %jit3A_842 = arith.constant 0 : i32
    %select_n3A_843 = arith.select %or3A_840, %jit3A_841, %jit3A_842 : i32
    %add3A_844 = arith.addi %add3A_835, %select_n3A_843 : i32
    %gt3A_845 = arith.cmpf ogt, %squeeze3A_60, %squeeze3A_46 : f32
    %eq3A_846 = arith.cmpf oeq, %squeeze3A_60, %squeeze3A_46 : f32
    %and3A_847 = arith.constant false
    %and3A_848 = arith.andi %eq3A_846, %and3A_847 : i1
    %or3A_849 = arith.ori %gt3A_845, %and3A_848 : i1
    %jit3A_850 = arith.constant 1 : i32
    %jit3A_851 = arith.constant 0 : i32
    %select_n3A_852 = arith.select %or3A_849, %jit3A_850, %jit3A_851 : i32
    %add3A_853 = arith.addi %add3A_844, %select_n3A_852 : i32
    %gt3A_854 = arith.cmpf ogt, %squeeze3A_62, %squeeze3A_46 : f32
    %eq3A_855 = arith.cmpf oeq, %squeeze3A_62, %squeeze3A_46 : f32
    %and3A_856 = arith.constant false
    %and3A_857 = arith.andi %eq3A_855, %and3A_856 : i1
    %or3A_858 = arith.ori %gt3A_854, %and3A_857 : i1
    %jit3A_859 = arith.constant 1 : i32
    %jit3A_860 = arith.constant 0 : i32
    %select_n3A_861 = arith.select %or3A_858, %jit3A_859, %jit3A_860 : i32
    %add3A_862 = arith.addi %add3A_853, %select_n3A_861 : i32
    %gt3A_863 = arith.cmpf ogt, %squeeze3A_64, %squeeze3A_46 : f32
    %eq3A_864 = arith.cmpf oeq, %squeeze3A_64, %squeeze3A_46 : f32
    %and3A_865 = arith.constant false
    %and3A_866 = arith.andi %eq3A_864, %and3A_865 : i1
    %or3A_867 = arith.ori %gt3A_863, %and3A_866 : i1
    %jit3A_868 = arith.constant 1 : i32
    %jit3A_869 = arith.constant 0 : i32
    %select_n3A_870 = arith.select %or3A_867, %jit3A_868, %jit3A_869 : i32
    %add3A_871 = arith.addi %add3A_862, %select_n3A_870 : i32
    %gt3A_872 = arith.cmpf ogt, %squeeze3A_66, %squeeze3A_46 : f32
    %eq3A_873 = arith.cmpf oeq, %squeeze3A_66, %squeeze3A_46 : f32
    %and3A_874 = arith.constant false
    %and3A_875 = arith.andi %eq3A_873, %and3A_874 : i1
    %or3A_876 = arith.ori %gt3A_872, %and3A_875 : i1
    %jit3A_877 = arith.constant 1 : i32
    %jit3A_878 = arith.constant 0 : i32
    %select_n3A_879 = arith.select %or3A_876, %jit3A_877, %jit3A_878 : i32
    %add3A_880 = arith.addi %add3A_871, %select_n3A_879 : i32
    %gt3A_881 = arith.cmpf ogt, %squeeze3A, %squeeze3A_48 : f32
    %eq3A_882 = arith.cmpf oeq, %squeeze3A, %squeeze3A_48 : f32
    %and3A_883 = arith.constant true
    %and3A_884 = arith.andi %eq3A_882, %and3A_883 : i1
    %or3A_885 = arith.ori %gt3A_881, %and3A_884 : i1
    %jit3A_886 = arith.constant 1 : i32
    %jit3A_887 = arith.constant 0 : i32
    %select_n3A_888 = arith.select %or3A_885, %jit3A_886, %jit3A_887 : i32
    %add3A_889 = arith.constant 0 : i32
    %add3A_890 = arith.addi %add3A_889, %select_n3A_888 : i32
    %gt3A_891 = arith.cmpf ogt, %squeeze3A_38, %squeeze3A_48 : f32
    %eq3A_892 = arith.cmpf oeq, %squeeze3A_38, %squeeze3A_48 : f32
    %and3A_893 = arith.constant true
    %and3A_894 = arith.andi %eq3A_892, %and3A_893 : i1
    %or3A_895 = arith.ori %gt3A_891, %and3A_894 : i1
    %jit3A_896 = arith.constant 1 : i32
    %jit3A_897 = arith.constant 0 : i32
    %select_n3A_898 = arith.select %or3A_895, %jit3A_896, %jit3A_897 : i32
    %add3A_899 = arith.addi %add3A_890, %select_n3A_898 : i32
    %gt3A_900 = arith.cmpf ogt, %squeeze3A_40, %squeeze3A_48 : f32
    %eq3A_901 = arith.cmpf oeq, %squeeze3A_40, %squeeze3A_48 : f32
    %and3A_902 = arith.constant true
    %and3A_903 = arith.andi %eq3A_901, %and3A_902 : i1
    %or3A_904 = arith.ori %gt3A_900, %and3A_903 : i1
    %jit3A_905 = arith.constant 1 : i32
    %jit3A_906 = arith.constant 0 : i32
    %select_n3A_907 = arith.select %or3A_904, %jit3A_905, %jit3A_906 : i32
    %add3A_908 = arith.addi %add3A_899, %select_n3A_907 : i32
    %gt3A_909 = arith.cmpf ogt, %squeeze3A_42, %squeeze3A_48 : f32
    %eq3A_910 = arith.cmpf oeq, %squeeze3A_42, %squeeze3A_48 : f32
    %and3A_911 = arith.constant true
    %and3A_912 = arith.andi %eq3A_910, %and3A_911 : i1
    %or3A_913 = arith.ori %gt3A_909, %and3A_912 : i1
    %jit3A_914 = arith.constant 1 : i32
    %jit3A_915 = arith.constant 0 : i32
    %select_n3A_916 = arith.select %or3A_913, %jit3A_914, %jit3A_915 : i32
    %add3A_917 = arith.addi %add3A_908, %select_n3A_916 : i32
    %gt3A_918 = arith.cmpf ogt, %squeeze3A_44, %squeeze3A_48 : f32
    %eq3A_919 = arith.cmpf oeq, %squeeze3A_44, %squeeze3A_48 : f32
    %and3A_920 = arith.constant true
    %and3A_921 = arith.andi %eq3A_919, %and3A_920 : i1
    %or3A_922 = arith.ori %gt3A_918, %and3A_921 : i1
    %jit3A_923 = arith.constant 1 : i32
    %jit3A_924 = arith.constant 0 : i32
    %select_n3A_925 = arith.select %or3A_922, %jit3A_923, %jit3A_924 : i32
    %add3A_926 = arith.addi %add3A_917, %select_n3A_925 : i32
    %gt3A_927 = arith.cmpf ogt, %squeeze3A_46, %squeeze3A_48 : f32
    %eq3A_928 = arith.cmpf oeq, %squeeze3A_46, %squeeze3A_48 : f32
    %and3A_929 = arith.constant true
    %and3A_930 = arith.andi %eq3A_928, %and3A_929 : i1
    %or3A_931 = arith.ori %gt3A_927, %and3A_930 : i1
    %jit3A_932 = arith.constant 1 : i32
    %jit3A_933 = arith.constant 0 : i32
    %select_n3A_934 = arith.select %or3A_931, %jit3A_932, %jit3A_933 : i32
    %add3A_935 = arith.addi %add3A_926, %select_n3A_934 : i32
    %gt3A_936 = arith.cmpf ogt, %squeeze3A_50, %squeeze3A_48 : f32
    %eq3A_937 = arith.cmpf oeq, %squeeze3A_50, %squeeze3A_48 : f32
    %and3A_938 = arith.constant false
    %and3A_939 = arith.andi %eq3A_937, %and3A_938 : i1
    %or3A_940 = arith.ori %gt3A_936, %and3A_939 : i1
    %jit3A_941 = arith.constant 1 : i32
    %jit3A_942 = arith.constant 0 : i32
    %select_n3A_943 = arith.select %or3A_940, %jit3A_941, %jit3A_942 : i32
    %add3A_944 = arith.addi %add3A_935, %select_n3A_943 : i32
    %gt3A_945 = arith.cmpf ogt, %squeeze3A_52, %squeeze3A_48 : f32
    %eq3A_946 = arith.cmpf oeq, %squeeze3A_52, %squeeze3A_48 : f32
    %and3A_947 = arith.constant false
    %and3A_948 = arith.andi %eq3A_946, %and3A_947 : i1
    %or3A_949 = arith.ori %gt3A_945, %and3A_948 : i1
    %jit3A_950 = arith.constant 1 : i32
    %jit3A_951 = arith.constant 0 : i32
    %select_n3A_952 = arith.select %or3A_949, %jit3A_950, %jit3A_951 : i32
    %add3A_953 = arith.addi %add3A_944, %select_n3A_952 : i32
    %gt3A_954 = arith.cmpf ogt, %squeeze3A_54, %squeeze3A_48 : f32
    %eq3A_955 = arith.cmpf oeq, %squeeze3A_54, %squeeze3A_48 : f32
    %and3A_956 = arith.constant false
    %and3A_957 = arith.andi %eq3A_955, %and3A_956 : i1
    %or3A_958 = arith.ori %gt3A_954, %and3A_957 : i1
    %jit3A_959 = arith.constant 1 : i32
    %jit3A_960 = arith.constant 0 : i32
    %select_n3A_961 = arith.select %or3A_958, %jit3A_959, %jit3A_960 : i32
    %add3A_962 = arith.addi %add3A_953, %select_n3A_961 : i32
    %gt3A_963 = arith.cmpf ogt, %squeeze3A_56, %squeeze3A_48 : f32
    %eq3A_964 = arith.cmpf oeq, %squeeze3A_56, %squeeze3A_48 : f32
    %and3A_965 = arith.constant false
    %and3A_966 = arith.andi %eq3A_964, %and3A_965 : i1
    %or3A_967 = arith.ori %gt3A_963, %and3A_966 : i1
    %jit3A_968 = arith.constant 1 : i32
    %jit3A_969 = arith.constant 0 : i32
    %select_n3A_970 = arith.select %or3A_967, %jit3A_968, %jit3A_969 : i32
    %add3A_971 = arith.addi %add3A_962, %select_n3A_970 : i32
    %gt3A_972 = arith.cmpf ogt, %squeeze3A_58, %squeeze3A_48 : f32
    %eq3A_973 = arith.cmpf oeq, %squeeze3A_58, %squeeze3A_48 : f32
    %and3A_974 = arith.constant false
    %and3A_975 = arith.andi %eq3A_973, %and3A_974 : i1
    %or3A_976 = arith.ori %gt3A_972, %and3A_975 : i1
    %jit3A_977 = arith.constant 1 : i32
    %jit3A_978 = arith.constant 0 : i32
    %select_n3A_979 = arith.select %or3A_976, %jit3A_977, %jit3A_978 : i32
    %add3A_980 = arith.addi %add3A_971, %select_n3A_979 : i32
    %gt3A_981 = arith.cmpf ogt, %squeeze3A_60, %squeeze3A_48 : f32
    %eq3A_982 = arith.cmpf oeq, %squeeze3A_60, %squeeze3A_48 : f32
    %and3A_983 = arith.constant false
    %and3A_984 = arith.andi %eq3A_982, %and3A_983 : i1
    %or3A_985 = arith.ori %gt3A_981, %and3A_984 : i1
    %jit3A_986 = arith.constant 1 : i32
    %jit3A_987 = arith.constant 0 : i32
    %select_n3A_988 = arith.select %or3A_985, %jit3A_986, %jit3A_987 : i32
    %add3A_989 = arith.addi %add3A_980, %select_n3A_988 : i32
    %gt3A_990 = arith.cmpf ogt, %squeeze3A_62, %squeeze3A_48 : f32
    %eq3A_991 = arith.cmpf oeq, %squeeze3A_62, %squeeze3A_48 : f32
    %and3A_992 = arith.constant false
    %and3A_993 = arith.andi %eq3A_991, %and3A_992 : i1
    %or3A_994 = arith.ori %gt3A_990, %and3A_993 : i1
    %jit3A_995 = arith.constant 1 : i32
    %jit3A_996 = arith.constant 0 : i32
    %select_n3A_997 = arith.select %or3A_994, %jit3A_995, %jit3A_996 : i32
    %add3A_998 = arith.addi %add3A_989, %select_n3A_997 : i32
    %gt3A_999 = arith.cmpf ogt, %squeeze3A_64, %squeeze3A_48 : f32
    %eq3A_1000 = arith.cmpf oeq, %squeeze3A_64, %squeeze3A_48 : f32
    %and3A_1001 = arith.constant false
    %and3A_1002 = arith.andi %eq3A_1000, %and3A_1001 : i1
    %or3A_1003 = arith.ori %gt3A_999, %and3A_1002 : i1
    %jit3A_1004 = arith.constant 1 : i32
    %jit3A_1005 = arith.constant 0 : i32
    %select_n3A_1006 = arith.select %or3A_1003, %jit3A_1004, %jit3A_1005 : i32
    %add3A_1007 = arith.addi %add3A_998, %select_n3A_1006 : i32
    %gt3A_1008 = arith.cmpf ogt, %squeeze3A_66, %squeeze3A_48 : f32
    %eq3A_1009 = arith.cmpf oeq, %squeeze3A_66, %squeeze3A_48 : f32
    %and3A_1010 = arith.constant false
    %and3A_1011 = arith.andi %eq3A_1009, %and3A_1010 : i1
    %or3A_1012 = arith.ori %gt3A_1008, %and3A_1011 : i1
    %jit3A_1013 = arith.constant 1 : i32
    %jit3A_1014 = arith.constant 0 : i32
    %select_n3A_1015 = arith.select %or3A_1012, %jit3A_1013, %jit3A_1014 : i32
    %add3A_1016 = arith.addi %add3A_1007, %select_n3A_1015 : i32
    %gt3A_1017 = arith.cmpf ogt, %squeeze3A, %squeeze3A_50 : f32
    %eq3A_1018 = arith.cmpf oeq, %squeeze3A, %squeeze3A_50 : f32
    %and3A_1019 = arith.constant true
    %and3A_1020 = arith.andi %eq3A_1018, %and3A_1019 : i1
    %or3A_1021 = arith.ori %gt3A_1017, %and3A_1020 : i1
    %jit3A_1022 = arith.constant 1 : i32
    %jit3A_1023 = arith.constant 0 : i32
    %select_n3A_1024 = arith.select %or3A_1021, %jit3A_1022, %jit3A_1023 : i32
    %add3A_1025 = arith.constant 0 : i32
    %add3A_1026 = arith.addi %add3A_1025, %select_n3A_1024 : i32
    %gt3A_1027 = arith.cmpf ogt, %squeeze3A_38, %squeeze3A_50 : f32
    %eq3A_1028 = arith.cmpf oeq, %squeeze3A_38, %squeeze3A_50 : f32
    %and3A_1029 = arith.constant true
    %and3A_1030 = arith.andi %eq3A_1028, %and3A_1029 : i1
    %or3A_1031 = arith.ori %gt3A_1027, %and3A_1030 : i1
    %jit3A_1032 = arith.constant 1 : i32
    %jit3A_1033 = arith.constant 0 : i32
    %select_n3A_1034 = arith.select %or3A_1031, %jit3A_1032, %jit3A_1033 : i32
    %add3A_1035 = arith.addi %add3A_1026, %select_n3A_1034 : i32
    %gt3A_1036 = arith.cmpf ogt, %squeeze3A_40, %squeeze3A_50 : f32
    %eq3A_1037 = arith.cmpf oeq, %squeeze3A_40, %squeeze3A_50 : f32
    %and3A_1038 = arith.constant true
    %and3A_1039 = arith.andi %eq3A_1037, %and3A_1038 : i1
    %or3A_1040 = arith.ori %gt3A_1036, %and3A_1039 : i1
    %jit3A_1041 = arith.constant 1 : i32
    %jit3A_1042 = arith.constant 0 : i32
    %select_n3A_1043 = arith.select %or3A_1040, %jit3A_1041, %jit3A_1042 : i32
    %add3A_1044 = arith.addi %add3A_1035, %select_n3A_1043 : i32
    %gt3A_1045 = arith.cmpf ogt, %squeeze3A_42, %squeeze3A_50 : f32
    %eq3A_1046 = arith.cmpf oeq, %squeeze3A_42, %squeeze3A_50 : f32
    %and3A_1047 = arith.constant true
    %and3A_1048 = arith.andi %eq3A_1046, %and3A_1047 : i1
    %or3A_1049 = arith.ori %gt3A_1045, %and3A_1048 : i1
    %jit3A_1050 = arith.constant 1 : i32
    %jit3A_1051 = arith.constant 0 : i32
    %select_n3A_1052 = arith.select %or3A_1049, %jit3A_1050, %jit3A_1051 : i32
    %add3A_1053 = arith.addi %add3A_1044, %select_n3A_1052 : i32
    %gt3A_1054 = arith.cmpf ogt, %squeeze3A_44, %squeeze3A_50 : f32
    %eq3A_1055 = arith.cmpf oeq, %squeeze3A_44, %squeeze3A_50 : f32
    %and3A_1056 = arith.constant true
    %and3A_1057 = arith.andi %eq3A_1055, %and3A_1056 : i1
    %or3A_1058 = arith.ori %gt3A_1054, %and3A_1057 : i1
    %jit3A_1059 = arith.constant 1 : i32
    %jit3A_1060 = arith.constant 0 : i32
    %select_n3A_1061 = arith.select %or3A_1058, %jit3A_1059, %jit3A_1060 : i32
    %add3A_1062 = arith.addi %add3A_1053, %select_n3A_1061 : i32
    %gt3A_1063 = arith.cmpf ogt, %squeeze3A_46, %squeeze3A_50 : f32
    %eq3A_1064 = arith.cmpf oeq, %squeeze3A_46, %squeeze3A_50 : f32
    %and3A_1065 = arith.constant true
    %and3A_1066 = arith.andi %eq3A_1064, %and3A_1065 : i1
    %or3A_1067 = arith.ori %gt3A_1063, %and3A_1066 : i1
    %jit3A_1068 = arith.constant 1 : i32
    %jit3A_1069 = arith.constant 0 : i32
    %select_n3A_1070 = arith.select %or3A_1067, %jit3A_1068, %jit3A_1069 : i32
    %add3A_1071 = arith.addi %add3A_1062, %select_n3A_1070 : i32
    %gt3A_1072 = arith.cmpf ogt, %squeeze3A_48, %squeeze3A_50 : f32
    %eq3A_1073 = arith.cmpf oeq, %squeeze3A_48, %squeeze3A_50 : f32
    %and3A_1074 = arith.constant true
    %and3A_1075 = arith.andi %eq3A_1073, %and3A_1074 : i1
    %or3A_1076 = arith.ori %gt3A_1072, %and3A_1075 : i1
    %jit3A_1077 = arith.constant 1 : i32
    %jit3A_1078 = arith.constant 0 : i32
    %select_n3A_1079 = arith.select %or3A_1076, %jit3A_1077, %jit3A_1078 : i32
    %add3A_1080 = arith.addi %add3A_1071, %select_n3A_1079 : i32
    %gt3A_1081 = arith.cmpf ogt, %squeeze3A_52, %squeeze3A_50 : f32
    %eq3A_1082 = arith.cmpf oeq, %squeeze3A_52, %squeeze3A_50 : f32
    %and3A_1083 = arith.constant false
    %and3A_1084 = arith.andi %eq3A_1082, %and3A_1083 : i1
    %or3A_1085 = arith.ori %gt3A_1081, %and3A_1084 : i1
    %jit3A_1086 = arith.constant 1 : i32
    %jit3A_1087 = arith.constant 0 : i32
    %select_n3A_1088 = arith.select %or3A_1085, %jit3A_1086, %jit3A_1087 : i32
    %add3A_1089 = arith.addi %add3A_1080, %select_n3A_1088 : i32
    %gt3A_1090 = arith.cmpf ogt, %squeeze3A_54, %squeeze3A_50 : f32
    %eq3A_1091 = arith.cmpf oeq, %squeeze3A_54, %squeeze3A_50 : f32
    %and3A_1092 = arith.constant false
    %and3A_1093 = arith.andi %eq3A_1091, %and3A_1092 : i1
    %or3A_1094 = arith.ori %gt3A_1090, %and3A_1093 : i1
    %jit3A_1095 = arith.constant 1 : i32
    %jit3A_1096 = arith.constant 0 : i32
    %select_n3A_1097 = arith.select %or3A_1094, %jit3A_1095, %jit3A_1096 : i32
    %add3A_1098 = arith.addi %add3A_1089, %select_n3A_1097 : i32
    %gt3A_1099 = arith.cmpf ogt, %squeeze3A_56, %squeeze3A_50 : f32
    %eq3A_1100 = arith.cmpf oeq, %squeeze3A_56, %squeeze3A_50 : f32
    %and3A_1101 = arith.constant false
    %and3A_1102 = arith.andi %eq3A_1100, %and3A_1101 : i1
    %or3A_1103 = arith.ori %gt3A_1099, %and3A_1102 : i1
    %jit3A_1104 = arith.constant 1 : i32
    %jit3A_1105 = arith.constant 0 : i32
    %select_n3A_1106 = arith.select %or3A_1103, %jit3A_1104, %jit3A_1105 : i32
    %add3A_1107 = arith.addi %add3A_1098, %select_n3A_1106 : i32
    %gt3A_1108 = arith.cmpf ogt, %squeeze3A_58, %squeeze3A_50 : f32
    %eq3A_1109 = arith.cmpf oeq, %squeeze3A_58, %squeeze3A_50 : f32
    %and3A_1110 = arith.constant false
    %and3A_1111 = arith.andi %eq3A_1109, %and3A_1110 : i1
    %or3A_1112 = arith.ori %gt3A_1108, %and3A_1111 : i1
    %jit3A_1113 = arith.constant 1 : i32
    %jit3A_1114 = arith.constant 0 : i32
    %select_n3A_1115 = arith.select %or3A_1112, %jit3A_1113, %jit3A_1114 : i32
    %add3A_1116 = arith.addi %add3A_1107, %select_n3A_1115 : i32
    %gt3A_1117 = arith.cmpf ogt, %squeeze3A_60, %squeeze3A_50 : f32
    %eq3A_1118 = arith.cmpf oeq, %squeeze3A_60, %squeeze3A_50 : f32
    %and3A_1119 = arith.constant false
    %and3A_1120 = arith.andi %eq3A_1118, %and3A_1119 : i1
    %or3A_1121 = arith.ori %gt3A_1117, %and3A_1120 : i1
    %jit3A_1122 = arith.constant 1 : i32
    %jit3A_1123 = arith.constant 0 : i32
    %select_n3A_1124 = arith.select %or3A_1121, %jit3A_1122, %jit3A_1123 : i32
    %add3A_1125 = arith.addi %add3A_1116, %select_n3A_1124 : i32
    %gt3A_1126 = arith.cmpf ogt, %squeeze3A_62, %squeeze3A_50 : f32
    %eq3A_1127 = arith.cmpf oeq, %squeeze3A_62, %squeeze3A_50 : f32
    %and3A_1128 = arith.constant false
    %and3A_1129 = arith.andi %eq3A_1127, %and3A_1128 : i1
    %or3A_1130 = arith.ori %gt3A_1126, %and3A_1129 : i1
    %jit3A_1131 = arith.constant 1 : i32
    %jit3A_1132 = arith.constant 0 : i32
    %select_n3A_1133 = arith.select %or3A_1130, %jit3A_1131, %jit3A_1132 : i32
    %add3A_1134 = arith.addi %add3A_1125, %select_n3A_1133 : i32
    %gt3A_1135 = arith.cmpf ogt, %squeeze3A_64, %squeeze3A_50 : f32
    %eq3A_1136 = arith.cmpf oeq, %squeeze3A_64, %squeeze3A_50 : f32
    %and3A_1137 = arith.constant false
    %and3A_1138 = arith.andi %eq3A_1136, %and3A_1137 : i1
    %or3A_1139 = arith.ori %gt3A_1135, %and3A_1138 : i1
    %jit3A_1140 = arith.constant 1 : i32
    %jit3A_1141 = arith.constant 0 : i32
    %select_n3A_1142 = arith.select %or3A_1139, %jit3A_1140, %jit3A_1141 : i32
    %add3A_1143 = arith.addi %add3A_1134, %select_n3A_1142 : i32
    %gt3A_1144 = arith.cmpf ogt, %squeeze3A_66, %squeeze3A_50 : f32
    %eq3A_1145 = arith.cmpf oeq, %squeeze3A_66, %squeeze3A_50 : f32
    %and3A_1146 = arith.constant false
    %and3A_1147 = arith.andi %eq3A_1145, %and3A_1146 : i1
    %or3A_1148 = arith.ori %gt3A_1144, %and3A_1147 : i1
    %jit3A_1149 = arith.constant 1 : i32
    %jit3A_1150 = arith.constant 0 : i32
    %select_n3A_1151 = arith.select %or3A_1148, %jit3A_1149, %jit3A_1150 : i32
    %add3A_1152 = arith.addi %add3A_1143, %select_n3A_1151 : i32
    %gt3A_1153 = arith.cmpf ogt, %squeeze3A, %squeeze3A_52 : f32
    %eq3A_1154 = arith.cmpf oeq, %squeeze3A, %squeeze3A_52 : f32
    %and3A_1155 = arith.constant true
    %and3A_1156 = arith.andi %eq3A_1154, %and3A_1155 : i1
    %or3A_1157 = arith.ori %gt3A_1153, %and3A_1156 : i1
    %jit3A_1158 = arith.constant 1 : i32
    %jit3A_1159 = arith.constant 0 : i32
    %select_n3A_1160 = arith.select %or3A_1157, %jit3A_1158, %jit3A_1159 : i32
    %add3A_1161 = arith.constant 0 : i32
    %add3A_1162 = arith.addi %add3A_1161, %select_n3A_1160 : i32
    %gt3A_1163 = arith.cmpf ogt, %squeeze3A_38, %squeeze3A_52 : f32
    %eq3A_1164 = arith.cmpf oeq, %squeeze3A_38, %squeeze3A_52 : f32
    %and3A_1165 = arith.constant true
    %and3A_1166 = arith.andi %eq3A_1164, %and3A_1165 : i1
    %or3A_1167 = arith.ori %gt3A_1163, %and3A_1166 : i1
    %jit3A_1168 = arith.constant 1 : i32
    %jit3A_1169 = arith.constant 0 : i32
    %select_n3A_1170 = arith.select %or3A_1167, %jit3A_1168, %jit3A_1169 : i32
    %add3A_1171 = arith.addi %add3A_1162, %select_n3A_1170 : i32
    %gt3A_1172 = arith.cmpf ogt, %squeeze3A_40, %squeeze3A_52 : f32
    %eq3A_1173 = arith.cmpf oeq, %squeeze3A_40, %squeeze3A_52 : f32
    %and3A_1174 = arith.constant true
    %and3A_1175 = arith.andi %eq3A_1173, %and3A_1174 : i1
    %or3A_1176 = arith.ori %gt3A_1172, %and3A_1175 : i1
    %jit3A_1177 = arith.constant 1 : i32
    %jit3A_1178 = arith.constant 0 : i32
    %select_n3A_1179 = arith.select %or3A_1176, %jit3A_1177, %jit3A_1178 : i32
    %add3A_1180 = arith.addi %add3A_1171, %select_n3A_1179 : i32
    %gt3A_1181 = arith.cmpf ogt, %squeeze3A_42, %squeeze3A_52 : f32
    %eq3A_1182 = arith.cmpf oeq, %squeeze3A_42, %squeeze3A_52 : f32
    %and3A_1183 = arith.constant true
    %and3A_1184 = arith.andi %eq3A_1182, %and3A_1183 : i1
    %or3A_1185 = arith.ori %gt3A_1181, %and3A_1184 : i1
    %jit3A_1186 = arith.constant 1 : i32
    %jit3A_1187 = arith.constant 0 : i32
    %select_n3A_1188 = arith.select %or3A_1185, %jit3A_1186, %jit3A_1187 : i32
    %add3A_1189 = arith.addi %add3A_1180, %select_n3A_1188 : i32
    %gt3A_1190 = arith.cmpf ogt, %squeeze3A_44, %squeeze3A_52 : f32
    %eq3A_1191 = arith.cmpf oeq, %squeeze3A_44, %squeeze3A_52 : f32
    %and3A_1192 = arith.constant true
    %and3A_1193 = arith.andi %eq3A_1191, %and3A_1192 : i1
    %or3A_1194 = arith.ori %gt3A_1190, %and3A_1193 : i1
    %jit3A_1195 = arith.constant 1 : i32
    %jit3A_1196 = arith.constant 0 : i32
    %select_n3A_1197 = arith.select %or3A_1194, %jit3A_1195, %jit3A_1196 : i32
    %add3A_1198 = arith.addi %add3A_1189, %select_n3A_1197 : i32
    %gt3A_1199 = arith.cmpf ogt, %squeeze3A_46, %squeeze3A_52 : f32
    %eq3A_1200 = arith.cmpf oeq, %squeeze3A_46, %squeeze3A_52 : f32
    %and3A_1201 = arith.constant true
    %and3A_1202 = arith.andi %eq3A_1200, %and3A_1201 : i1
    %or3A_1203 = arith.ori %gt3A_1199, %and3A_1202 : i1
    %jit3A_1204 = arith.constant 1 : i32
    %jit3A_1205 = arith.constant 0 : i32
    %select_n3A_1206 = arith.select %or3A_1203, %jit3A_1204, %jit3A_1205 : i32
    %add3A_1207 = arith.addi %add3A_1198, %select_n3A_1206 : i32
    %gt3A_1208 = arith.cmpf ogt, %squeeze3A_48, %squeeze3A_52 : f32
    %eq3A_1209 = arith.cmpf oeq, %squeeze3A_48, %squeeze3A_52 : f32
    %and3A_1210 = arith.constant true
    %and3A_1211 = arith.andi %eq3A_1209, %and3A_1210 : i1
    %or3A_1212 = arith.ori %gt3A_1208, %and3A_1211 : i1
    %jit3A_1213 = arith.constant 1 : i32
    %jit3A_1214 = arith.constant 0 : i32
    %select_n3A_1215 = arith.select %or3A_1212, %jit3A_1213, %jit3A_1214 : i32
    %add3A_1216 = arith.addi %add3A_1207, %select_n3A_1215 : i32
    %gt3A_1217 = arith.cmpf ogt, %squeeze3A_50, %squeeze3A_52 : f32
    %eq3A_1218 = arith.cmpf oeq, %squeeze3A_50, %squeeze3A_52 : f32
    %and3A_1219 = arith.constant true
    %and3A_1220 = arith.andi %eq3A_1218, %and3A_1219 : i1
    %or3A_1221 = arith.ori %gt3A_1217, %and3A_1220 : i1
    %jit3A_1222 = arith.constant 1 : i32
    %jit3A_1223 = arith.constant 0 : i32
    %select_n3A_1224 = arith.select %or3A_1221, %jit3A_1222, %jit3A_1223 : i32
    %add3A_1225 = arith.addi %add3A_1216, %select_n3A_1224 : i32
    %gt3A_1226 = arith.cmpf ogt, %squeeze3A_54, %squeeze3A_52 : f32
    %eq3A_1227 = arith.cmpf oeq, %squeeze3A_54, %squeeze3A_52 : f32
    %and3A_1228 = arith.constant false
    %and3A_1229 = arith.andi %eq3A_1227, %and3A_1228 : i1
    %or3A_1230 = arith.ori %gt3A_1226, %and3A_1229 : i1
    %jit3A_1231 = arith.constant 1 : i32
    %jit3A_1232 = arith.constant 0 : i32
    %select_n3A_1233 = arith.select %or3A_1230, %jit3A_1231, %jit3A_1232 : i32
    %add3A_1234 = arith.addi %add3A_1225, %select_n3A_1233 : i32
    %gt3A_1235 = arith.cmpf ogt, %squeeze3A_56, %squeeze3A_52 : f32
    %eq3A_1236 = arith.cmpf oeq, %squeeze3A_56, %squeeze3A_52 : f32
    %and3A_1237 = arith.constant false
    %and3A_1238 = arith.andi %eq3A_1236, %and3A_1237 : i1
    %or3A_1239 = arith.ori %gt3A_1235, %and3A_1238 : i1
    %jit3A_1240 = arith.constant 1 : i32
    %jit3A_1241 = arith.constant 0 : i32
    %select_n3A_1242 = arith.select %or3A_1239, %jit3A_1240, %jit3A_1241 : i32
    %add3A_1243 = arith.addi %add3A_1234, %select_n3A_1242 : i32
    %gt3A_1244 = arith.cmpf ogt, %squeeze3A_58, %squeeze3A_52 : f32
    %eq3A_1245 = arith.cmpf oeq, %squeeze3A_58, %squeeze3A_52 : f32
    %and3A_1246 = arith.constant false
    %and3A_1247 = arith.andi %eq3A_1245, %and3A_1246 : i1
    %or3A_1248 = arith.ori %gt3A_1244, %and3A_1247 : i1
    %jit3A_1249 = arith.constant 1 : i32
    %jit3A_1250 = arith.constant 0 : i32
    %select_n3A_1251 = arith.select %or3A_1248, %jit3A_1249, %jit3A_1250 : i32
    %add3A_1252 = arith.addi %add3A_1243, %select_n3A_1251 : i32
    %gt3A_1253 = arith.cmpf ogt, %squeeze3A_60, %squeeze3A_52 : f32
    %eq3A_1254 = arith.cmpf oeq, %squeeze3A_60, %squeeze3A_52 : f32
    %and3A_1255 = arith.constant false
    %and3A_1256 = arith.andi %eq3A_1254, %and3A_1255 : i1
    %or3A_1257 = arith.ori %gt3A_1253, %and3A_1256 : i1
    %jit3A_1258 = arith.constant 1 : i32
    %jit3A_1259 = arith.constant 0 : i32
    %select_n3A_1260 = arith.select %or3A_1257, %jit3A_1258, %jit3A_1259 : i32
    %add3A_1261 = arith.addi %add3A_1252, %select_n3A_1260 : i32
    %gt3A_1262 = arith.cmpf ogt, %squeeze3A_62, %squeeze3A_52 : f32
    %eq3A_1263 = arith.cmpf oeq, %squeeze3A_62, %squeeze3A_52 : f32
    %and3A_1264 = arith.constant false
    %and3A_1265 = arith.andi %eq3A_1263, %and3A_1264 : i1
    %or3A_1266 = arith.ori %gt3A_1262, %and3A_1265 : i1
    %jit3A_1267 = arith.constant 1 : i32
    %jit3A_1268 = arith.constant 0 : i32
    %select_n3A_1269 = arith.select %or3A_1266, %jit3A_1267, %jit3A_1268 : i32
    %add3A_1270 = arith.addi %add3A_1261, %select_n3A_1269 : i32
    %gt3A_1271 = arith.cmpf ogt, %squeeze3A_64, %squeeze3A_52 : f32
    %eq3A_1272 = arith.cmpf oeq, %squeeze3A_64, %squeeze3A_52 : f32
    %and3A_1273 = arith.constant false
    %and3A_1274 = arith.andi %eq3A_1272, %and3A_1273 : i1
    %or3A_1275 = arith.ori %gt3A_1271, %and3A_1274 : i1
    %jit3A_1276 = arith.constant 1 : i32
    %jit3A_1277 = arith.constant 0 : i32
    %select_n3A_1278 = arith.select %or3A_1275, %jit3A_1276, %jit3A_1277 : i32
    %add3A_1279 = arith.addi %add3A_1270, %select_n3A_1278 : i32
    %gt3A_1280 = arith.cmpf ogt, %squeeze3A_66, %squeeze3A_52 : f32
    %eq3A_1281 = arith.cmpf oeq, %squeeze3A_66, %squeeze3A_52 : f32
    %and3A_1282 = arith.constant false
    %and3A_1283 = arith.andi %eq3A_1281, %and3A_1282 : i1
    %or3A_1284 = arith.ori %gt3A_1280, %and3A_1283 : i1
    %jit3A_1285 = arith.constant 1 : i32
    %jit3A_1286 = arith.constant 0 : i32
    %select_n3A_1287 = arith.select %or3A_1284, %jit3A_1285, %jit3A_1286 : i32
    %add3A_1288 = arith.addi %add3A_1279, %select_n3A_1287 : i32
    %gt3A_1289 = arith.cmpf ogt, %squeeze3A, %squeeze3A_54 : f32
    %eq3A_1290 = arith.cmpf oeq, %squeeze3A, %squeeze3A_54 : f32
    %and3A_1291 = arith.constant true
    %and3A_1292 = arith.andi %eq3A_1290, %and3A_1291 : i1
    %or3A_1293 = arith.ori %gt3A_1289, %and3A_1292 : i1
    %jit3A_1294 = arith.constant 1 : i32
    %jit3A_1295 = arith.constant 0 : i32
    %select_n3A_1296 = arith.select %or3A_1293, %jit3A_1294, %jit3A_1295 : i32
    %add3A_1297 = arith.constant 0 : i32
    %add3A_1298 = arith.addi %add3A_1297, %select_n3A_1296 : i32
    %gt3A_1299 = arith.cmpf ogt, %squeeze3A_38, %squeeze3A_54 : f32
    %eq3A_1300 = arith.cmpf oeq, %squeeze3A_38, %squeeze3A_54 : f32
    %and3A_1301 = arith.constant true
    %and3A_1302 = arith.andi %eq3A_1300, %and3A_1301 : i1
    %or3A_1303 = arith.ori %gt3A_1299, %and3A_1302 : i1
    %jit3A_1304 = arith.constant 1 : i32
    %jit3A_1305 = arith.constant 0 : i32
    %select_n3A_1306 = arith.select %or3A_1303, %jit3A_1304, %jit3A_1305 : i32
    %add3A_1307 = arith.addi %add3A_1298, %select_n3A_1306 : i32
    %gt3A_1308 = arith.cmpf ogt, %squeeze3A_40, %squeeze3A_54 : f32
    %eq3A_1309 = arith.cmpf oeq, %squeeze3A_40, %squeeze3A_54 : f32
    %and3A_1310 = arith.constant true
    %and3A_1311 = arith.andi %eq3A_1309, %and3A_1310 : i1
    %or3A_1312 = arith.ori %gt3A_1308, %and3A_1311 : i1
    %jit3A_1313 = arith.constant 1 : i32
    %jit3A_1314 = arith.constant 0 : i32
    %select_n3A_1315 = arith.select %or3A_1312, %jit3A_1313, %jit3A_1314 : i32
    %add3A_1316 = arith.addi %add3A_1307, %select_n3A_1315 : i32
    %gt3A_1317 = arith.cmpf ogt, %squeeze3A_42, %squeeze3A_54 : f32
    %eq3A_1318 = arith.cmpf oeq, %squeeze3A_42, %squeeze3A_54 : f32
    %and3A_1319 = arith.constant true
    %and3A_1320 = arith.andi %eq3A_1318, %and3A_1319 : i1
    %or3A_1321 = arith.ori %gt3A_1317, %and3A_1320 : i1
    %jit3A_1322 = arith.constant 1 : i32
    %jit3A_1323 = arith.constant 0 : i32
    %select_n3A_1324 = arith.select %or3A_1321, %jit3A_1322, %jit3A_1323 : i32
    %add3A_1325 = arith.addi %add3A_1316, %select_n3A_1324 : i32
    %gt3A_1326 = arith.cmpf ogt, %squeeze3A_44, %squeeze3A_54 : f32
    %eq3A_1327 = arith.cmpf oeq, %squeeze3A_44, %squeeze3A_54 : f32
    %and3A_1328 = arith.constant true
    %and3A_1329 = arith.andi %eq3A_1327, %and3A_1328 : i1
    %or3A_1330 = arith.ori %gt3A_1326, %and3A_1329 : i1
    %jit3A_1331 = arith.constant 1 : i32
    %jit3A_1332 = arith.constant 0 : i32
    %select_n3A_1333 = arith.select %or3A_1330, %jit3A_1331, %jit3A_1332 : i32
    %add3A_1334 = arith.addi %add3A_1325, %select_n3A_1333 : i32
    %gt3A_1335 = arith.cmpf ogt, %squeeze3A_46, %squeeze3A_54 : f32
    %eq3A_1336 = arith.cmpf oeq, %squeeze3A_46, %squeeze3A_54 : f32
    %and3A_1337 = arith.constant true
    %and3A_1338 = arith.andi %eq3A_1336, %and3A_1337 : i1
    %or3A_1339 = arith.ori %gt3A_1335, %and3A_1338 : i1
    %jit3A_1340 = arith.constant 1 : i32
    %jit3A_1341 = arith.constant 0 : i32
    %select_n3A_1342 = arith.select %or3A_1339, %jit3A_1340, %jit3A_1341 : i32
    %add3A_1343 = arith.addi %add3A_1334, %select_n3A_1342 : i32
    %gt3A_1344 = arith.cmpf ogt, %squeeze3A_48, %squeeze3A_54 : f32
    %eq3A_1345 = arith.cmpf oeq, %squeeze3A_48, %squeeze3A_54 : f32
    %and3A_1346 = arith.constant true
    %and3A_1347 = arith.andi %eq3A_1345, %and3A_1346 : i1
    %or3A_1348 = arith.ori %gt3A_1344, %and3A_1347 : i1
    %jit3A_1349 = arith.constant 1 : i32
    %jit3A_1350 = arith.constant 0 : i32
    %select_n3A_1351 = arith.select %or3A_1348, %jit3A_1349, %jit3A_1350 : i32
    %add3A_1352 = arith.addi %add3A_1343, %select_n3A_1351 : i32
    %gt3A_1353 = arith.cmpf ogt, %squeeze3A_50, %squeeze3A_54 : f32
    %eq3A_1354 = arith.cmpf oeq, %squeeze3A_50, %squeeze3A_54 : f32
    %and3A_1355 = arith.constant true
    %and3A_1356 = arith.andi %eq3A_1354, %and3A_1355 : i1
    %or3A_1357 = arith.ori %gt3A_1353, %and3A_1356 : i1
    %jit3A_1358 = arith.constant 1 : i32
    %jit3A_1359 = arith.constant 0 : i32
    %select_n3A_1360 = arith.select %or3A_1357, %jit3A_1358, %jit3A_1359 : i32
    %add3A_1361 = arith.addi %add3A_1352, %select_n3A_1360 : i32
    %gt3A_1362 = arith.cmpf ogt, %squeeze3A_52, %squeeze3A_54 : f32
    %eq3A_1363 = arith.cmpf oeq, %squeeze3A_52, %squeeze3A_54 : f32
    %and3A_1364 = arith.constant true
    %and3A_1365 = arith.andi %eq3A_1363, %and3A_1364 : i1
    %or3A_1366 = arith.ori %gt3A_1362, %and3A_1365 : i1
    %jit3A_1367 = arith.constant 1 : i32
    %jit3A_1368 = arith.constant 0 : i32
    %select_n3A_1369 = arith.select %or3A_1366, %jit3A_1367, %jit3A_1368 : i32
    %add3A_1370 = arith.addi %add3A_1361, %select_n3A_1369 : i32
    %gt3A_1371 = arith.cmpf ogt, %squeeze3A_56, %squeeze3A_54 : f32
    %eq3A_1372 = arith.cmpf oeq, %squeeze3A_56, %squeeze3A_54 : f32
    %and3A_1373 = arith.constant false
    %and3A_1374 = arith.andi %eq3A_1372, %and3A_1373 : i1
    %or3A_1375 = arith.ori %gt3A_1371, %and3A_1374 : i1
    %jit3A_1376 = arith.constant 1 : i32
    %jit3A_1377 = arith.constant 0 : i32
    %select_n3A_1378 = arith.select %or3A_1375, %jit3A_1376, %jit3A_1377 : i32
    %add3A_1379 = arith.addi %add3A_1370, %select_n3A_1378 : i32
    %gt3A_1380 = arith.cmpf ogt, %squeeze3A_58, %squeeze3A_54 : f32
    %eq3A_1381 = arith.cmpf oeq, %squeeze3A_58, %squeeze3A_54 : f32
    %and3A_1382 = arith.constant false
    %and3A_1383 = arith.andi %eq3A_1381, %and3A_1382 : i1
    %or3A_1384 = arith.ori %gt3A_1380, %and3A_1383 : i1
    %jit3A_1385 = arith.constant 1 : i32
    %jit3A_1386 = arith.constant 0 : i32
    %select_n3A_1387 = arith.select %or3A_1384, %jit3A_1385, %jit3A_1386 : i32
    %add3A_1388 = arith.addi %add3A_1379, %select_n3A_1387 : i32
    %gt3A_1389 = arith.cmpf ogt, %squeeze3A_60, %squeeze3A_54 : f32
    %eq3A_1390 = arith.cmpf oeq, %squeeze3A_60, %squeeze3A_54 : f32
    %and3A_1391 = arith.constant false
    %and3A_1392 = arith.andi %eq3A_1390, %and3A_1391 : i1
    %or3A_1393 = arith.ori %gt3A_1389, %and3A_1392 : i1
    %jit3A_1394 = arith.constant 1 : i32
    %jit3A_1395 = arith.constant 0 : i32
    %select_n3A_1396 = arith.select %or3A_1393, %jit3A_1394, %jit3A_1395 : i32
    %add3A_1397 = arith.addi %add3A_1388, %select_n3A_1396 : i32
    %gt3A_1398 = arith.cmpf ogt, %squeeze3A_62, %squeeze3A_54 : f32
    %eq3A_1399 = arith.cmpf oeq, %squeeze3A_62, %squeeze3A_54 : f32
    %and3A_1400 = arith.constant false
    %and3A_1401 = arith.andi %eq3A_1399, %and3A_1400 : i1
    %or3A_1402 = arith.ori %gt3A_1398, %and3A_1401 : i1
    %jit3A_1403 = arith.constant 1 : i32
    %jit3A_1404 = arith.constant 0 : i32
    %select_n3A_1405 = arith.select %or3A_1402, %jit3A_1403, %jit3A_1404 : i32
    %add3A_1406 = arith.addi %add3A_1397, %select_n3A_1405 : i32
    %gt3A_1407 = arith.cmpf ogt, %squeeze3A_64, %squeeze3A_54 : f32
    %eq3A_1408 = arith.cmpf oeq, %squeeze3A_64, %squeeze3A_54 : f32
    %and3A_1409 = arith.constant false
    %and3A_1410 = arith.andi %eq3A_1408, %and3A_1409 : i1
    %or3A_1411 = arith.ori %gt3A_1407, %and3A_1410 : i1
    %jit3A_1412 = arith.constant 1 : i32
    %jit3A_1413 = arith.constant 0 : i32
    %select_n3A_1414 = arith.select %or3A_1411, %jit3A_1412, %jit3A_1413 : i32
    %add3A_1415 = arith.addi %add3A_1406, %select_n3A_1414 : i32
    %gt3A_1416 = arith.cmpf ogt, %squeeze3A_66, %squeeze3A_54 : f32
    %eq3A_1417 = arith.cmpf oeq, %squeeze3A_66, %squeeze3A_54 : f32
    %and3A_1418 = arith.constant false
    %and3A_1419 = arith.andi %eq3A_1417, %and3A_1418 : i1
    %or3A_1420 = arith.ori %gt3A_1416, %and3A_1419 : i1
    %jit3A_1421 = arith.constant 1 : i32
    %jit3A_1422 = arith.constant 0 : i32
    %select_n3A_1423 = arith.select %or3A_1420, %jit3A_1421, %jit3A_1422 : i32
    %add3A_1424 = arith.addi %add3A_1415, %select_n3A_1423 : i32
    %gt3A_1425 = arith.cmpf ogt, %squeeze3A, %squeeze3A_56 : f32
    %eq3A_1426 = arith.cmpf oeq, %squeeze3A, %squeeze3A_56 : f32
    %and3A_1427 = arith.constant true
    %and3A_1428 = arith.andi %eq3A_1426, %and3A_1427 : i1
    %or3A_1429 = arith.ori %gt3A_1425, %and3A_1428 : i1
    %jit3A_1430 = arith.constant 1 : i32
    %jit3A_1431 = arith.constant 0 : i32
    %select_n3A_1432 = arith.select %or3A_1429, %jit3A_1430, %jit3A_1431 : i32
    %add3A_1433 = arith.constant 0 : i32
    %add3A_1434 = arith.addi %add3A_1433, %select_n3A_1432 : i32
    %gt3A_1435 = arith.cmpf ogt, %squeeze3A_38, %squeeze3A_56 : f32
    %eq3A_1436 = arith.cmpf oeq, %squeeze3A_38, %squeeze3A_56 : f32
    %and3A_1437 = arith.constant true
    %and3A_1438 = arith.andi %eq3A_1436, %and3A_1437 : i1
    %or3A_1439 = arith.ori %gt3A_1435, %and3A_1438 : i1
    %jit3A_1440 = arith.constant 1 : i32
    %jit3A_1441 = arith.constant 0 : i32
    %select_n3A_1442 = arith.select %or3A_1439, %jit3A_1440, %jit3A_1441 : i32
    %add3A_1443 = arith.addi %add3A_1434, %select_n3A_1442 : i32
    %gt3A_1444 = arith.cmpf ogt, %squeeze3A_40, %squeeze3A_56 : f32
    %eq3A_1445 = arith.cmpf oeq, %squeeze3A_40, %squeeze3A_56 : f32
    %and3A_1446 = arith.constant true
    %and3A_1447 = arith.andi %eq3A_1445, %and3A_1446 : i1
    %or3A_1448 = arith.ori %gt3A_1444, %and3A_1447 : i1
    %jit3A_1449 = arith.constant 1 : i32
    %jit3A_1450 = arith.constant 0 : i32
    %select_n3A_1451 = arith.select %or3A_1448, %jit3A_1449, %jit3A_1450 : i32
    %add3A_1452 = arith.addi %add3A_1443, %select_n3A_1451 : i32
    %gt3A_1453 = arith.cmpf ogt, %squeeze3A_42, %squeeze3A_56 : f32
    %eq3A_1454 = arith.cmpf oeq, %squeeze3A_42, %squeeze3A_56 : f32
    %and3A_1455 = arith.constant true
    %and3A_1456 = arith.andi %eq3A_1454, %and3A_1455 : i1
    %or3A_1457 = arith.ori %gt3A_1453, %and3A_1456 : i1
    %jit3A_1458 = arith.constant 1 : i32
    %jit3A_1459 = arith.constant 0 : i32
    %select_n3A_1460 = arith.select %or3A_1457, %jit3A_1458, %jit3A_1459 : i32
    %add3A_1461 = arith.addi %add3A_1452, %select_n3A_1460 : i32
    %gt3A_1462 = arith.cmpf ogt, %squeeze3A_44, %squeeze3A_56 : f32
    %eq3A_1463 = arith.cmpf oeq, %squeeze3A_44, %squeeze3A_56 : f32
    %and3A_1464 = arith.constant true
    %and3A_1465 = arith.andi %eq3A_1463, %and3A_1464 : i1
    %or3A_1466 = arith.ori %gt3A_1462, %and3A_1465 : i1
    %jit3A_1467 = arith.constant 1 : i32
    %jit3A_1468 = arith.constant 0 : i32
    %select_n3A_1469 = arith.select %or3A_1466, %jit3A_1467, %jit3A_1468 : i32
    %add3A_1470 = arith.addi %add3A_1461, %select_n3A_1469 : i32
    %gt3A_1471 = arith.cmpf ogt, %squeeze3A_46, %squeeze3A_56 : f32
    %eq3A_1472 = arith.cmpf oeq, %squeeze3A_46, %squeeze3A_56 : f32
    %and3A_1473 = arith.constant true
    %and3A_1474 = arith.andi %eq3A_1472, %and3A_1473 : i1
    %or3A_1475 = arith.ori %gt3A_1471, %and3A_1474 : i1
    %jit3A_1476 = arith.constant 1 : i32
    %jit3A_1477 = arith.constant 0 : i32
    %select_n3A_1478 = arith.select %or3A_1475, %jit3A_1476, %jit3A_1477 : i32
    %add3A_1479 = arith.addi %add3A_1470, %select_n3A_1478 : i32
    %gt3A_1480 = arith.cmpf ogt, %squeeze3A_48, %squeeze3A_56 : f32
    %eq3A_1481 = arith.cmpf oeq, %squeeze3A_48, %squeeze3A_56 : f32
    %and3A_1482 = arith.constant true
    %and3A_1483 = arith.andi %eq3A_1481, %and3A_1482 : i1
    %or3A_1484 = arith.ori %gt3A_1480, %and3A_1483 : i1
    %jit3A_1485 = arith.constant 1 : i32
    %jit3A_1486 = arith.constant 0 : i32
    %select_n3A_1487 = arith.select %or3A_1484, %jit3A_1485, %jit3A_1486 : i32
    %add3A_1488 = arith.addi %add3A_1479, %select_n3A_1487 : i32
    %gt3A_1489 = arith.cmpf ogt, %squeeze3A_50, %squeeze3A_56 : f32
    %eq3A_1490 = arith.cmpf oeq, %squeeze3A_50, %squeeze3A_56 : f32
    %and3A_1491 = arith.constant true
    %and3A_1492 = arith.andi %eq3A_1490, %and3A_1491 : i1
    %or3A_1493 = arith.ori %gt3A_1489, %and3A_1492 : i1
    %jit3A_1494 = arith.constant 1 : i32
    %jit3A_1495 = arith.constant 0 : i32
    %select_n3A_1496 = arith.select %or3A_1493, %jit3A_1494, %jit3A_1495 : i32
    %add3A_1497 = arith.addi %add3A_1488, %select_n3A_1496 : i32
    %gt3A_1498 = arith.cmpf ogt, %squeeze3A_52, %squeeze3A_56 : f32
    %eq3A_1499 = arith.cmpf oeq, %squeeze3A_52, %squeeze3A_56 : f32
    %and3A_1500 = arith.constant true
    %and3A_1501 = arith.andi %eq3A_1499, %and3A_1500 : i1
    %or3A_1502 = arith.ori %gt3A_1498, %and3A_1501 : i1
    %jit3A_1503 = arith.constant 1 : i32
    %jit3A_1504 = arith.constant 0 : i32
    %select_n3A_1505 = arith.select %or3A_1502, %jit3A_1503, %jit3A_1504 : i32
    %add3A_1506 = arith.addi %add3A_1497, %select_n3A_1505 : i32
    %gt3A_1507 = arith.cmpf ogt, %squeeze3A_54, %squeeze3A_56 : f32
    %eq3A_1508 = arith.cmpf oeq, %squeeze3A_54, %squeeze3A_56 : f32
    %and3A_1509 = arith.constant true
    %and3A_1510 = arith.andi %eq3A_1508, %and3A_1509 : i1
    %or3A_1511 = arith.ori %gt3A_1507, %and3A_1510 : i1
    %jit3A_1512 = arith.constant 1 : i32
    %jit3A_1513 = arith.constant 0 : i32
    %select_n3A_1514 = arith.select %or3A_1511, %jit3A_1512, %jit3A_1513 : i32
    %add3A_1515 = arith.addi %add3A_1506, %select_n3A_1514 : i32
    %gt3A_1516 = arith.cmpf ogt, %squeeze3A_58, %squeeze3A_56 : f32
    %eq3A_1517 = arith.cmpf oeq, %squeeze3A_58, %squeeze3A_56 : f32
    %and3A_1518 = arith.constant false
    %and3A_1519 = arith.andi %eq3A_1517, %and3A_1518 : i1
    %or3A_1520 = arith.ori %gt3A_1516, %and3A_1519 : i1
    %jit3A_1521 = arith.constant 1 : i32
    %jit3A_1522 = arith.constant 0 : i32
    %select_n3A_1523 = arith.select %or3A_1520, %jit3A_1521, %jit3A_1522 : i32
    %add3A_1524 = arith.addi %add3A_1515, %select_n3A_1523 : i32
    %gt3A_1525 = arith.cmpf ogt, %squeeze3A_60, %squeeze3A_56 : f32
    %eq3A_1526 = arith.cmpf oeq, %squeeze3A_60, %squeeze3A_56 : f32
    %and3A_1527 = arith.constant false
    %and3A_1528 = arith.andi %eq3A_1526, %and3A_1527 : i1
    %or3A_1529 = arith.ori %gt3A_1525, %and3A_1528 : i1
    %jit3A_1530 = arith.constant 1 : i32
    %jit3A_1531 = arith.constant 0 : i32
    %select_n3A_1532 = arith.select %or3A_1529, %jit3A_1530, %jit3A_1531 : i32
    %add3A_1533 = arith.addi %add3A_1524, %select_n3A_1532 : i32
    %gt3A_1534 = arith.cmpf ogt, %squeeze3A_62, %squeeze3A_56 : f32
    %eq3A_1535 = arith.cmpf oeq, %squeeze3A_62, %squeeze3A_56 : f32
    %and3A_1536 = arith.constant false
    %and3A_1537 = arith.andi %eq3A_1535, %and3A_1536 : i1
    %or3A_1538 = arith.ori %gt3A_1534, %and3A_1537 : i1
    %jit3A_1539 = arith.constant 1 : i32
    %jit3A_1540 = arith.constant 0 : i32
    %select_n3A_1541 = arith.select %or3A_1538, %jit3A_1539, %jit3A_1540 : i32
    %add3A_1542 = arith.addi %add3A_1533, %select_n3A_1541 : i32
    %gt3A_1543 = arith.cmpf ogt, %squeeze3A_64, %squeeze3A_56 : f32
    %eq3A_1544 = arith.cmpf oeq, %squeeze3A_64, %squeeze3A_56 : f32
    %and3A_1545 = arith.constant false
    %and3A_1546 = arith.andi %eq3A_1544, %and3A_1545 : i1
    %or3A_1547 = arith.ori %gt3A_1543, %and3A_1546 : i1
    %jit3A_1548 = arith.constant 1 : i32
    %jit3A_1549 = arith.constant 0 : i32
    %select_n3A_1550 = arith.select %or3A_1547, %jit3A_1548, %jit3A_1549 : i32
    %add3A_1551 = arith.addi %add3A_1542, %select_n3A_1550 : i32
    %gt3A_1552 = arith.cmpf ogt, %squeeze3A_66, %squeeze3A_56 : f32
    %eq3A_1553 = arith.cmpf oeq, %squeeze3A_66, %squeeze3A_56 : f32
    %and3A_1554 = arith.constant false
    %and3A_1555 = arith.andi %eq3A_1553, %and3A_1554 : i1
    %or3A_1556 = arith.ori %gt3A_1552, %and3A_1555 : i1
    %jit3A_1557 = arith.constant 1 : i32
    %jit3A_1558 = arith.constant 0 : i32
    %select_n3A_1559 = arith.select %or3A_1556, %jit3A_1557, %jit3A_1558 : i32
    %add3A_1560 = arith.addi %add3A_1551, %select_n3A_1559 : i32
    %gt3A_1561 = arith.cmpf ogt, %squeeze3A, %squeeze3A_58 : f32
    %eq3A_1562 = arith.cmpf oeq, %squeeze3A, %squeeze3A_58 : f32
    %and3A_1563 = arith.constant true
    %and3A_1564 = arith.andi %eq3A_1562, %and3A_1563 : i1
    %or3A_1565 = arith.ori %gt3A_1561, %and3A_1564 : i1
    %jit3A_1566 = arith.constant 1 : i32
    %jit3A_1567 = arith.constant 0 : i32
    %select_n3A_1568 = arith.select %or3A_1565, %jit3A_1566, %jit3A_1567 : i32
    %add3A_1569 = arith.constant 0 : i32
    %add3A_1570 = arith.addi %add3A_1569, %select_n3A_1568 : i32
    %gt3A_1571 = arith.cmpf ogt, %squeeze3A_38, %squeeze3A_58 : f32
    %eq3A_1572 = arith.cmpf oeq, %squeeze3A_38, %squeeze3A_58 : f32
    %and3A_1573 = arith.constant true
    %and3A_1574 = arith.andi %eq3A_1572, %and3A_1573 : i1
    %or3A_1575 = arith.ori %gt3A_1571, %and3A_1574 : i1
    %jit3A_1576 = arith.constant 1 : i32
    %jit3A_1577 = arith.constant 0 : i32
    %select_n3A_1578 = arith.select %or3A_1575, %jit3A_1576, %jit3A_1577 : i32
    %add3A_1579 = arith.addi %add3A_1570, %select_n3A_1578 : i32
    %gt3A_1580 = arith.cmpf ogt, %squeeze3A_40, %squeeze3A_58 : f32
    %eq3A_1581 = arith.cmpf oeq, %squeeze3A_40, %squeeze3A_58 : f32
    %and3A_1582 = arith.constant true
    %and3A_1583 = arith.andi %eq3A_1581, %and3A_1582 : i1
    %or3A_1584 = arith.ori %gt3A_1580, %and3A_1583 : i1
    %jit3A_1585 = arith.constant 1 : i32
    %jit3A_1586 = arith.constant 0 : i32
    %select_n3A_1587 = arith.select %or3A_1584, %jit3A_1585, %jit3A_1586 : i32
    %add3A_1588 = arith.addi %add3A_1579, %select_n3A_1587 : i32
    %gt3A_1589 = arith.cmpf ogt, %squeeze3A_42, %squeeze3A_58 : f32
    %eq3A_1590 = arith.cmpf oeq, %squeeze3A_42, %squeeze3A_58 : f32
    %and3A_1591 = arith.constant true
    %and3A_1592 = arith.andi %eq3A_1590, %and3A_1591 : i1
    %or3A_1593 = arith.ori %gt3A_1589, %and3A_1592 : i1
    %jit3A_1594 = arith.constant 1 : i32
    %jit3A_1595 = arith.constant 0 : i32
    %select_n3A_1596 = arith.select %or3A_1593, %jit3A_1594, %jit3A_1595 : i32
    %add3A_1597 = arith.addi %add3A_1588, %select_n3A_1596 : i32
    %gt3A_1598 = arith.cmpf ogt, %squeeze3A_44, %squeeze3A_58 : f32
    %eq3A_1599 = arith.cmpf oeq, %squeeze3A_44, %squeeze3A_58 : f32
    %and3A_1600 = arith.constant true
    %and3A_1601 = arith.andi %eq3A_1599, %and3A_1600 : i1
    %or3A_1602 = arith.ori %gt3A_1598, %and3A_1601 : i1
    %jit3A_1603 = arith.constant 1 : i32
    %jit3A_1604 = arith.constant 0 : i32
    %select_n3A_1605 = arith.select %or3A_1602, %jit3A_1603, %jit3A_1604 : i32
    %add3A_1606 = arith.addi %add3A_1597, %select_n3A_1605 : i32
    %gt3A_1607 = arith.cmpf ogt, %squeeze3A_46, %squeeze3A_58 : f32
    %eq3A_1608 = arith.cmpf oeq, %squeeze3A_46, %squeeze3A_58 : f32
    %and3A_1609 = arith.constant true
    %and3A_1610 = arith.andi %eq3A_1608, %and3A_1609 : i1
    %or3A_1611 = arith.ori %gt3A_1607, %and3A_1610 : i1
    %jit3A_1612 = arith.constant 1 : i32
    %jit3A_1613 = arith.constant 0 : i32
    %select_n3A_1614 = arith.select %or3A_1611, %jit3A_1612, %jit3A_1613 : i32
    %add3A_1615 = arith.addi %add3A_1606, %select_n3A_1614 : i32
    %gt3A_1616 = arith.cmpf ogt, %squeeze3A_48, %squeeze3A_58 : f32
    %eq3A_1617 = arith.cmpf oeq, %squeeze3A_48, %squeeze3A_58 : f32
    %and3A_1618 = arith.constant true
    %and3A_1619 = arith.andi %eq3A_1617, %and3A_1618 : i1
    %or3A_1620 = arith.ori %gt3A_1616, %and3A_1619 : i1
    %jit3A_1621 = arith.constant 1 : i32
    %jit3A_1622 = arith.constant 0 : i32
    %select_n3A_1623 = arith.select %or3A_1620, %jit3A_1621, %jit3A_1622 : i32
    %add3A_1624 = arith.addi %add3A_1615, %select_n3A_1623 : i32
    %gt3A_1625 = arith.cmpf ogt, %squeeze3A_50, %squeeze3A_58 : f32
    %eq3A_1626 = arith.cmpf oeq, %squeeze3A_50, %squeeze3A_58 : f32
    %and3A_1627 = arith.constant true
    %and3A_1628 = arith.andi %eq3A_1626, %and3A_1627 : i1
    %or3A_1629 = arith.ori %gt3A_1625, %and3A_1628 : i1
    %jit3A_1630 = arith.constant 1 : i32
    %jit3A_1631 = arith.constant 0 : i32
    %select_n3A_1632 = arith.select %or3A_1629, %jit3A_1630, %jit3A_1631 : i32
    %add3A_1633 = arith.addi %add3A_1624, %select_n3A_1632 : i32
    %gt3A_1634 = arith.cmpf ogt, %squeeze3A_52, %squeeze3A_58 : f32
    %eq3A_1635 = arith.cmpf oeq, %squeeze3A_52, %squeeze3A_58 : f32
    %and3A_1636 = arith.constant true
    %and3A_1637 = arith.andi %eq3A_1635, %and3A_1636 : i1
    %or3A_1638 = arith.ori %gt3A_1634, %and3A_1637 : i1
    %jit3A_1639 = arith.constant 1 : i32
    %jit3A_1640 = arith.constant 0 : i32
    %select_n3A_1641 = arith.select %or3A_1638, %jit3A_1639, %jit3A_1640 : i32
    %add3A_1642 = arith.addi %add3A_1633, %select_n3A_1641 : i32
    %gt3A_1643 = arith.cmpf ogt, %squeeze3A_54, %squeeze3A_58 : f32
    %eq3A_1644 = arith.cmpf oeq, %squeeze3A_54, %squeeze3A_58 : f32
    %and3A_1645 = arith.constant true
    %and3A_1646 = arith.andi %eq3A_1644, %and3A_1645 : i1
    %or3A_1647 = arith.ori %gt3A_1643, %and3A_1646 : i1
    %jit3A_1648 = arith.constant 1 : i32
    %jit3A_1649 = arith.constant 0 : i32
    %select_n3A_1650 = arith.select %or3A_1647, %jit3A_1648, %jit3A_1649 : i32
    %add3A_1651 = arith.addi %add3A_1642, %select_n3A_1650 : i32
    %gt3A_1652 = arith.cmpf ogt, %squeeze3A_56, %squeeze3A_58 : f32
    %eq3A_1653 = arith.cmpf oeq, %squeeze3A_56, %squeeze3A_58 : f32
    %and3A_1654 = arith.constant true
    %and3A_1655 = arith.andi %eq3A_1653, %and3A_1654 : i1
    %or3A_1656 = arith.ori %gt3A_1652, %and3A_1655 : i1
    %jit3A_1657 = arith.constant 1 : i32
    %jit3A_1658 = arith.constant 0 : i32
    %select_n3A_1659 = arith.select %or3A_1656, %jit3A_1657, %jit3A_1658 : i32
    %add3A_1660 = arith.addi %add3A_1651, %select_n3A_1659 : i32
    %gt3A_1661 = arith.cmpf ogt, %squeeze3A_60, %squeeze3A_58 : f32
    %eq3A_1662 = arith.cmpf oeq, %squeeze3A_60, %squeeze3A_58 : f32
    %and3A_1663 = arith.constant false
    %and3A_1664 = arith.andi %eq3A_1662, %and3A_1663 : i1
    %or3A_1665 = arith.ori %gt3A_1661, %and3A_1664 : i1
    %jit3A_1666 = arith.constant 1 : i32
    %jit3A_1667 = arith.constant 0 : i32
    %select_n3A_1668 = arith.select %or3A_1665, %jit3A_1666, %jit3A_1667 : i32
    %add3A_1669 = arith.addi %add3A_1660, %select_n3A_1668 : i32
    %gt3A_1670 = arith.cmpf ogt, %squeeze3A_62, %squeeze3A_58 : f32
    %eq3A_1671 = arith.cmpf oeq, %squeeze3A_62, %squeeze3A_58 : f32
    %and3A_1672 = arith.constant false
    %and3A_1673 = arith.andi %eq3A_1671, %and3A_1672 : i1
    %or3A_1674 = arith.ori %gt3A_1670, %and3A_1673 : i1
    %jit3A_1675 = arith.constant 1 : i32
    %jit3A_1676 = arith.constant 0 : i32
    %select_n3A_1677 = arith.select %or3A_1674, %jit3A_1675, %jit3A_1676 : i32
    %add3A_1678 = arith.addi %add3A_1669, %select_n3A_1677 : i32
    %gt3A_1679 = arith.cmpf ogt, %squeeze3A_64, %squeeze3A_58 : f32
    %eq3A_1680 = arith.cmpf oeq, %squeeze3A_64, %squeeze3A_58 : f32
    %and3A_1681 = arith.constant false
    %and3A_1682 = arith.andi %eq3A_1680, %and3A_1681 : i1
    %or3A_1683 = arith.ori %gt3A_1679, %and3A_1682 : i1
    %jit3A_1684 = arith.constant 1 : i32
    %jit3A_1685 = arith.constant 0 : i32
    %select_n3A_1686 = arith.select %or3A_1683, %jit3A_1684, %jit3A_1685 : i32
    %add3A_1687 = arith.addi %add3A_1678, %select_n3A_1686 : i32
    %gt3A_1688 = arith.cmpf ogt, %squeeze3A_66, %squeeze3A_58 : f32
    %eq3A_1689 = arith.cmpf oeq, %squeeze3A_66, %squeeze3A_58 : f32
    %and3A_1690 = arith.constant false
    %and3A_1691 = arith.andi %eq3A_1689, %and3A_1690 : i1
    %or3A_1692 = arith.ori %gt3A_1688, %and3A_1691 : i1
    %jit3A_1693 = arith.constant 1 : i32
    %jit3A_1694 = arith.constant 0 : i32
    %select_n3A_1695 = arith.select %or3A_1692, %jit3A_1693, %jit3A_1694 : i32
    %add3A_1696 = arith.addi %add3A_1687, %select_n3A_1695 : i32
    %gt3A_1697 = arith.cmpf ogt, %squeeze3A, %squeeze3A_60 : f32
    %eq3A_1698 = arith.cmpf oeq, %squeeze3A, %squeeze3A_60 : f32
    %and3A_1699 = arith.constant true
    %and3A_1700 = arith.andi %eq3A_1698, %and3A_1699 : i1
    %or3A_1701 = arith.ori %gt3A_1697, %and3A_1700 : i1
    %jit3A_1702 = arith.constant 1 : i32
    %jit3A_1703 = arith.constant 0 : i32
    %select_n3A_1704 = arith.select %or3A_1701, %jit3A_1702, %jit3A_1703 : i32
    %add3A_1705 = arith.constant 0 : i32
    %add3A_1706 = arith.addi %add3A_1705, %select_n3A_1704 : i32
    %gt3A_1707 = arith.cmpf ogt, %squeeze3A_38, %squeeze3A_60 : f32
    %eq3A_1708 = arith.cmpf oeq, %squeeze3A_38, %squeeze3A_60 : f32
    %and3A_1709 = arith.constant true
    %and3A_1710 = arith.andi %eq3A_1708, %and3A_1709 : i1
    %or3A_1711 = arith.ori %gt3A_1707, %and3A_1710 : i1
    %jit3A_1712 = arith.constant 1 : i32
    %jit3A_1713 = arith.constant 0 : i32
    %select_n3A_1714 = arith.select %or3A_1711, %jit3A_1712, %jit3A_1713 : i32
    %add3A_1715 = arith.addi %add3A_1706, %select_n3A_1714 : i32
    %gt3A_1716 = arith.cmpf ogt, %squeeze3A_40, %squeeze3A_60 : f32
    %eq3A_1717 = arith.cmpf oeq, %squeeze3A_40, %squeeze3A_60 : f32
    %and3A_1718 = arith.constant true
    %and3A_1719 = arith.andi %eq3A_1717, %and3A_1718 : i1
    %or3A_1720 = arith.ori %gt3A_1716, %and3A_1719 : i1
    %jit3A_1721 = arith.constant 1 : i32
    %jit3A_1722 = arith.constant 0 : i32
    %select_n3A_1723 = arith.select %or3A_1720, %jit3A_1721, %jit3A_1722 : i32
    %add3A_1724 = arith.addi %add3A_1715, %select_n3A_1723 : i32
    %gt3A_1725 = arith.cmpf ogt, %squeeze3A_42, %squeeze3A_60 : f32
    %eq3A_1726 = arith.cmpf oeq, %squeeze3A_42, %squeeze3A_60 : f32
    %and3A_1727 = arith.constant true
    %and3A_1728 = arith.andi %eq3A_1726, %and3A_1727 : i1
    %or3A_1729 = arith.ori %gt3A_1725, %and3A_1728 : i1
    %jit3A_1730 = arith.constant 1 : i32
    %jit3A_1731 = arith.constant 0 : i32
    %select_n3A_1732 = arith.select %or3A_1729, %jit3A_1730, %jit3A_1731 : i32
    %add3A_1733 = arith.addi %add3A_1724, %select_n3A_1732 : i32
    %gt3A_1734 = arith.cmpf ogt, %squeeze3A_44, %squeeze3A_60 : f32
    %eq3A_1735 = arith.cmpf oeq, %squeeze3A_44, %squeeze3A_60 : f32
    %and3A_1736 = arith.constant true
    %and3A_1737 = arith.andi %eq3A_1735, %and3A_1736 : i1
    %or3A_1738 = arith.ori %gt3A_1734, %and3A_1737 : i1
    %jit3A_1739 = arith.constant 1 : i32
    %jit3A_1740 = arith.constant 0 : i32
    %select_n3A_1741 = arith.select %or3A_1738, %jit3A_1739, %jit3A_1740 : i32
    %add3A_1742 = arith.addi %add3A_1733, %select_n3A_1741 : i32
    %gt3A_1743 = arith.cmpf ogt, %squeeze3A_46, %squeeze3A_60 : f32
    %eq3A_1744 = arith.cmpf oeq, %squeeze3A_46, %squeeze3A_60 : f32
    %and3A_1745 = arith.constant true
    %and3A_1746 = arith.andi %eq3A_1744, %and3A_1745 : i1
    %or3A_1747 = arith.ori %gt3A_1743, %and3A_1746 : i1
    %jit3A_1748 = arith.constant 1 : i32
    %jit3A_1749 = arith.constant 0 : i32
    %select_n3A_1750 = arith.select %or3A_1747, %jit3A_1748, %jit3A_1749 : i32
    %add3A_1751 = arith.addi %add3A_1742, %select_n3A_1750 : i32
    %gt3A_1752 = arith.cmpf ogt, %squeeze3A_48, %squeeze3A_60 : f32
    %eq3A_1753 = arith.cmpf oeq, %squeeze3A_48, %squeeze3A_60 : f32
    %and3A_1754 = arith.constant true
    %and3A_1755 = arith.andi %eq3A_1753, %and3A_1754 : i1
    %or3A_1756 = arith.ori %gt3A_1752, %and3A_1755 : i1
    %jit3A_1757 = arith.constant 1 : i32
    %jit3A_1758 = arith.constant 0 : i32
    %select_n3A_1759 = arith.select %or3A_1756, %jit3A_1757, %jit3A_1758 : i32
    %add3A_1760 = arith.addi %add3A_1751, %select_n3A_1759 : i32
    %gt3A_1761 = arith.cmpf ogt, %squeeze3A_50, %squeeze3A_60 : f32
    %eq3A_1762 = arith.cmpf oeq, %squeeze3A_50, %squeeze3A_60 : f32
    %and3A_1763 = arith.constant true
    %and3A_1764 = arith.andi %eq3A_1762, %and3A_1763 : i1
    %or3A_1765 = arith.ori %gt3A_1761, %and3A_1764 : i1
    %jit3A_1766 = arith.constant 1 : i32
    %jit3A_1767 = arith.constant 0 : i32
    %select_n3A_1768 = arith.select %or3A_1765, %jit3A_1766, %jit3A_1767 : i32
    %add3A_1769 = arith.addi %add3A_1760, %select_n3A_1768 : i32
    %gt3A_1770 = arith.cmpf ogt, %squeeze3A_52, %squeeze3A_60 : f32
    %eq3A_1771 = arith.cmpf oeq, %squeeze3A_52, %squeeze3A_60 : f32
    %and3A_1772 = arith.constant true
    %and3A_1773 = arith.andi %eq3A_1771, %and3A_1772 : i1
    %or3A_1774 = arith.ori %gt3A_1770, %and3A_1773 : i1
    %jit3A_1775 = arith.constant 1 : i32
    %jit3A_1776 = arith.constant 0 : i32
    %select_n3A_1777 = arith.select %or3A_1774, %jit3A_1775, %jit3A_1776 : i32
    %add3A_1778 = arith.addi %add3A_1769, %select_n3A_1777 : i32
    %gt3A_1779 = arith.cmpf ogt, %squeeze3A_54, %squeeze3A_60 : f32
    %eq3A_1780 = arith.cmpf oeq, %squeeze3A_54, %squeeze3A_60 : f32
    %and3A_1781 = arith.constant true
    %and3A_1782 = arith.andi %eq3A_1780, %and3A_1781 : i1
    %or3A_1783 = arith.ori %gt3A_1779, %and3A_1782 : i1
    %jit3A_1784 = arith.constant 1 : i32
    %jit3A_1785 = arith.constant 0 : i32
    %select_n3A_1786 = arith.select %or3A_1783, %jit3A_1784, %jit3A_1785 : i32
    %add3A_1787 = arith.addi %add3A_1778, %select_n3A_1786 : i32
    %gt3A_1788 = arith.cmpf ogt, %squeeze3A_56, %squeeze3A_60 : f32
    %eq3A_1789 = arith.cmpf oeq, %squeeze3A_56, %squeeze3A_60 : f32
    %and3A_1790 = arith.constant true
    %and3A_1791 = arith.andi %eq3A_1789, %and3A_1790 : i1
    %or3A_1792 = arith.ori %gt3A_1788, %and3A_1791 : i1
    %jit3A_1793 = arith.constant 1 : i32
    %jit3A_1794 = arith.constant 0 : i32
    %select_n3A_1795 = arith.select %or3A_1792, %jit3A_1793, %jit3A_1794 : i32
    %add3A_1796 = arith.addi %add3A_1787, %select_n3A_1795 : i32
    %gt3A_1797 = arith.cmpf ogt, %squeeze3A_58, %squeeze3A_60 : f32
    %eq3A_1798 = arith.cmpf oeq, %squeeze3A_58, %squeeze3A_60 : f32
    %and3A_1799 = arith.constant true
    %and3A_1800 = arith.andi %eq3A_1798, %and3A_1799 : i1
    %or3A_1801 = arith.ori %gt3A_1797, %and3A_1800 : i1
    %jit3A_1802 = arith.constant 1 : i32
    %jit3A_1803 = arith.constant 0 : i32
    %select_n3A_1804 = arith.select %or3A_1801, %jit3A_1802, %jit3A_1803 : i32
    %add3A_1805 = arith.addi %add3A_1796, %select_n3A_1804 : i32
    %gt3A_1806 = arith.cmpf ogt, %squeeze3A_62, %squeeze3A_60 : f32
    %eq3A_1807 = arith.cmpf oeq, %squeeze3A_62, %squeeze3A_60 : f32
    %and3A_1808 = arith.constant false
    %and3A_1809 = arith.andi %eq3A_1807, %and3A_1808 : i1
    %or3A_1810 = arith.ori %gt3A_1806, %and3A_1809 : i1
    %jit3A_1811 = arith.constant 1 : i32
    %jit3A_1812 = arith.constant 0 : i32
    %select_n3A_1813 = arith.select %or3A_1810, %jit3A_1811, %jit3A_1812 : i32
    %add3A_1814 = arith.addi %add3A_1805, %select_n3A_1813 : i32
    %gt3A_1815 = arith.cmpf ogt, %squeeze3A_64, %squeeze3A_60 : f32
    %eq3A_1816 = arith.cmpf oeq, %squeeze3A_64, %squeeze3A_60 : f32
    %and3A_1817 = arith.constant false
    %and3A_1818 = arith.andi %eq3A_1816, %and3A_1817 : i1
    %or3A_1819 = arith.ori %gt3A_1815, %and3A_1818 : i1
    %jit3A_1820 = arith.constant 1 : i32
    %jit3A_1821 = arith.constant 0 : i32
    %select_n3A_1822 = arith.select %or3A_1819, %jit3A_1820, %jit3A_1821 : i32
    %add3A_1823 = arith.addi %add3A_1814, %select_n3A_1822 : i32
    %gt3A_1824 = arith.cmpf ogt, %squeeze3A_66, %squeeze3A_60 : f32
    %eq3A_1825 = arith.cmpf oeq, %squeeze3A_66, %squeeze3A_60 : f32
    %and3A_1826 = arith.constant false
    %and3A_1827 = arith.andi %eq3A_1825, %and3A_1826 : i1
    %or3A_1828 = arith.ori %gt3A_1824, %and3A_1827 : i1
    %jit3A_1829 = arith.constant 1 : i32
    %jit3A_1830 = arith.constant 0 : i32
    %select_n3A_1831 = arith.select %or3A_1828, %jit3A_1829, %jit3A_1830 : i32
    %add3A_1832 = arith.addi %add3A_1823, %select_n3A_1831 : i32
    %gt3A_1833 = arith.cmpf ogt, %squeeze3A, %squeeze3A_62 : f32
    %eq3A_1834 = arith.cmpf oeq, %squeeze3A, %squeeze3A_62 : f32
    %and3A_1835 = arith.constant true
    %and3A_1836 = arith.andi %eq3A_1834, %and3A_1835 : i1
    %or3A_1837 = arith.ori %gt3A_1833, %and3A_1836 : i1
    %jit3A_1838 = arith.constant 1 : i32
    %jit3A_1839 = arith.constant 0 : i32
    %select_n3A_1840 = arith.select %or3A_1837, %jit3A_1838, %jit3A_1839 : i32
    %add3A_1841 = arith.constant 0 : i32
    %add3A_1842 = arith.addi %add3A_1841, %select_n3A_1840 : i32
    %gt3A_1843 = arith.cmpf ogt, %squeeze3A_38, %squeeze3A_62 : f32
    %eq3A_1844 = arith.cmpf oeq, %squeeze3A_38, %squeeze3A_62 : f32
    %and3A_1845 = arith.constant true
    %and3A_1846 = arith.andi %eq3A_1844, %and3A_1845 : i1
    %or3A_1847 = arith.ori %gt3A_1843, %and3A_1846 : i1
    %jit3A_1848 = arith.constant 1 : i32
    %jit3A_1849 = arith.constant 0 : i32
    %select_n3A_1850 = arith.select %or3A_1847, %jit3A_1848, %jit3A_1849 : i32
    %add3A_1851 = arith.addi %add3A_1842, %select_n3A_1850 : i32
    %gt3A_1852 = arith.cmpf ogt, %squeeze3A_40, %squeeze3A_62 : f32
    %eq3A_1853 = arith.cmpf oeq, %squeeze3A_40, %squeeze3A_62 : f32
    %and3A_1854 = arith.constant true
    %and3A_1855 = arith.andi %eq3A_1853, %and3A_1854 : i1
    %or3A_1856 = arith.ori %gt3A_1852, %and3A_1855 : i1
    %jit3A_1857 = arith.constant 1 : i32
    %jit3A_1858 = arith.constant 0 : i32
    %select_n3A_1859 = arith.select %or3A_1856, %jit3A_1857, %jit3A_1858 : i32
    %add3A_1860 = arith.addi %add3A_1851, %select_n3A_1859 : i32
    %gt3A_1861 = arith.cmpf ogt, %squeeze3A_42, %squeeze3A_62 : f32
    %eq3A_1862 = arith.cmpf oeq, %squeeze3A_42, %squeeze3A_62 : f32
    %and3A_1863 = arith.constant true
    %and3A_1864 = arith.andi %eq3A_1862, %and3A_1863 : i1
    %or3A_1865 = arith.ori %gt3A_1861, %and3A_1864 : i1
    %jit3A_1866 = arith.constant 1 : i32
    %jit3A_1867 = arith.constant 0 : i32
    %select_n3A_1868 = arith.select %or3A_1865, %jit3A_1866, %jit3A_1867 : i32
    %add3A_1869 = arith.addi %add3A_1860, %select_n3A_1868 : i32
    %gt3A_1870 = arith.cmpf ogt, %squeeze3A_44, %squeeze3A_62 : f32
    %eq3A_1871 = arith.cmpf oeq, %squeeze3A_44, %squeeze3A_62 : f32
    %and3A_1872 = arith.constant true
    %and3A_1873 = arith.andi %eq3A_1871, %and3A_1872 : i1
    %or3A_1874 = arith.ori %gt3A_1870, %and3A_1873 : i1
    %jit3A_1875 = arith.constant 1 : i32
    %jit3A_1876 = arith.constant 0 : i32
    %select_n3A_1877 = arith.select %or3A_1874, %jit3A_1875, %jit3A_1876 : i32
    %add3A_1878 = arith.addi %add3A_1869, %select_n3A_1877 : i32
    %gt3A_1879 = arith.cmpf ogt, %squeeze3A_46, %squeeze3A_62 : f32
    %eq3A_1880 = arith.cmpf oeq, %squeeze3A_46, %squeeze3A_62 : f32
    %and3A_1881 = arith.constant true
    %and3A_1882 = arith.andi %eq3A_1880, %and3A_1881 : i1
    %or3A_1883 = arith.ori %gt3A_1879, %and3A_1882 : i1
    %jit3A_1884 = arith.constant 1 : i32
    %jit3A_1885 = arith.constant 0 : i32
    %select_n3A_1886 = arith.select %or3A_1883, %jit3A_1884, %jit3A_1885 : i32
    %add3A_1887 = arith.addi %add3A_1878, %select_n3A_1886 : i32
    %gt3A_1888 = arith.cmpf ogt, %squeeze3A_48, %squeeze3A_62 : f32
    %eq3A_1889 = arith.cmpf oeq, %squeeze3A_48, %squeeze3A_62 : f32
    %and3A_1890 = arith.constant true
    %and3A_1891 = arith.andi %eq3A_1889, %and3A_1890 : i1
    %or3A_1892 = arith.ori %gt3A_1888, %and3A_1891 : i1
    %jit3A_1893 = arith.constant 1 : i32
    %jit3A_1894 = arith.constant 0 : i32
    %select_n3A_1895 = arith.select %or3A_1892, %jit3A_1893, %jit3A_1894 : i32
    %add3A_1896 = arith.addi %add3A_1887, %select_n3A_1895 : i32
    %gt3A_1897 = arith.cmpf ogt, %squeeze3A_50, %squeeze3A_62 : f32
    %eq3A_1898 = arith.cmpf oeq, %squeeze3A_50, %squeeze3A_62 : f32
    %and3A_1899 = arith.constant true
    %and3A_1900 = arith.andi %eq3A_1898, %and3A_1899 : i1
    %or3A_1901 = arith.ori %gt3A_1897, %and3A_1900 : i1
    %jit3A_1902 = arith.constant 1 : i32
    %jit3A_1903 = arith.constant 0 : i32
    %select_n3A_1904 = arith.select %or3A_1901, %jit3A_1902, %jit3A_1903 : i32
    %add3A_1905 = arith.addi %add3A_1896, %select_n3A_1904 : i32
    %gt3A_1906 = arith.cmpf ogt, %squeeze3A_52, %squeeze3A_62 : f32
    %eq3A_1907 = arith.cmpf oeq, %squeeze3A_52, %squeeze3A_62 : f32
    %and3A_1908 = arith.constant true
    %and3A_1909 = arith.andi %eq3A_1907, %and3A_1908 : i1
    %or3A_1910 = arith.ori %gt3A_1906, %and3A_1909 : i1
    %jit3A_1911 = arith.constant 1 : i32
    %jit3A_1912 = arith.constant 0 : i32
    %select_n3A_1913 = arith.select %or3A_1910, %jit3A_1911, %jit3A_1912 : i32
    %add3A_1914 = arith.addi %add3A_1905, %select_n3A_1913 : i32
    %gt3A_1915 = arith.cmpf ogt, %squeeze3A_54, %squeeze3A_62 : f32
    %eq3A_1916 = arith.cmpf oeq, %squeeze3A_54, %squeeze3A_62 : f32
    %and3A_1917 = arith.constant true
    %and3A_1918 = arith.andi %eq3A_1916, %and3A_1917 : i1
    %or3A_1919 = arith.ori %gt3A_1915, %and3A_1918 : i1
    %jit3A_1920 = arith.constant 1 : i32
    %jit3A_1921 = arith.constant 0 : i32
    %select_n3A_1922 = arith.select %or3A_1919, %jit3A_1920, %jit3A_1921 : i32
    %add3A_1923 = arith.addi %add3A_1914, %select_n3A_1922 : i32
    %gt3A_1924 = arith.cmpf ogt, %squeeze3A_56, %squeeze3A_62 : f32
    %eq3A_1925 = arith.cmpf oeq, %squeeze3A_56, %squeeze3A_62 : f32
    %and3A_1926 = arith.constant true
    %and3A_1927 = arith.andi %eq3A_1925, %and3A_1926 : i1
    %or3A_1928 = arith.ori %gt3A_1924, %and3A_1927 : i1
    %jit3A_1929 = arith.constant 1 : i32
    %jit3A_1930 = arith.constant 0 : i32
    %select_n3A_1931 = arith.select %or3A_1928, %jit3A_1929, %jit3A_1930 : i32
    %add3A_1932 = arith.addi %add3A_1923, %select_n3A_1931 : i32
    %gt3A_1933 = arith.cmpf ogt, %squeeze3A_58, %squeeze3A_62 : f32
    %eq3A_1934 = arith.cmpf oeq, %squeeze3A_58, %squeeze3A_62 : f32
    %and3A_1935 = arith.constant true
    %and3A_1936 = arith.andi %eq3A_1934, %and3A_1935 : i1
    %or3A_1937 = arith.ori %gt3A_1933, %and3A_1936 : i1
    %jit3A_1938 = arith.constant 1 : i32
    %jit3A_1939 = arith.constant 0 : i32
    %select_n3A_1940 = arith.select %or3A_1937, %jit3A_1938, %jit3A_1939 : i32
    %add3A_1941 = arith.addi %add3A_1932, %select_n3A_1940 : i32
    %gt3A_1942 = arith.cmpf ogt, %squeeze3A_60, %squeeze3A_62 : f32
    %eq3A_1943 = arith.cmpf oeq, %squeeze3A_60, %squeeze3A_62 : f32
    %and3A_1944 = arith.constant true
    %and3A_1945 = arith.andi %eq3A_1943, %and3A_1944 : i1
    %or3A_1946 = arith.ori %gt3A_1942, %and3A_1945 : i1
    %jit3A_1947 = arith.constant 1 : i32
    %jit3A_1948 = arith.constant 0 : i32
    %select_n3A_1949 = arith.select %or3A_1946, %jit3A_1947, %jit3A_1948 : i32
    %add3A_1950 = arith.addi %add3A_1941, %select_n3A_1949 : i32
    %gt3A_1951 = arith.cmpf ogt, %squeeze3A_64, %squeeze3A_62 : f32
    %eq3A_1952 = arith.cmpf oeq, %squeeze3A_64, %squeeze3A_62 : f32
    %and3A_1953 = arith.constant false
    %and3A_1954 = arith.andi %eq3A_1952, %and3A_1953 : i1
    %or3A_1955 = arith.ori %gt3A_1951, %and3A_1954 : i1
    %jit3A_1956 = arith.constant 1 : i32
    %jit3A_1957 = arith.constant 0 : i32
    %select_n3A_1958 = arith.select %or3A_1955, %jit3A_1956, %jit3A_1957 : i32
    %add3A_1959 = arith.addi %add3A_1950, %select_n3A_1958 : i32
    %gt3A_1960 = arith.cmpf ogt, %squeeze3A_66, %squeeze3A_62 : f32
    %eq3A_1961 = arith.cmpf oeq, %squeeze3A_66, %squeeze3A_62 : f32
    %and3A_1962 = arith.constant false
    %and3A_1963 = arith.andi %eq3A_1961, %and3A_1962 : i1
    %or3A_1964 = arith.ori %gt3A_1960, %and3A_1963 : i1
    %jit3A_1965 = arith.constant 1 : i32
    %jit3A_1966 = arith.constant 0 : i32
    %select_n3A_1967 = arith.select %or3A_1964, %jit3A_1965, %jit3A_1966 : i32
    %add3A_1968 = arith.addi %add3A_1959, %select_n3A_1967 : i32
    %gt3A_1969 = arith.cmpf ogt, %squeeze3A, %squeeze3A_64 : f32
    %eq3A_1970 = arith.cmpf oeq, %squeeze3A, %squeeze3A_64 : f32
    %and3A_1971 = arith.constant true
    %and3A_1972 = arith.andi %eq3A_1970, %and3A_1971 : i1
    %or3A_1973 = arith.ori %gt3A_1969, %and3A_1972 : i1
    %jit3A_1974 = arith.constant 1 : i32
    %jit3A_1975 = arith.constant 0 : i32
    %select_n3A_1976 = arith.select %or3A_1973, %jit3A_1974, %jit3A_1975 : i32
    %add3A_1977 = arith.constant 0 : i32
    %add3A_1978 = arith.addi %add3A_1977, %select_n3A_1976 : i32
    %gt3A_1979 = arith.cmpf ogt, %squeeze3A_38, %squeeze3A_64 : f32
    %eq3A_1980 = arith.cmpf oeq, %squeeze3A_38, %squeeze3A_64 : f32
    %and3A_1981 = arith.constant true
    %and3A_1982 = arith.andi %eq3A_1980, %and3A_1981 : i1
    %or3A_1983 = arith.ori %gt3A_1979, %and3A_1982 : i1
    %jit3A_1984 = arith.constant 1 : i32
    %jit3A_1985 = arith.constant 0 : i32
    %select_n3A_1986 = arith.select %or3A_1983, %jit3A_1984, %jit3A_1985 : i32
    %add3A_1987 = arith.addi %add3A_1978, %select_n3A_1986 : i32
    %gt3A_1988 = arith.cmpf ogt, %squeeze3A_40, %squeeze3A_64 : f32
    %eq3A_1989 = arith.cmpf oeq, %squeeze3A_40, %squeeze3A_64 : f32
    %and3A_1990 = arith.constant true
    %and3A_1991 = arith.andi %eq3A_1989, %and3A_1990 : i1
    %or3A_1992 = arith.ori %gt3A_1988, %and3A_1991 : i1
    %jit3A_1993 = arith.constant 1 : i32
    %jit3A_1994 = arith.constant 0 : i32
    %select_n3A_1995 = arith.select %or3A_1992, %jit3A_1993, %jit3A_1994 : i32
    %add3A_1996 = arith.addi %add3A_1987, %select_n3A_1995 : i32
    %gt3A_1997 = arith.cmpf ogt, %squeeze3A_42, %squeeze3A_64 : f32
    %eq3A_1998 = arith.cmpf oeq, %squeeze3A_42, %squeeze3A_64 : f32
    %and3A_1999 = arith.constant true
    %and3A_2000 = arith.andi %eq3A_1998, %and3A_1999 : i1
    %or3A_2001 = arith.ori %gt3A_1997, %and3A_2000 : i1
    %jit3A_2002 = arith.constant 1 : i32
    %jit3A_2003 = arith.constant 0 : i32
    %select_n3A_2004 = arith.select %or3A_2001, %jit3A_2002, %jit3A_2003 : i32
    %add3A_2005 = arith.addi %add3A_1996, %select_n3A_2004 : i32
    %gt3A_2006 = arith.cmpf ogt, %squeeze3A_44, %squeeze3A_64 : f32
    %eq3A_2007 = arith.cmpf oeq, %squeeze3A_44, %squeeze3A_64 : f32
    %and3A_2008 = arith.constant true
    %and3A_2009 = arith.andi %eq3A_2007, %and3A_2008 : i1
    %or3A_2010 = arith.ori %gt3A_2006, %and3A_2009 : i1
    %jit3A_2011 = arith.constant 1 : i32
    %jit3A_2012 = arith.constant 0 : i32
    %select_n3A_2013 = arith.select %or3A_2010, %jit3A_2011, %jit3A_2012 : i32
    %add3A_2014 = arith.addi %add3A_2005, %select_n3A_2013 : i32
    %gt3A_2015 = arith.cmpf ogt, %squeeze3A_46, %squeeze3A_64 : f32
    %eq3A_2016 = arith.cmpf oeq, %squeeze3A_46, %squeeze3A_64 : f32
    %and3A_2017 = arith.constant true
    %and3A_2018 = arith.andi %eq3A_2016, %and3A_2017 : i1
    %or3A_2019 = arith.ori %gt3A_2015, %and3A_2018 : i1
    %jit3A_2020 = arith.constant 1 : i32
    %jit3A_2021 = arith.constant 0 : i32
    %select_n3A_2022 = arith.select %or3A_2019, %jit3A_2020, %jit3A_2021 : i32
    %add3A_2023 = arith.addi %add3A_2014, %select_n3A_2022 : i32
    %gt3A_2024 = arith.cmpf ogt, %squeeze3A_48, %squeeze3A_64 : f32
    %eq3A_2025 = arith.cmpf oeq, %squeeze3A_48, %squeeze3A_64 : f32
    %and3A_2026 = arith.constant true
    %and3A_2027 = arith.andi %eq3A_2025, %and3A_2026 : i1
    %or3A_2028 = arith.ori %gt3A_2024, %and3A_2027 : i1
    %jit3A_2029 = arith.constant 1 : i32
    %jit3A_2030 = arith.constant 0 : i32
    %select_n3A_2031 = arith.select %or3A_2028, %jit3A_2029, %jit3A_2030 : i32
    %add3A_2032 = arith.addi %add3A_2023, %select_n3A_2031 : i32
    %gt3A_2033 = arith.cmpf ogt, %squeeze3A_50, %squeeze3A_64 : f32
    %eq3A_2034 = arith.cmpf oeq, %squeeze3A_50, %squeeze3A_64 : f32
    %and3A_2035 = arith.constant true
    %and3A_2036 = arith.andi %eq3A_2034, %and3A_2035 : i1
    %or3A_2037 = arith.ori %gt3A_2033, %and3A_2036 : i1
    %jit3A_2038 = arith.constant 1 : i32
    %jit3A_2039 = arith.constant 0 : i32
    %select_n3A_2040 = arith.select %or3A_2037, %jit3A_2038, %jit3A_2039 : i32
    %add3A_2041 = arith.addi %add3A_2032, %select_n3A_2040 : i32
    %gt3A_2042 = arith.cmpf ogt, %squeeze3A_52, %squeeze3A_64 : f32
    %eq3A_2043 = arith.cmpf oeq, %squeeze3A_52, %squeeze3A_64 : f32
    %and3A_2044 = arith.constant true
    %and3A_2045 = arith.andi %eq3A_2043, %and3A_2044 : i1
    %or3A_2046 = arith.ori %gt3A_2042, %and3A_2045 : i1
    %jit3A_2047 = arith.constant 1 : i32
    %jit3A_2048 = arith.constant 0 : i32
    %select_n3A_2049 = arith.select %or3A_2046, %jit3A_2047, %jit3A_2048 : i32
    %add3A_2050 = arith.addi %add3A_2041, %select_n3A_2049 : i32
    %gt3A_2051 = arith.cmpf ogt, %squeeze3A_54, %squeeze3A_64 : f32
    %eq3A_2052 = arith.cmpf oeq, %squeeze3A_54, %squeeze3A_64 : f32
    %and3A_2053 = arith.constant true
    %and3A_2054 = arith.andi %eq3A_2052, %and3A_2053 : i1
    %or3A_2055 = arith.ori %gt3A_2051, %and3A_2054 : i1
    %jit3A_2056 = arith.constant 1 : i32
    %jit3A_2057 = arith.constant 0 : i32
    %select_n3A_2058 = arith.select %or3A_2055, %jit3A_2056, %jit3A_2057 : i32
    %add3A_2059 = arith.addi %add3A_2050, %select_n3A_2058 : i32
    %gt3A_2060 = arith.cmpf ogt, %squeeze3A_56, %squeeze3A_64 : f32
    %eq3A_2061 = arith.cmpf oeq, %squeeze3A_56, %squeeze3A_64 : f32
    %and3A_2062 = arith.constant true
    %and3A_2063 = arith.andi %eq3A_2061, %and3A_2062 : i1
    %or3A_2064 = arith.ori %gt3A_2060, %and3A_2063 : i1
    %jit3A_2065 = arith.constant 1 : i32
    %jit3A_2066 = arith.constant 0 : i32
    %select_n3A_2067 = arith.select %or3A_2064, %jit3A_2065, %jit3A_2066 : i32
    %add3A_2068 = arith.addi %add3A_2059, %select_n3A_2067 : i32
    %gt3A_2069 = arith.cmpf ogt, %squeeze3A_58, %squeeze3A_64 : f32
    %eq3A_2070 = arith.cmpf oeq, %squeeze3A_58, %squeeze3A_64 : f32
    %and3A_2071 = arith.constant true
    %and3A_2072 = arith.andi %eq3A_2070, %and3A_2071 : i1
    %or3A_2073 = arith.ori %gt3A_2069, %and3A_2072 : i1
    %jit3A_2074 = arith.constant 1 : i32
    %jit3A_2075 = arith.constant 0 : i32
    %select_n3A_2076 = arith.select %or3A_2073, %jit3A_2074, %jit3A_2075 : i32
    %add3A_2077 = arith.addi %add3A_2068, %select_n3A_2076 : i32
    %gt3A_2078 = arith.cmpf ogt, %squeeze3A_60, %squeeze3A_64 : f32
    %eq3A_2079 = arith.cmpf oeq, %squeeze3A_60, %squeeze3A_64 : f32
    %and3A_2080 = arith.constant true
    %and3A_2081 = arith.andi %eq3A_2079, %and3A_2080 : i1
    %or3A_2082 = arith.ori %gt3A_2078, %and3A_2081 : i1
    %jit3A_2083 = arith.constant 1 : i32
    %jit3A_2084 = arith.constant 0 : i32
    %select_n3A_2085 = arith.select %or3A_2082, %jit3A_2083, %jit3A_2084 : i32
    %add3A_2086 = arith.addi %add3A_2077, %select_n3A_2085 : i32
    %gt3A_2087 = arith.cmpf ogt, %squeeze3A_62, %squeeze3A_64 : f32
    %eq3A_2088 = arith.cmpf oeq, %squeeze3A_62, %squeeze3A_64 : f32
    %and3A_2089 = arith.constant true
    %and3A_2090 = arith.andi %eq3A_2088, %and3A_2089 : i1
    %or3A_2091 = arith.ori %gt3A_2087, %and3A_2090 : i1
    %jit3A_2092 = arith.constant 1 : i32
    %jit3A_2093 = arith.constant 0 : i32
    %select_n3A_2094 = arith.select %or3A_2091, %jit3A_2092, %jit3A_2093 : i32
    %add3A_2095 = arith.addi %add3A_2086, %select_n3A_2094 : i32
    %gt3A_2096 = arith.cmpf ogt, %squeeze3A_66, %squeeze3A_64 : f32
    %eq3A_2097 = arith.cmpf oeq, %squeeze3A_66, %squeeze3A_64 : f32
    %and3A_2098 = arith.constant false
    %and3A_2099 = arith.andi %eq3A_2097, %and3A_2098 : i1
    %or3A_2100 = arith.ori %gt3A_2096, %and3A_2099 : i1
    %jit3A_2101 = arith.constant 1 : i32
    %jit3A_2102 = arith.constant 0 : i32
    %select_n3A_2103 = arith.select %or3A_2100, %jit3A_2101, %jit3A_2102 : i32
    %add3A_2104 = arith.addi %add3A_2095, %select_n3A_2103 : i32
    %gt3A_2105 = arith.cmpf ogt, %squeeze3A, %squeeze3A_66 : f32
    %eq3A_2106 = arith.cmpf oeq, %squeeze3A, %squeeze3A_66 : f32
    %and3A_2107 = arith.constant true
    %and3A_2108 = arith.andi %eq3A_2106, %and3A_2107 : i1
    %or3A_2109 = arith.ori %gt3A_2105, %and3A_2108 : i1
    %jit3A_2110 = arith.constant 1 : i32
    %jit3A_2111 = arith.constant 0 : i32
    %select_n3A_2112 = arith.select %or3A_2109, %jit3A_2110, %jit3A_2111 : i32
    %add3A_2113 = arith.constant 0 : i32
    %add3A_2114 = arith.addi %add3A_2113, %select_n3A_2112 : i32
    %gt3A_2115 = arith.cmpf ogt, %squeeze3A_38, %squeeze3A_66 : f32
    %eq3A_2116 = arith.cmpf oeq, %squeeze3A_38, %squeeze3A_66 : f32
    %and3A_2117 = arith.constant true
    %and3A_2118 = arith.andi %eq3A_2116, %and3A_2117 : i1
    %or3A_2119 = arith.ori %gt3A_2115, %and3A_2118 : i1
    %jit3A_2120 = arith.constant 1 : i32
    %jit3A_2121 = arith.constant 0 : i32
    %select_n3A_2122 = arith.select %or3A_2119, %jit3A_2120, %jit3A_2121 : i32
    %add3A_2123 = arith.addi %add3A_2114, %select_n3A_2122 : i32
    %gt3A_2124 = arith.cmpf ogt, %squeeze3A_40, %squeeze3A_66 : f32
    %eq3A_2125 = arith.cmpf oeq, %squeeze3A_40, %squeeze3A_66 : f32
    %and3A_2126 = arith.constant true
    %and3A_2127 = arith.andi %eq3A_2125, %and3A_2126 : i1
    %or3A_2128 = arith.ori %gt3A_2124, %and3A_2127 : i1
    %jit3A_2129 = arith.constant 1 : i32
    %jit3A_2130 = arith.constant 0 : i32
    %select_n3A_2131 = arith.select %or3A_2128, %jit3A_2129, %jit3A_2130 : i32
    %add3A_2132 = arith.addi %add3A_2123, %select_n3A_2131 : i32
    %gt3A_2133 = arith.cmpf ogt, %squeeze3A_42, %squeeze3A_66 : f32
    %eq3A_2134 = arith.cmpf oeq, %squeeze3A_42, %squeeze3A_66 : f32
    %and3A_2135 = arith.constant true
    %and3A_2136 = arith.andi %eq3A_2134, %and3A_2135 : i1
    %or3A_2137 = arith.ori %gt3A_2133, %and3A_2136 : i1
    %jit3A_2138 = arith.constant 1 : i32
    %jit3A_2139 = arith.constant 0 : i32
    %select_n3A_2140 = arith.select %or3A_2137, %jit3A_2138, %jit3A_2139 : i32
    %add3A_2141 = arith.addi %add3A_2132, %select_n3A_2140 : i32
    %gt3A_2142 = arith.cmpf ogt, %squeeze3A_44, %squeeze3A_66 : f32
    %eq3A_2143 = arith.cmpf oeq, %squeeze3A_44, %squeeze3A_66 : f32
    %and3A_2144 = arith.constant true
    %and3A_2145 = arith.andi %eq3A_2143, %and3A_2144 : i1
    %or3A_2146 = arith.ori %gt3A_2142, %and3A_2145 : i1
    %jit3A_2147 = arith.constant 1 : i32
    %jit3A_2148 = arith.constant 0 : i32
    %select_n3A_2149 = arith.select %or3A_2146, %jit3A_2147, %jit3A_2148 : i32
    %add3A_2150 = arith.addi %add3A_2141, %select_n3A_2149 : i32
    %gt3A_2151 = arith.cmpf ogt, %squeeze3A_46, %squeeze3A_66 : f32
    %eq3A_2152 = arith.cmpf oeq, %squeeze3A_46, %squeeze3A_66 : f32
    %and3A_2153 = arith.constant true
    %and3A_2154 = arith.andi %eq3A_2152, %and3A_2153 : i1
    %or3A_2155 = arith.ori %gt3A_2151, %and3A_2154 : i1
    %jit3A_2156 = arith.constant 1 : i32
    %jit3A_2157 = arith.constant 0 : i32
    %select_n3A_2158 = arith.select %or3A_2155, %jit3A_2156, %jit3A_2157 : i32
    %add3A_2159 = arith.addi %add3A_2150, %select_n3A_2158 : i32
    %gt3A_2160 = arith.cmpf ogt, %squeeze3A_48, %squeeze3A_66 : f32
    %eq3A_2161 = arith.cmpf oeq, %squeeze3A_48, %squeeze3A_66 : f32
    %and3A_2162 = arith.constant true
    %and3A_2163 = arith.andi %eq3A_2161, %and3A_2162 : i1
    %or3A_2164 = arith.ori %gt3A_2160, %and3A_2163 : i1
    %jit3A_2165 = arith.constant 1 : i32
    %jit3A_2166 = arith.constant 0 : i32
    %select_n3A_2167 = arith.select %or3A_2164, %jit3A_2165, %jit3A_2166 : i32
    %add3A_2168 = arith.addi %add3A_2159, %select_n3A_2167 : i32
    %gt3A_2169 = arith.cmpf ogt, %squeeze3A_50, %squeeze3A_66 : f32
    %eq3A_2170 = arith.cmpf oeq, %squeeze3A_50, %squeeze3A_66 : f32
    %and3A_2171 = arith.constant true
    %and3A_2172 = arith.andi %eq3A_2170, %and3A_2171 : i1
    %or3A_2173 = arith.ori %gt3A_2169, %and3A_2172 : i1
    %jit3A_2174 = arith.constant 1 : i32
    %jit3A_2175 = arith.constant 0 : i32
    %select_n3A_2176 = arith.select %or3A_2173, %jit3A_2174, %jit3A_2175 : i32
    %add3A_2177 = arith.addi %add3A_2168, %select_n3A_2176 : i32
    %gt3A_2178 = arith.cmpf ogt, %squeeze3A_52, %squeeze3A_66 : f32
    %eq3A_2179 = arith.cmpf oeq, %squeeze3A_52, %squeeze3A_66 : f32
    %and3A_2180 = arith.constant true
    %and3A_2181 = arith.andi %eq3A_2179, %and3A_2180 : i1
    %or3A_2182 = arith.ori %gt3A_2178, %and3A_2181 : i1
    %jit3A_2183 = arith.constant 1 : i32
    %jit3A_2184 = arith.constant 0 : i32
    %select_n3A_2185 = arith.select %or3A_2182, %jit3A_2183, %jit3A_2184 : i32
    %add3A_2186 = arith.addi %add3A_2177, %select_n3A_2185 : i32
    %gt3A_2187 = arith.cmpf ogt, %squeeze3A_54, %squeeze3A_66 : f32
    %eq3A_2188 = arith.cmpf oeq, %squeeze3A_54, %squeeze3A_66 : f32
    %and3A_2189 = arith.constant true
    %and3A_2190 = arith.andi %eq3A_2188, %and3A_2189 : i1
    %or3A_2191 = arith.ori %gt3A_2187, %and3A_2190 : i1
    %jit3A_2192 = arith.constant 1 : i32
    %jit3A_2193 = arith.constant 0 : i32
    %select_n3A_2194 = arith.select %or3A_2191, %jit3A_2192, %jit3A_2193 : i32
    %add3A_2195 = arith.addi %add3A_2186, %select_n3A_2194 : i32
    %gt3A_2196 = arith.cmpf ogt, %squeeze3A_56, %squeeze3A_66 : f32
    %eq3A_2197 = arith.cmpf oeq, %squeeze3A_56, %squeeze3A_66 : f32
    %and3A_2198 = arith.constant true
    %and3A_2199 = arith.andi %eq3A_2197, %and3A_2198 : i1
    %or3A_2200 = arith.ori %gt3A_2196, %and3A_2199 : i1
    %jit3A_2201 = arith.constant 1 : i32
    %jit3A_2202 = arith.constant 0 : i32
    %select_n3A_2203 = arith.select %or3A_2200, %jit3A_2201, %jit3A_2202 : i32
    %add3A_2204 = arith.addi %add3A_2195, %select_n3A_2203 : i32
    %gt3A_2205 = arith.cmpf ogt, %squeeze3A_58, %squeeze3A_66 : f32
    %eq3A_2206 = arith.cmpf oeq, %squeeze3A_58, %squeeze3A_66 : f32
    %and3A_2207 = arith.constant true
    %and3A_2208 = arith.andi %eq3A_2206, %and3A_2207 : i1
    %or3A_2209 = arith.ori %gt3A_2205, %and3A_2208 : i1
    %jit3A_2210 = arith.constant 1 : i32
    %jit3A_2211 = arith.constant 0 : i32
    %select_n3A_2212 = arith.select %or3A_2209, %jit3A_2210, %jit3A_2211 : i32
    %add3A_2213 = arith.addi %add3A_2204, %select_n3A_2212 : i32
    %gt3A_2214 = arith.cmpf ogt, %squeeze3A_60, %squeeze3A_66 : f32
    %eq3A_2215 = arith.cmpf oeq, %squeeze3A_60, %squeeze3A_66 : f32
    %and3A_2216 = arith.constant true
    %and3A_2217 = arith.andi %eq3A_2215, %and3A_2216 : i1
    %or3A_2218 = arith.ori %gt3A_2214, %and3A_2217 : i1
    %jit3A_2219 = arith.constant 1 : i32
    %jit3A_2220 = arith.constant 0 : i32
    %select_n3A_2221 = arith.select %or3A_2218, %jit3A_2219, %jit3A_2220 : i32
    %add3A_2222 = arith.addi %add3A_2213, %select_n3A_2221 : i32
    %gt3A_2223 = arith.cmpf ogt, %squeeze3A_62, %squeeze3A_66 : f32
    %eq3A_2224 = arith.cmpf oeq, %squeeze3A_62, %squeeze3A_66 : f32
    %and3A_2225 = arith.constant true
    %and3A_2226 = arith.andi %eq3A_2224, %and3A_2225 : i1
    %or3A_2227 = arith.ori %gt3A_2223, %and3A_2226 : i1
    %jit3A_2228 = arith.constant 1 : i32
    %jit3A_2229 = arith.constant 0 : i32
    %select_n3A_2230 = arith.select %or3A_2227, %jit3A_2228, %jit3A_2229 : i32
    %add3A_2231 = arith.addi %add3A_2222, %select_n3A_2230 : i32
    %gt3A_2232 = arith.cmpf ogt, %squeeze3A_64, %squeeze3A_66 : f32
    %eq3A_2233 = arith.cmpf oeq, %squeeze3A_64, %squeeze3A_66 : f32
    %and3A_2234 = arith.constant true
    %and3A_2235 = arith.andi %eq3A_2233, %and3A_2234 : i1
    %or3A_2236 = arith.ori %gt3A_2232, %and3A_2235 : i1
    %jit3A_2237 = arith.constant 1 : i32
    %jit3A_2238 = arith.constant 0 : i32
    %select_n3A_2239 = arith.select %or3A_2236, %jit3A_2237, %jit3A_2238 : i32
    %add3A_2240 = arith.addi %add3A_2231, %select_n3A_2239 : i32
    %eq3A_2241 = arith.cmpi eq, %add3A_200, %select_n3A : i32
    %jit3A_2242 = arith.constant 0 : i32
    %jit3A_2243 = arith.constant 0 : i32
    %select_n3A_2244 = arith.select %eq3A_2241, %jit3A_2242, %jit3A_2243 : i32
    %add3A_2245 = arith.constant 0 : i32
    %add3A_2246 = arith.addi %add3A_2245, %select_n3A_2244 : i32
    %eq3A_2247 = arith.cmpi eq, %add3A_336, %select_n3A : i32
    %jit3A_2248 = arith.constant 1 : i32
    %jit3A_2249 = arith.constant 0 : i32
    %select_n3A_2250 = arith.select %eq3A_2247, %jit3A_2248, %jit3A_2249 : i32
    %add3A_2251 = arith.addi %add3A_2246, %select_n3A_2250 : i32
    %eq3A_2252 = arith.cmpi eq, %add3A_472, %select_n3A : i32
    %jit3A_2253 = arith.constant 2 : i32
    %jit3A_2254 = arith.constant 0 : i32
    %select_n3A_2255 = arith.select %eq3A_2252, %jit3A_2253, %jit3A_2254 : i32
    %add3A_2256 = arith.addi %add3A_2251, %select_n3A_2255 : i32
    %eq3A_2257 = arith.cmpi eq, %add3A_608, %select_n3A : i32
    %jit3A_2258 = arith.constant 3 : i32
    %jit3A_2259 = arith.constant 0 : i32
    %select_n3A_2260 = arith.select %eq3A_2257, %jit3A_2258, %jit3A_2259 : i32
    %add3A_2261 = arith.addi %add3A_2256, %select_n3A_2260 : i32
    %eq3A_2262 = arith.cmpi eq, %add3A_744, %select_n3A : i32
    %jit3A_2263 = arith.constant 4 : i32
    %jit3A_2264 = arith.constant 0 : i32
    %select_n3A_2265 = arith.select %eq3A_2262, %jit3A_2263, %jit3A_2264 : i32
    %add3A_2266 = arith.addi %add3A_2261, %select_n3A_2265 : i32
    %eq3A_2267 = arith.cmpi eq, %add3A_880, %select_n3A : i32
    %jit3A_2268 = arith.constant 5 : i32
    %jit3A_2269 = arith.constant 0 : i32
    %select_n3A_2270 = arith.select %eq3A_2267, %jit3A_2268, %jit3A_2269 : i32
    %add3A_2271 = arith.addi %add3A_2266, %select_n3A_2270 : i32
    %eq3A_2272 = arith.cmpi eq, %add3A_1016, %select_n3A : i32
    %jit3A_2273 = arith.constant 6 : i32
    %jit3A_2274 = arith.constant 0 : i32
    %select_n3A_2275 = arith.select %eq3A_2272, %jit3A_2273, %jit3A_2274 : i32
    %add3A_2276 = arith.addi %add3A_2271, %select_n3A_2275 : i32
    %eq3A_2277 = arith.cmpi eq, %add3A_1152, %select_n3A : i32
    %jit3A_2278 = arith.constant 7 : i32
    %jit3A_2279 = arith.constant 0 : i32
    %select_n3A_2280 = arith.select %eq3A_2277, %jit3A_2278, %jit3A_2279 : i32
    %add3A_2281 = arith.addi %add3A_2276, %select_n3A_2280 : i32
    %eq3A_2282 = arith.cmpi eq, %add3A_1288, %select_n3A : i32
    %jit3A_2283 = arith.constant 8 : i32
    %jit3A_2284 = arith.constant 0 : i32
    %select_n3A_2285 = arith.select %eq3A_2282, %jit3A_2283, %jit3A_2284 : i32
    %add3A_2286 = arith.addi %add3A_2281, %select_n3A_2285 : i32
    %eq3A_2287 = arith.cmpi eq, %add3A_1424, %select_n3A : i32
    %jit3A_2288 = arith.constant 9 : i32
    %jit3A_2289 = arith.constant 0 : i32
    %select_n3A_2290 = arith.select %eq3A_2287, %jit3A_2288, %jit3A_2289 : i32
    %add3A_2291 = arith.addi %add3A_2286, %select_n3A_2290 : i32
    %eq3A_2292 = arith.cmpi eq, %add3A_1560, %select_n3A : i32
    %jit3A_2293 = arith.constant 10 : i32
    %jit3A_2294 = arith.constant 0 : i32
    %select_n3A_2295 = arith.select %eq3A_2292, %jit3A_2293, %jit3A_2294 : i32
    %add3A_2296 = arith.addi %add3A_2291, %select_n3A_2295 : i32
    %eq3A_2297 = arith.cmpi eq, %add3A_1696, %select_n3A : i32
    %jit3A_2298 = arith.constant 11 : i32
    %jit3A_2299 = arith.constant 0 : i32
    %select_n3A_2300 = arith.select %eq3A_2297, %jit3A_2298, %jit3A_2299 : i32
    %add3A_2301 = arith.addi %add3A_2296, %select_n3A_2300 : i32
    %eq3A_2302 = arith.cmpi eq, %add3A_1832, %select_n3A : i32
    %jit3A_2303 = arith.constant 12 : i32
    %jit3A_2304 = arith.constant 0 : i32
    %select_n3A_2305 = arith.select %eq3A_2302, %jit3A_2303, %jit3A_2304 : i32
    %add3A_2306 = arith.addi %add3A_2301, %select_n3A_2305 : i32
    %eq3A_2307 = arith.cmpi eq, %add3A_1968, %select_n3A : i32
    %jit3A_2308 = arith.constant 13 : i32
    %jit3A_2309 = arith.constant 0 : i32
    %select_n3A_2310 = arith.select %eq3A_2307, %jit3A_2308, %jit3A_2309 : i32
    %add3A_2311 = arith.addi %add3A_2306, %select_n3A_2310 : i32
    %eq3A_2312 = arith.cmpi eq, %add3A_2104, %select_n3A : i32
    %jit3A_2313 = arith.constant 14 : i32
    %jit3A_2314 = arith.constant 0 : i32
    %select_n3A_2315 = arith.select %eq3A_2312, %jit3A_2313, %jit3A_2314 : i32
    %add3A_2316 = arith.addi %add3A_2311, %select_n3A_2315 : i32
    %eq3A_2317 = arith.cmpi eq, %add3A_2240, %select_n3A : i32
    %jit3A_2318 = arith.constant 15 : i32
    %jit3A_2319 = arith.constant 0 : i32
    %select_n3A_2320 = arith.select %eq3A_2317, %jit3A_2318, %jit3A_2319 : i32
    %add3A_2321 = arith.addi %add3A_2316, %select_n3A_2320 : i32
    %sub3A_2322 = arith.subi %select_n3A, %add3A_2321 : i32
    %mul3A_2323 = arith.constant 2048 : i32
    %mul3A_2324 = arith.muli %sub3A_2322, %mul3A_2323 : i32
    %mul3A_2325 = arith.constant 2048 : i32
    %mul3A_2326 = arith.muli %add3A_2321, %mul3A_2325 : i32
    %mul3A_2327 = arith.constant 512 : i32
    %mul3A_2328 = arith.muli %select_n3A_30, %mul3A_2327 : i32
    %add3A_2329 = arith.addi %mul3A_2326, %mul3A_2328 : i32
    %mul3A_2330 = arith.constant 2048 : i32
    %mul3A_2331 = arith.muli %select_n3A, %mul3A_2330 : i32
    %mul3A_2332 = arith.constant 512 : i32
    %mul3A_2333 = arith.muli %select_n3A_30, %mul3A_2332 : i32
    %add3A_2334 = arith.addi %mul3A_2331, %mul3A_2333 : i32
    %dma_start3A = arith.constant 0 : i32
    %dma_start3A_2335 = tpu.memref_slice %arg8[%add3A_2334, %dma_start3A] : memref<16384x128xf32, #tpu.memory_space<hbm>> -> memref<512x128xf32, #tpu.memory_space<hbm>>
    %dma_start3A_2336 = arith.constant 0 : i32
    %dma_start3A_2337 = tpu.memref_slice %arg2[%add3A_2329, %dma_start3A_2336] : memref<32768x128xf32, #tpu.memory_space<hbm>> -> memref<512x128xf32, #tpu.memory_space<hbm>>
    tpu.enqueue_dma source(%dma_start3A_2337 : memref<512x128xf32, #tpu.memory_space<hbm>>) target(%dma_start3A_2335 : memref<512x128xf32, #tpu.memory_space<hbm>>) target_semaphore(%arg17 : memref<!tpu.dma_semaphore, #tpu.memory_space<semaphore_mem>>)
    %dma_start3A_2338 = arith.constant 0 : i32
    %dma_start3A_2339 = tpu.memref_slice %arg9[%add3A_2334, %dma_start3A_2338] : memref<16384x768xf32, #tpu.memory_space<hbm>> -> memref<512x768xf32, #tpu.memory_space<hbm>>
    %dma_start3A_2340 = arith.constant 0 : i32
    %dma_start3A_2341 = tpu.memref_slice %arg3[%add3A_2329, %dma_start3A_2340] : memref<32768x768xf32, #tpu.memory_space<hbm>> -> memref<512x768xf32, #tpu.memory_space<hbm>>
    tpu.enqueue_dma source(%dma_start3A_2341 : memref<512x768xf32, #tpu.memory_space<hbm>>) target(%dma_start3A_2339 : memref<512x768xf32, #tpu.memory_space<hbm>>) target_semaphore(%arg17 : memref<!tpu.dma_semaphore, #tpu.memory_space<semaphore_mem>>)
    %mul3A_2342 = arith.constant 24576 : i32
    %mul3A_2343 = arith.muli %add3A_2321, %mul3A_2342 : i32
    %mul3A_2344 = arith.constant 6144 : i32
    %mul3A_2345 = arith.muli %select_n3A_30, %mul3A_2344 : i32
    %add3A_2346 = arith.addi %mul3A_2343, %mul3A_2345 : i32
    %mul3A_2347 = arith.constant 24576 : i32
    %mul3A_2348 = arith.muli %select_n3A, %mul3A_2347 : i32
    %mul3A_2349 = arith.constant 6144 : i32
    %mul3A_2350 = arith.muli %select_n3A_30, %mul3A_2349 : i32
    %add3A_2351 = arith.addi %mul3A_2348, %mul3A_2350 : i32
    "tpu.region"() ({
      %run_scoped3A = tpu.sem_alloc : memref<!tpu.dma_semaphore, #tpu.memory_space<semaphore_mem>>
      %dma_start3A_2369 = tpu.memref_slice %arg4[%add3A_2346] : memref<393216xi32, #tpu.memory_space<hbm>> -> memref<6144xi32, #tpu.memory_space<hbm>>
      %dma_start3A_2370 = tpu.memref_slice %arg4[%add3A_2346] : memref<393216xi32, #tpu.memory_space<hbm>> -> memref<6144xi32, #tpu.memory_space<hbm>>
      tpu.enqueue_dma source(%dma_start3A_2370 : memref<6144xi32, #tpu.memory_space<hbm>>) target(%arg14 : memref<6144xi32, #tpu.memory_space<vmem>>) target_semaphore(%run_scoped3A : memref<!tpu.dma_semaphore, #tpu.memory_space<semaphore_mem>>)
      %dma_wait3A_2371 = tpu.memref_slice %arg4[%add3A_2346] : memref<393216xi32, #tpu.memory_space<hbm>> -> memref<6144xi32, #tpu.memory_space<hbm>>
      %dma_wait3A_2372 = tpu.memref_slice %arg4[%add3A_2346] : memref<393216xi32, #tpu.memory_space<hbm>> -> memref<6144xi32, #tpu.memory_space<hbm>>
      tpu.wait_dma2 semaphore(%run_scoped3A : memref<!tpu.dma_semaphore, #tpu.memory_space<semaphore_mem>>) src(%dma_wait3A_2372 : memref<6144xi32, #tpu.memory_space<hbm>>) dst(%arg14 : memref<6144xi32, #tpu.memory_space<vmem>>)
      tpu.yield
    }) : () -> ()
    %scan3A_2352 = arith.constant 0 : i32
    %scan3A_2353 = arith.constant 0 : i32
    %scan3A_2354 = arith.constant 384 : i32
    %scan3A_2355 = arith.addi %scan3A_2353, %scan3A_2354 : i32
    %scan3A_2356 = arith.constant 1 : i32
    %scan3A_2357 = scf.for %scan3A_2369 = %scan3A_2353 to %scan3A_2355 step %scan3A_2356 iter_args(%scan3A_2370 = %scan3A_2352) -> (i32)  : i32 {
      %mul3A_2371 = arith.constant 16 : i32
      %mul3A_2372 = arith.muli %scan3A_2369, %mul3A_2371 : i32
      %get3A = arith.index_cast %mul3A_2372 : i32 to index
      %get3A_2373 = tpu.vector_load %arg14[%get3A] {strides = array<i32>} : memref<6144xi32, #tpu.memory_space<vmem>>, vector<16xi32>,
      %get3A_2374 = vector.shape_cast %get3A_2373 : vector<16xi32> to vector<16xi32>
      %add3A_2375 = vector.broadcast %mul3A_2324 : i32 to vector<16xi32>
      %add3A_2376 = arith.addi %get3A_2374, %add3A_2375 : vector<16xi32>
      %swap3A = arith.index_cast %mul3A_2372 : i32 to index
      %swap3A_2377 = tpu.vector_load %arg14[%swap3A] {strides = array<i32>} : memref<6144xi32, #tpu.memory_space<vmem>>, vector<16xi32>,
      %swap3A_2378 = vector.shape_cast %swap3A_2377 : vector<16xi32> to vector<16xi32>
      %swap3A_2379 = vector.shape_cast %add3A_2376 : vector<16xi32> to vector<16xi32>
      tpu.vector_store %arg14[%swap3A], %swap3A_2379 {strides = array<i32>} : memref<6144xi32, #tpu.memory_space<vmem>>, vector<16xi32>,
      %scan3A_2380 = arith.constant 0 : i32
      scf.yield %scan3A_2380 : i32
    }
    %scan3A_2358 = arith.constant 384 : i32
    "tpu.region"() ({
      %run_scoped3A = tpu.sem_alloc : memref<!tpu.dma_semaphore, #tpu.memory_space<semaphore_mem>>
      %dma_start3A_2369 = tpu.memref_slice %arg10[%add3A_2351] : memref<196608xi32, #tpu.memory_space<hbm>> -> memref<6144xi32, #tpu.memory_space<hbm>>
      %dma_start3A_2370 = tpu.memref_slice %arg10[%add3A_2351] : memref<196608xi32, #tpu.memory_space<hbm>> -> memref<6144xi32, #tpu.memory_space<hbm>>
      tpu.enqueue_dma source(%arg14 : memref<6144xi32, #tpu.memory_space<vmem>>) target(%dma_start3A_2370 : memref<6144xi32, #tpu.memory_space<hbm>>) target_semaphore(%run_scoped3A : memref<!tpu.dma_semaphore, #tpu.memory_space<semaphore_mem>>)
      %dma_wait3A_2371 = tpu.memref_slice %arg10[%add3A_2351] : memref<196608xi32, #tpu.memory_space<hbm>> -> memref<6144xi32, #tpu.memory_space<hbm>>
      %dma_wait3A_2372 = tpu.memref_slice %arg10[%add3A_2351] : memref<196608xi32, #tpu.memory_space<hbm>> -> memref<6144xi32, #tpu.memory_space<hbm>>
      tpu.wait_dma2 semaphore(%run_scoped3A : memref<!tpu.dma_semaphore, #tpu.memory_space<semaphore_mem>>) src(%arg14 : memref<6144xi32, #tpu.memory_space<vmem>>) dst(%dma_wait3A_2372 : memref<6144xi32, #tpu.memory_space<hbm>>)
      tpu.yield
    }) : () -> ()
    %eq3A_2359 = arith.constant 0 : i32
    %eq3A_2360 = arith.cmpi eq, %add3A, %eq3A_2359 : i32
    %convert_element_type3A = arith.extui %eq3A_2360 : i1 to i32
    %cond3A = arith.constant 0 : i32
    %cond3A_2361 = arith.cmpi ne, %convert_element_type3A, %cond3A : i32
    scf.if %cond3A_2361 {
      "tpu.region"() ({
        %run_scoped3A = tpu.sem_alloc : memref<!tpu.dma_semaphore, #tpu.memory_space<semaphore_mem>>
        tpu.enqueue_dma source(%arg7 : memref<16xf32, #tpu.memory_space<hbm>>) target(%arg15 : memref<16xf32, #tpu.memory_space<vmem>>) target_semaphore(%run_scoped3A : memref<!tpu.dma_semaphore, #tpu.memory_space<semaphore_mem>>)
        tpu.wait_dma2 semaphore(%run_scoped3A : memref<!tpu.dma_semaphore, #tpu.memory_space<semaphore_mem>>) src(%arg7 : memref<16xf32, #tpu.memory_space<hbm>>) dst(%arg15 : memref<16xf32, #tpu.memory_space<vmem>>)
        tpu.yield
      }) : () -> ()
      %get3A = arith.constant 0 : index
      %get3A_2369 = tpu.vector_load %arg15[%get3A] {strides = array<i32>} : memref<16xf32, #tpu.memory_space<vmem>>, vector<16xf32>,
      %get3A_2370 = vector.shape_cast %get3A_2369 : vector<16xf32> to vector<16xf32>
      %iota3A = tpu.iota {dimensions = array<i32: 0>} : vector<16xi32>
      %broadcast_in_dim3A_2371 = arith.constant 0.000000e+00 : f32
      %broadcast_in_dim3A_2372 = vector.broadcast %broadcast_in_dim3A_2371 : f32 to vector<16xf32>
      %eq3A_2373 = vector.broadcast %add3A_200 : i32 to vector<16xi32>
      %eq3A_2374 = arith.cmpi eq, %iota3A, %eq3A_2373 : vector<16xi32>
      %slice3A_2375 = vector.extract_strided_slice %get3A_2370 {offsets = [0], sizes = [1], strides = [1]} : vector<16xf32> to vector<1xf32>
      %squeeze3A_2376 = vector.extract %slice3A_2375[0] : f32 from vector<1xf32>
      %broadcast_in_dim3A_2377 = vector.broadcast %squeeze3A_2376 : f32 to vector<16xf32>
      %select_n3A_2378 = arith.select %eq3A_2374, %broadcast_in_dim3A_2377, %broadcast_in_dim3A_2372 : vector<16xi1>, vector<16xf32>
      %eq3A_2379 = vector.broadcast %add3A_336 : i32 to vector<16xi32>
      %eq3A_2380 = arith.cmpi eq, %iota3A, %eq3A_2379 : vector<16xi32>
      %slice3A_2381 = vector.extract_strided_slice %get3A_2370 {offsets = [1], sizes = [1], strides = [1]} : vector<16xf32> to vector<1xf32>
      %squeeze3A_2382 = vector.extract %slice3A_2381[0] : f32 from vector<1xf32>
      %broadcast_in_dim3A_2383 = vector.broadcast %squeeze3A_2382 : f32 to vector<16xf32>
      %select_n3A_2384 = arith.select %eq3A_2380, %broadcast_in_dim3A_2383, %select_n3A_2378 : vector<16xi1>, vector<16xf32>
      %eq3A_2385 = vector.broadcast %add3A_472 : i32 to vector<16xi32>
      %eq3A_2386 = arith.cmpi eq, %iota3A, %eq3A_2385 : vector<16xi32>
      %slice3A_2387 = vector.extract_strided_slice %get3A_2370 {offsets = [2], sizes = [1], strides = [1]} : vector<16xf32> to vector<1xf32>
      %squeeze3A_2388 = vector.extract %slice3A_2387[0] : f32 from vector<1xf32>
      %broadcast_in_dim3A_2389 = vector.broadcast %squeeze3A_2388 : f32 to vector<16xf32>
      %select_n3A_2390 = arith.select %eq3A_2386, %broadcast_in_dim3A_2389, %select_n3A_2384 : vector<16xi1>, vector<16xf32>
      %eq3A_2391 = vector.broadcast %add3A_608 : i32 to vector<16xi32>
      %eq3A_2392 = arith.cmpi eq, %iota3A, %eq3A_2391 : vector<16xi32>
      %slice3A_2393 = vector.extract_strided_slice %get3A_2370 {offsets = [3], sizes = [1], strides = [1]} : vector<16xf32> to vector<1xf32>
      %squeeze3A_2394 = vector.extract %slice3A_2393[0] : f32 from vector<1xf32>
      %broadcast_in_dim3A_2395 = vector.broadcast %squeeze3A_2394 : f32 to vector<16xf32>
      %select_n3A_2396 = arith.select %eq3A_2392, %broadcast_in_dim3A_2395, %select_n3A_2390 : vector<16xi1>, vector<16xf32>
      %eq3A_2397 = vector.broadcast %add3A_744 : i32 to vector<16xi32>
      %eq3A_2398 = arith.cmpi eq, %iota3A, %eq3A_2397 : vector<16xi32>
      %slice3A_2399 = vector.extract_strided_slice %get3A_2370 {offsets = [4], sizes = [1], strides = [1]} : vector<16xf32> to vector<1xf32>
      %squeeze3A_2400 = vector.extract %slice3A_2399[0] : f32 from vector<1xf32>
      %broadcast_in_dim3A_2401 = vector.broadcast %squeeze3A_2400 : f32 to vector<16xf32>
      %select_n3A_2402 = arith.select %eq3A_2398, %broadcast_in_dim3A_2401, %select_n3A_2396 : vector<16xi1>, vector<16xf32>
      %eq3A_2403 = vector.broadcast %add3A_880 : i32 to vector<16xi32>
      %eq3A_2404 = arith.cmpi eq, %iota3A, %eq3A_2403 : vector<16xi32>
      %slice3A_2405 = vector.extract_strided_slice %get3A_2370 {offsets = [5], sizes = [1], strides = [1]} : vector<16xf32> to vector<1xf32>
      %squeeze3A_2406 = vector.extract %slice3A_2405[0] : f32 from vector<1xf32>
      %broadcast_in_dim3A_2407 = vector.broadcast %squeeze3A_2406 : f32 to vector<16xf32>
      %select_n3A_2408 = arith.select %eq3A_2404, %broadcast_in_dim3A_2407, %select_n3A_2402 : vector<16xi1>, vector<16xf32>
      %eq3A_2409 = vector.broadcast %add3A_1016 : i32 to vector<16xi32>
      %eq3A_2410 = arith.cmpi eq, %iota3A, %eq3A_2409 : vector<16xi32>
      %slice3A_2411 = vector.extract_strided_slice %get3A_2370 {offsets = [6], sizes = [1], strides = [1]} : vector<16xf32> to vector<1xf32>
      %squeeze3A_2412 = vector.extract %slice3A_2411[0] : f32 from vector<1xf32>
      %broadcast_in_dim3A_2413 = vector.broadcast %squeeze3A_2412 : f32 to vector<16xf32>
      %select_n3A_2414 = arith.select %eq3A_2410, %broadcast_in_dim3A_2413, %select_n3A_2408 : vector<16xi1>, vector<16xf32>
      %eq3A_2415 = vector.broadcast %add3A_1152 : i32 to vector<16xi32>
      %eq3A_2416 = arith.cmpi eq, %iota3A, %eq3A_2415 : vector<16xi32>
      %slice3A_2417 = vector.extract_strided_slice %get3A_2370 {offsets = [7], sizes = [1], strides = [1]} : vector<16xf32> to vector<1xf32>
      %squeeze3A_2418 = vector.extract %slice3A_2417[0] : f32 from vector<1xf32>
      %broadcast_in_dim3A_2419 = vector.broadcast %squeeze3A_2418 : f32 to vector<16xf32>
      %select_n3A_2420 = arith.select %eq3A_2416, %broadcast_in_dim3A_2419, %select_n3A_2414 : vector<16xi1>, vector<16xf32>
      %eq3A_2421 = vector.broadcast %add3A_1288 : i32 to vector<16xi32>
      %eq3A_2422 = arith.cmpi eq, %iota3A, %eq3A_2421 : vector<16xi32>
      %slice3A_2423 = vector.extract_strided_slice %get3A_2370 {offsets = [8], sizes = [1], strides = [1]} : vector<16xf32> to vector<1xf32>
      %squeeze3A_2424 = vector.extract %slice3A_2423[0] : f32 from vector<1xf32>
      %broadcast_in_dim3A_2425 = vector.broadcast %squeeze3A_2424 : f32 to vector<16xf32>
      %select_n3A_2426 = arith.select %eq3A_2422, %broadcast_in_dim3A_2425, %select_n3A_2420 : vector<16xi1>, vector<16xf32>
      %eq3A_2427 = vector.broadcast %add3A_1424 : i32 to vector<16xi32>
      %eq3A_2428 = arith.cmpi eq, %iota3A, %eq3A_2427 : vector<16xi32>
      %slice3A_2429 = vector.extract_strided_slice %get3A_2370 {offsets = [9], sizes = [1], strides = [1]} : vector<16xf32> to vector<1xf32>
      %squeeze3A_2430 = vector.extract %slice3A_2429[0] : f32 from vector<1xf32>
      %broadcast_in_dim3A_2431 = vector.broadcast %squeeze3A_2430 : f32 to vector<16xf32>
      %select_n3A_2432 = arith.select %eq3A_2428, %broadcast_in_dim3A_2431, %select_n3A_2426 : vector<16xi1>, vector<16xf32>
      %eq3A_2433 = vector.broadcast %add3A_1560 : i32 to vector<16xi32>
      %eq3A_2434 = arith.cmpi eq, %iota3A, %eq3A_2433 : vector<16xi32>
      %slice3A_2435 = vector.extract_strided_slice %get3A_2370 {offsets = [10], sizes = [1], strides = [1]} : vector<16xf32> to vector<1xf32>
      %squeeze3A_2436 = vector.extract %slice3A_2435[0] : f32 from vector<1xf32>
      %broadcast_in_dim3A_2437 = vector.broadcast %squeeze3A_2436 : f32 to vector<16xf32>
      %select_n3A_2438 = arith.select %eq3A_2434, %broadcast_in_dim3A_2437, %select_n3A_2432 : vector<16xi1>, vector<16xf32>
      %eq3A_2439 = vector.broadcast %add3A_1696 : i32 to vector<16xi32>
      %eq3A_2440 = arith.cmpi eq, %iota3A, %eq3A_2439 : vector<16xi32>
      %slice3A_2441 = vector.extract_strided_slice %get3A_2370 {offsets = [11], sizes = [1], strides = [1]} : vector<16xf32> to vector<1xf32>
      %squeeze3A_2442 = vector.extract %slice3A_2441[0] : f32 from vector<1xf32>
      %broadcast_in_dim3A_2443 = vector.broadcast %squeeze3A_2442 : f32 to vector<16xf32>
      %select_n3A_2444 = arith.select %eq3A_2440, %broadcast_in_dim3A_2443, %select_n3A_2438 : vector<16xi1>, vector<16xf32>
      %eq3A_2445 = vector.broadcast %add3A_1832 : i32 to vector<16xi32>
      %eq3A_2446 = arith.cmpi eq, %iota3A, %eq3A_2445 : vector<16xi32>
      %slice3A_2447 = vector.extract_strided_slice %get3A_2370 {offsets = [12], sizes = [1], strides = [1]} : vector<16xf32> to vector<1xf32>
      %squeeze3A_2448 = vector.extract %slice3A_2447[0] : f32 from vector<1xf32>
      %broadcast_in_dim3A_2449 = vector.broadcast %squeeze3A_2448 : f32 to vector<16xf32>
      %select_n3A_2450 = arith.select %eq3A_2446, %broadcast_in_dim3A_2449, %select_n3A_2444 : vector<16xi1>, vector<16xf32>
      %eq3A_2451 = vector.broadcast %add3A_1968 : i32 to vector<16xi32>
      %eq3A_2452 = arith.cmpi eq, %iota3A, %eq3A_2451 : vector<16xi32>
      %slice3A_2453 = vector.extract_strided_slice %get3A_2370 {offsets = [13], sizes = [1], strides = [1]} : vector<16xf32> to vector<1xf32>
      %squeeze3A_2454 = vector.extract %slice3A_2453[0] : f32 from vector<1xf32>
      %broadcast_in_dim3A_2455 = vector.broadcast %squeeze3A_2454 : f32 to vector<16xf32>
      %select_n3A_2456 = arith.select %eq3A_2452, %broadcast_in_dim3A_2455, %select_n3A_2450 : vector<16xi1>, vector<16xf32>
      %eq3A_2457 = vector.broadcast %add3A_2104 : i32 to vector<16xi32>
      %eq3A_2458 = arith.cmpi eq, %iota3A, %eq3A_2457 : vector<16xi32>
      %slice3A_2459 = vector.extract_strided_slice %get3A_2370 {offsets = [14], sizes = [1], strides = [1]} : vector<16xf32> to vector<1xf32>
      %squeeze3A_2460 = vector.extract %slice3A_2459[0] : f32 from vector<1xf32>
      %broadcast_in_dim3A_2461 = vector.broadcast %squeeze3A_2460 : f32 to vector<16xf32>
      %select_n3A_2462 = arith.select %eq3A_2458, %broadcast_in_dim3A_2461, %select_n3A_2456 : vector<16xi1>, vector<16xf32>
      %eq3A_2463 = vector.broadcast %add3A_2240 : i32 to vector<16xi32>
      %eq3A_2464 = arith.cmpi eq, %iota3A, %eq3A_2463 : vector<16xi32>
      %slice3A_2465 = vector.extract_strided_slice %get3A_2370 {offsets = [15], sizes = [1], strides = [1]} : vector<16xf32> to vector<1xf32>
      %squeeze3A_2466 = vector.extract %slice3A_2465[0] : f32 from vector<1xf32>
      %broadcast_in_dim3A_2467 = vector.broadcast %squeeze3A_2466 : f32 to vector<16xf32>
      %select_n3A_2468 = arith.select %eq3A_2464, %broadcast_in_dim3A_2467, %select_n3A_2462 : vector<16xi1>, vector<16xf32>
      %swap3A = arith.constant 0 : index
      %swap3A_2469 = tpu.vector_load %arg16[%swap3A] {strides = array<i32>} : memref<16xf32, #tpu.memory_space<vmem>>, vector<16xf32>,
      %swap3A_2470 = vector.shape_cast %swap3A_2469 : vector<16xf32> to vector<16xf32>
      %swap3A_2471 = vector.shape_cast %select_n3A_2468 : vector<16xf32> to vector<16xf32>
      tpu.vector_store %arg16[%swap3A], %swap3A_2471 {strides = array<i32>} : memref<16xf32, #tpu.memory_space<vmem>>, vector<16xf32>,
      "tpu.region"() ({
        %run_scoped3A = tpu.sem_alloc : memref<!tpu.dma_semaphore, #tpu.memory_space<semaphore_mem>>
        %dma_start3A_2472 = arith.constant 0 : i32
        %dma_start3A_2473 = tpu.memref_slice %arg16[%dma_start3A_2472] : memref<16xf32, #tpu.memory_space<vmem>> -> memref<8xf32, #tpu.memory_space<vmem>>
        %dma_start3A_2474 = arith.constant 0 : i32
        %dma_start3A_2475 = tpu.memref_slice %arg16[%dma_start3A_2474] : memref<16xf32, #tpu.memory_space<vmem>> -> memref<8xf32, #tpu.memory_space<vmem>>
        tpu.enqueue_dma source(%dma_start3A_2475 : memref<8xf32, #tpu.memory_space<vmem>>) target(%arg11 : memref<8xf32, #tpu.memory_space<hbm>>) target_semaphore(%run_scoped3A : memref<!tpu.dma_semaphore, #tpu.memory_space<semaphore_mem>>)
        %dma_wait3A_2476 = arith.constant 0 : i32
        %dma_wait3A_2477 = tpu.memref_slice %arg16[%dma_wait3A_2476] : memref<16xf32, #tpu.memory_space<vmem>> -> memref<8xf32, #tpu.memory_space<vmem>>
        %dma_wait3A_2478 = arith.constant 0 : i32
        %dma_wait3A_2479 = tpu.memref_slice %arg16[%dma_wait3A_2478] : memref<16xf32, #tpu.memory_space<vmem>> -> memref<8xf32, #tpu.memory_space<vmem>>
        tpu.wait_dma2 semaphore(%run_scoped3A : memref<!tpu.dma_semaphore, #tpu.memory_space<semaphore_mem>>) src(%dma_wait3A_2479 : memref<8xf32, #tpu.memory_space<vmem>>) dst(%arg11 : memref<8xf32, #tpu.memory_space<hbm>>)
        tpu.yield
      }) : () -> ()
    } else {
    }
    %dma_wait3A = arith.constant 0 : i32
    %dma_wait3A_2362 = tpu.memref_slice %arg8[%add3A_2334, %dma_wait3A] : memref<16384x128xf32, #tpu.memory_space<hbm>> -> memref<512x128xf32, #tpu.memory_space<hbm>>
    %dma_wait3A_2363 = arith.constant 0 : i32
    %dma_wait3A_2364 = tpu.memref_slice %arg2[%add3A_2329, %dma_wait3A_2363] : memref<32768x128xf32, #tpu.memory_space<hbm>> -> memref<512x128xf32, #tpu.memory_space<hbm>>
    tpu.wait_dma2 semaphore(%arg17 : memref<!tpu.dma_semaphore, #tpu.memory_space<semaphore_mem>>) src(%dma_wait3A_2364 : memref<512x128xf32, #tpu.memory_space<hbm>>) dst(%dma_wait3A_2362 : memref<512x128xf32, #tpu.memory_space<hbm>>)
    %dma_wait3A_2365 = arith.constant 0 : i32
    %dma_wait3A_2366 = tpu.memref_slice %arg9[%add3A_2334, %dma_wait3A_2365] : memref<16384x768xf32, #tpu.memory_space<hbm>> -> memref<512x768xf32, #tpu.memory_space<hbm>>
    %dma_wait3A_2367 = arith.constant 0 : i32
    %dma_wait3A_2368 = tpu.memref_slice %arg3[%add3A_2329, %dma_wait3A_2367] : memref<32768x768xf32, #tpu.memory_space<hbm>> -> memref<512x768xf32, #tpu.memory_space<hbm>>
    tpu.wait_dma2 semaphore(%arg17 : memref<!tpu.dma_semaphore, #tpu.memory_space<semaphore_mem>>) src(%dma_wait3A_2368 : memref<512x768xf32, #tpu.memory_space<hbm>>) dst(%dma_wait3A_2366 : memref<512x768xf32, #tpu.memory_space<hbm>>)
    return
  }
}

</mosaic_0001>

<sc_bundles>
// kernel: _run.3.cloned.1.call-start
scs
__scs_entry_jumppad:
0x0: {  	(pc) =	sbr.rel $0x88, $3  }
0x1: {  	(tag) =	ssettag $0x0;
	lr =	simm.s32 $0x1  }
0x2: {  	[smem:$0x3F9B] =	sst lr;
	_ =	strace $0xD0000000  }
0x3: {  	_ = 	snop  }
0x4: {  	_ = 	snop  }
0x5: {  	_ = 	snop  }
0x6: {  	_ = 	snop  }
0x7: {  	_ = 	snop  }
__scs_overlays_trampoline_lowered:
0x8: {  	[smem:$0x3FAA] =	sst s0  }
0x9: {  	[smem:$0x3FAB] =	sst s1  }
0xa: {  	[smem:$0x3FAC] =	sst s2  }
0xb: {  	[smem:$0x3FAD] =	sst s3  }
0xc: {  	[smem:$0x3FAE] =	sst s4  }
0xd: {  	[smem:$0x3FAF] =	sst s5  }
0xe: {  	[smem:$0x3FB0] =	sst s6  }
0xf: {  	[smem:$0x3FB1] =	sst s7  }
0x10: {  	[smem:$0x3FB2] =	sst s8  }
0x11: {  	[smem:$0x3FB3] =	sst s9;
	s0 =	simm.s32 @!p0 $0x0  }
0x12: {  	s1 =	sld [smem:$0x3F99];
	s0 =	simm.s32 @p0 $0x1  }
0x13: {  	[smem:$0x3FB4] =	sst s0;
	s0 =	simm.s32 @!p1 $0x0  }
0x14: {  	s2 =	sld [smem:$0x3F98];
	s0 =	simm.s32 @p1 $0x1  }
0x15: {  	[smem:$0x3FB5] =	sst s0;
	s0 =	simm.s32 @!p2 $0x0  }
0x16: {  	s3 =	sld [smem:$0x3FDB];
	s0 =	simm.s32 @p2 $0x1  }
0x17: {  	s4 =	simm.s32 $0x1BF5;
	[smem:$0x3FB7] =	sst s0  }
0x18: {  	s0 =	sld [smem:$0x3F9A];
	_ =	swait.ge [sflag:s4], $0x0  }
0x19: {  	s7 =	sld [smem:$0x3F9B]  }
0x1a: {  	s8 =	sadd.s32 $0xFFFFE003, lr  }
0x1b: {  	s9 =	sadd.s32 $0xFFFFFEF7, lr;
	s5 =	simm.s32 $0xFFFFFFFF;
	p2 =	slt.u32 s8, $0xFFFFF086  }
0x1c: {  	p1 =	slt.u32 s9, $0xF7A;
	s5 =	simm.s32 @!p2 $0x0  }
0x1d: {  	s5 =	simm.s32 @p1 $0x1;
	p0 =	seq.s32 s7, s2  }
0x1e: {  	s7 =	smul.u32 @!p0 $0xF7A, s2;
	p2 =	seq.s32 @!p0 s5, $0x0  }
0x1f: {  	s9 =	smul.u32 $0xF7A, s1;
	s8 =	simm.s32 @!p0 $0x1BF5;
	p2 =	por !p2, p0  }
0x20: {  	[sflag:s8] =	ssyncset.s32 @!p0 $0xFFFFF086;
	s6 =	sadd.s32 @!p0 s3, s7;
	s7 =	simm.s32 @!p0 $0x108  }
0x21: {  	s3 =	sadd.s32 s3, s9;
	s6 =	sadd.s32 @!p0 $0x88, s6;
	s7 =	simm.s32 @p2 $0x1082  }
0x22: {  	[simem:s7], [sflag:s8] =	dma.local @!p0 [hbm:s6], $0xF7A  }
0x23: {  	s9 =	sor.u32 $0xD0000000, s2;
	s6 =	simm.s32 $0x108;
	_ =	swait.ge @!p0 [sflag:s8], $0x0  }
0x24: {  	s3 =	sadd.s32 $0x88, s3;
	s6 =	simm.s32 @!p1 $0x1082;
	[sflag:s4] =	ssyncset.s32 $0xFFFFF086  }
0x25: {  	[simem:s6], [sflag:s4] =	dma.local [hbm:s3], $0xF7A  }
0x26: {  	[smem:$0x3F9B] =	sst s1;
	(tag) =	ssettag s2;
	_ =	strace s9  }
0x27: {  	s1 =	sld [smem:$0x3FAB]  }
0x28: {  	s2 =	sld [smem:$0x3FAC]  }
0x29: {  	s4 =	sld [smem:$0x3FAE]  }
0x2a: {  	p0 =	seq.s32 s5, $0x0;
	s5 =	sld [smem:$0x3FAF]  }
0x2b: {  	s6 =	sld [smem:$0x3FB0]  }
0x2c: {  	s7 =	sld [smem:$0x3FB1]  }
0x2d: {  	s3 =	simm.s32 $0x108;
	s8 =	sld [smem:$0x3FB2]  }
0x2e: {  	s3 =	simm.s32 @!p0 $0x1082;
	s9 =	sld [smem:$0x3FB3]  }
0x2f: {  	lr =	sadd.s32 s0, s3;
	s0 =	sld [smem:$0x3FAA]  }
0x30: {  	s3 =	sld [smem:$0x3FAD]  }
0x31: {  	[smem:$0x3FB6] =	sst s10  }
0x32: {  	s10 =	sld [smem:$0x3FB4];
	_ =	sdelay $0x3  }
0x33: {  	p0 =	seq.s32 s10, $0x1;
	s10 =	sld [smem:$0x3FB6];
	_ =	sdelay $0x3  }
0x34: {  	[smem:$0x3FB6] =	sst s10  }
0x35: {  	s10 =	sld [smem:$0x3FB5];
	_ =	sdelay $0x3  }
0x36: {  	p1 =	seq.s32 s10, $0x1;
	s10 =	sld [smem:$0x3FB6];
	_ =	sdelay $0x3  }
0x37: {  	[smem:$0x3FB6] =	sst s10  }
0x38: {  	s10 =	sld [smem:$0x3FB7]  }
0x39: {  	_ = 	snop;
	(pc) =	sbr.ind lr, $3  }
0x3a: {  	_ = 	snop  }
0x3b: {  	_ = 	snop  }
0x3c: {  	p2 =	seq.s32 s10, $0x1;
	s10 =	sld [smem:$0x3FB6]  }
0x3d: {  	_ =	shalt  }
0x3e: {  	_ =	shalt  }
0x3f: {  	_ =	shalt  }
0x40: {  	_ =	shalt  }
0x41: {  	_ =	shalt  }
0x42: {  	_ =	shalt  }
0x43: {  	_ =	shalt  }
0x44: {  	_ =	shalt  }
0x45: {  	_ =	shalt  }
0x46: {  	_ =	shalt  }
0x47: {  	_ =	shalt  }
0x48: {  	_ =	shalt  }
0x49: {  	_ =	shalt  }
0x4a: {  	_ =	shalt  }
0x4b: {  	_ =	shalt  }
0x4c: {  	_ =	shalt  }
0x4d: {  	_ =	shalt  }
0x4e: {  	_ =	shalt  }
0x4f: {  	_ =	shalt  }
0x50: {  	_ =	shalt  }
0x51: {  	_ =	shalt  }
0x52: {  	_ =	shalt  }
0x53: {  	_ =	shalt  }
0x54: {  	_ =	shalt  }
0x55: {  	_ =	shalt  }
0x56: {  	_ =	shalt  }
0x57: {  	_ =	shalt  }
0x58: {  	_ =	shalt  }
0x59: {  	_ =	shalt  }
0x5a: {  	_ =	shalt  }
0x5b: {  	_ =	shalt  }
0x5c: {  	_ =	shalt  }
0x5d: {  	_ =	shalt  }
0x5e: {  	_ =	shalt  }
0x5f: {  	_ =	shalt  }
0x60: {  	_ =	shalt  }
0x61: {  	_ =	shalt  }
0x62: {  	_ =	shalt  }
0x63: {  	_ =	shalt  }
0x64: {  	_ =	shalt  }
0x65: {  	_ =	shalt  }
0x66: {  	_ =	shalt  }
0x67: {  	_ =	shalt  }
0x68: {  	_ =	shalt  }
0x69: {  	_ =	shalt  }
0x6a: {  	_ =	shalt  }
0x6b: {  	_ =	shalt  }
0x6c: {  	_ =	shalt  }
0x6d: {  	_ =	shalt  }
0x6e: {  	_ =	shalt  }
0x6f: {  	_ =	shalt  }
0x70: {  	_ =	shalt  }
0x71: {  	_ =	shalt  }
0x72: {  	_ =	shalt  }
0x73: {  	_ =	shalt  }
0x74: {  	_ =	shalt  }
0x75: {  	_ =	shalt  }
0x76: {  	_ =	shalt  }
0x77: {  	_ =	shalt  }
0x78: {  	_ =	shalt  }
0x79: {  	_ =	shalt  }
0x7a: {  	_ =	shalt  }
0x7b: {  	_ =	shalt  }
0x7c: {  	_ =	shalt  }
0x7d: {  	_ =	shalt  }
0x7e: {  	_ =	shalt  }
0x7f: {  	_ =	shalt  }
0x80: {  	_ =	shalt  }
0x81: {  	_ =	shalt  }
0x82: {  	_ =	shalt  }
0x83: {  	_ =	shalt  }
0x84: {  	_ =	shalt  }
0x85: {  	_ =	shalt  }
0x86: {  	_ =	shalt  }
0x87: {  	_ =	shalt  }
.Lfunc_end0:
.L_simem_size_0:
called_computation_lowered:
.L_overlay_start_0:
0x88: {  	s2 =	sld [smem:$0x3FD9]  }
0x89: {  	s3 =	sld [smem:$0x3FFE];
	_ =	sdelay $0x1  }
0x8a: {  	s1 =	srdreg.scid  }
0x8b: {  	s0 =	sand.u32 $0x1, s1  }
0x8c: {  	s30 =	sshll.u32 s0, $0xA;
	s2 =	sadd.s32 s3, s2  }
0x8d: {  	s2 =	sadd.s32 s2, s30  }
0x8e: {  	[smem:$0x3FC2] =	sst s2  }
0x8f: {  	_ = 	snop  }
0x90: {  	s2 =	sld [smem:$0x3FC9]  }
0x91: {  	s31 =	sld [smem:$0x3FC8]  }
0x92: {  	s4 =	sld [smem:$0x3FC7]  }
0x93: {  	s5 =	sld [smem:$0x3FD0]  }
0x94: {  	s6 =	sld [smem:$0x3FC6]  }
0x95: {  	s7 =	sld [smem:$0x3FC5]  }
0x96: {  	s9 =	simm.s32 $0xA;
	s10 =	simm.s32 $0x10;
	s8 =	sld [smem:$0x3FC4]  }
0x97: {  	[smem:s10], [sflag:s9] =	dma.local [hbm:s5], $0x1  }
0x98: {  	_ =	swait.eq [sflag:s9], $0x1  }
0x99: {  	s17 =	sld [smem:$0x10]  }
0x9a: {  	s18 =	sld [smem:$0x11];
	[sflag:s9] =	ssyncset.done $0x0  }
0x9b: {  	s11 =	sld [smem:$0x12];
	[sflag:s9] =	ssyncadd.s32 $0xFFFFFFFF  }
0x9c: {  	s19 =	sld [smem:$0x13];
	(tm) =	ssettm $0x1  }
0x9d: {  	s12 =	sld [smem:$0x3FFB];
	_ =	sdelay $0x3  }
0x9e: {  	_ =	strace s12  }
0x9f: {  	s12 =	sld [smem:$0x3FFC];
	_ =	sdelay $0x3  }
0xa0: {  	_ =	strace s12  }
0xa1: {  	s12 =	sld [smem:$0x3FFD];
	_ =	sdelay $0x3  }
0xa2: {  	_ =	strace s12  }
0xa3: {  	_ =	strace $0x8FFFFFFF  }
0xa4: {  	s20 =	sld [smem:$0x3FDB];
	_ =	sdelay $0x1  }
0xa5: {  	s13 =	simm.s32 $_scs_section_size  }
0xa6: {  	s14 =	simm.s32 $_size__tile_overlayer_lowered;
	s15 =	simm.s32 $_tile_overlayer_lowered  }
0xa7: {  	s23 =	simm.s32 $0x1BFF;
	s22 =	sshll.u32 s15, $0x1;
	s12 =	sadd.s32 s13, s20  }
0xa8: {  	s16 =	simm.s32 $0x0;
	s21 =	sshll.u32 s14, $0x1;
	s14 =	sadd.s32 s22, s12  }
0xa9: {  	[timem:s16], [sflag:s23] =	dma.local [hbm:s14], s21  }
0xaa: {  	_ =	swait.ge [sflag:s23], s21  }
0xab: {  	s13 =	ssub.s32 $0x0, s21;
	[sflag:s23] =	ssyncset.done $0x0  }
0xac: {  	[sflag:s23] =	ssyncadd.s32 s13;
	_ =	sdelay $0x1  }
0xad: {  	s24 =	simm.s32 $0x1B8B  }
0xae: {  	_ =	swait.ge [sflag:s24], $0x1  }
0xaf: {  	[sflag:s24] =	ssyncset.done $0x0  }
0xb0: {  	s25 =	simm.s32 $0x1B8E;
	[sflag:s24] =	ssyncadd.s32 $0xFFFFFFFF  }
0xb1: {  	s26 =	simm.s32 $execute0_lowered;
	[smem:$0x3FD2] =	sst s25  }
0xb2: {  	s13 =	sshll.u32 s26, $0x1;
	_ =	strace $0x80000046;
	[dreg:$0x1] =	wrdreg $0xFFFFFFFF  }
0xb3: {  	s28 =	simm.s32 $_size_execute0_lowered;
	s12 =	sadd.s32 s12, s13;
	[dreg:$0x0] =	wrdreg $0x0  }
0xb4: {  	s13 =	sshll.u32 s28, $0x1;
	[dreg:$0x2] =	wrdreg s12  }
0xb5: {  	[dreg:$0x3] =	wrdreg s13  }
0xb6: {  	[dreg:$0x4] =	wrdreg $0xC0  }
0xb7: {  	_ =	task [dreg:s16], $0x5FFFF  }
0xb8: {  	[dreg:$0x1] =	wrdreg $0xFFFFFFFF  }
0xb9: {  	[dreg:$0x0] =	wrdreg $0x60  }
0xba: {  	[dreg:$0x2] =	wrdreg s2  }
0xbb: {  	[dreg:$0x3] =	wrdreg s31  }
0xbc: {  	[dreg:$0x4] =	wrdreg s4  }
0xbd: {  	[dreg:$0x5] =	wrdreg s6  }
0xbe: {  	[dreg:$0x6] =	wrdreg s7  }
0xbf: {  	[dreg:$0x7] =	wrdreg s8  }
0xc0: {  	[dreg:$0x8] =	wrdreg s17  }
0xc1: {  	[dreg:$0x9] =	wrdreg s18  }
0xc2: {  	[dreg:$0xa] =	wrdreg s11  }
0xc3: {  	[dreg:$0xb] =	wrdreg s19  }
0xc4: {  	[dreg:$0xc] =	wrdreg $0x9  }
0xc5: {  	_ =	task.clear_ibuf [dreg:s16], $0xDFFFF;
	_ =	strace $0x90000046  }
0xc6: {  	s29 =	simm.s32 $0x9;
	_ =	strace $0x80000048  }
0xc7: {  	_ =	swait.ge [sflag:s29], $0x1  }
0xc8: {  	[sflag:s29] =	ssyncadd.s32 $0xFFFFFFFF  }
0xc9: {  	_ =	strace $0x90000048  }
0xca: {  	_ =	sfence  }
0xcb: {  	s30 =	sld [smem:$0x0];
	_ =	sdelay $0x2  }
0xcc: {  	s31 =	sshll.u32 s1, $0xD;
	s1 =	sshrl.u32 s1, $0x2  }
0xcd: {  	s3 =	sand.u32 $0x4000, s31;
	s1 =	sadd.s32 s1, s30  }
0xce: {  	s0 =	sor.u32 s3, s0;
	s1 =	sshll.u32 s1, $0x11  }
0xcf: {  	s0 =	sor.u32 s1, s0  }
0xd0: {  	s0 =	sadd.s32 $0x8F2B, s0  }
0xd1: {  	[sflag:s0] =	ssyncadd.remote.s32 $0x1  }
0xd2: {  	_ =	sfence.sel $0xFFFF  }
0xd3: {  	[dreg:$0x0] =	wrdreg $0xFFFFFFFF;
	(pc) =	sbr.abs _section_cstart, $3  }
0xd4: {  	[dreg:$0x1] =	wrdreg $0xFFFFFFFF  }
0xd5: {  	_ =	task.clear_ibuf [dreg:s16], $0x2FFFF;
	_ =	strace $0x9FFFFFFF  }
0xd6: {  	(tm) =	ssettm $0x7FFFFFFF  }
0xd7: {  	_ =	shalt  }
tec
execute0_lowered:
.L_overlay_start_1:
0x0: {  	(tag) =	ssettag $0x1  }
0x1: {  	s0 =	rddreg [dreg:$0x6]  }
0x2: {  	s1 =	rddreg [dreg:$0x7]  }
0x3: {  	s2 =	rddreg [dreg:$0x8]  }
0x4: {  	s3 =	srdreg.scid;
	s5 =	stileid.u32  }
0x5: {  	s14 =	simm.s32 $0x0;
	s3 =	sand.u32 $0x1, s3;
	s4 =	sshll.u32 s5, $0x1  }
0x6: {  	s17 =	sshrl.u32 s5, $0x1;
	[smem:$0x7FF] =	sst s14;
	s4 =	sor.u32 s3, s4  }
0x7: {  	s6 =	sshll.u32 s17, $0xB;
	s3 =	ssub.s32 $0x2, s3;
	s25 =	sand.u32 $0x3, s4  }
0x8: {  	s28 =	smul.u32 $0x6000, s17;
	s8 =	sshrl.u32 s3, $0x1;
	s7 =	sshll.u32 s25, $0x9  }
0x9: {  	s9 =	smul.u32 $0x1800, s25;
	s3 =	ssub.s32 s3, s8;
	[dreg:$0xb] =	wrdreg s7  }
0xa: {  	s26 =	sor.u32 s6, s7;
	s31 =	smax.u32 s3, $0x1;
	_ =	strace $0x80000047  }
0xb: {  	s7 =	sshrl.u32 s26, $0x3;
	[dreg:$0xc] =	wrdreg s9;
	s6 =	sadd.s32 s28, s9  }
.Ltmp0:
0xc: {  	s5 =	sshll.u32 s26, $0x4;
	[dreg:$0x10] =	wrdreg s31;
	(pc) =	sbr.rel .LBB2_1-.Ltmp0, $4  }
0xd: {  	s7 =	smul.u32 $0x300, s7;
	s6 =	sshrl.u32 s6, $0x3;
	s0 =	sadd.s32 s0, s5  }
0xe: {  	[dreg:$0xd] =	wrdreg s0;
	s30 =	sadd.s32 s2, s6  }
0xf: {  	s16 =	simm.s32 $0x2;
	s29 =	sadd.s32 s1, s7;
	[dreg:$0xf] =	wrdreg s30  }
0x10: {  	v0 =	vlaneseq.u32;
	s15 =	simm.s32 $0x0;
	p0 =	sne.s32 s4, $0x0;
	[dreg:$0xe] =	wrdreg s29  }
.LBB2_7:
0x11: {  	s1 =	simm.s32 $0x1  }
0x12: {  	_ =	swait.ge [sflag:s1], $0x2000  }
0x13: {  	[sflag:s1] =	ssyncset.done $0x0  }
0x14: {  	[sflag:s1] =	ssyncadd.s32 $0xFFFFE000  }
0x15: {  	_ =	swait.ge [sflag:s1], $0xC000  }
0x16: {  	s15 =	sadd.s32 $0x1, s15;
	s0 =	rddreg [dreg:$0x10]  }
0x17: {  	p1 =	sne.s32 s15, s0  }
.Ltmp1:
0x18: {  	_ = 	snop;
	(pc) =	sbr.rel @!p1 .LBB2_8-.Ltmp1, $3  }
0x19: {  	_ =	sdelay $0x1  }
0x1a: {  	[sflag:s1] =	ssyncset.done $0x0  }
0x1b: {  	[sflag:s1] =	ssyncadd.s32 $0xFFFF4000  }
.LBB2_1:
0x1c: {  	[dreg:$0x11] =	wrdreg s15  }
0x1d: {  	s0 =	rddreg [dreg:$0x3]  }
0x1e: {  	[tilespmem:s14], [sflag:$0x2] =	stream.linear.gather [hbm4b:s0+s14], $0x1000, $0x38;
	[tilespmem:$0x2A00] =	vst v63  }
0x1f: {  	_ =	swait.ge [sflag:s16], $0x1000  }
0x20: {  	[sflag:s16] =	ssyncset.done $0x0  }
0x21: {  	[sflag:s16] =	ssyncadd.s32 $0xFFFFF000  }
0x22: {  	s1 =	simm.s32 $0x1000;
	s30 =	rddreg [dreg:$0x4]  }
0x23: {  	[tilespmem:s1], [sflag:$0x2] =	stream.linear.gather [hbm4b:s30+s14], $0x100, $0x38;
	[tilespmem:$0x2A00] =	vst v63  }
0x24: {  	_ =	swait.ge [sflag:s16], $0x100  }
0x25: {  	[sflag:s16] =	ssyncset.done $0x0  }
0x26: {  	s31 =	simm.s32 $0x0;
	[sflag:s16] =	ssyncadd.s32 $0xFFFFFF00  }
0x27: {  	v1 =	vld [tilespmem:s31+$0x1000]  }
0x28: {  	s0 =	simm.s32 $0x80  }
0x29: {  	v2 =	vld [tilespmem:s0+$0xFFFFFF80];
	_ =	sdelay $0x1  }
0x2a: {  	v3 =	vld [tilespmem:s0+$0xFFFFFF90]  }
0x2b: {  	v4 =	vbroadcast v1, $0x0  }
0x2c: {  	v5 =	vld [tilespmem:s0+$0xFFFFFFA0]  }
0x2d: {  	v2 =	vmul.f32 v2, v4;
	v4 =	vbroadcast v1, $0x1  }
0x2e: {  	v6 =	vimm.f32 $0.0e+00;
	v7 =	vld [tilespmem:s0+$0xFFFFFFB0]  }
0x2f: {  	v2 =	vadd.f32 v2, v6;
	v3 =	vmul.f32 v3, v4;
	v4 =	vbroadcast v1, $0x2  }
0x30: {  	v6 =	vld [tilespmem:s0+$0xFFFFFFC0]  }
0x31: {  	v2 =	vadd.f32 v3, v2;
	v3 =	vmul.f32 v5, v4;
	v4 =	vbroadcast v1, $0x3  }
0x32: {  	v5 =	vld [tilespmem:s0+$0xFFFFFFD0]  }
0x33: {  	v2 =	vadd.f32 v3, v2;
	v3 =	vmul.f32 v7, v4;
	v4 =	vbroadcast v1, $0x4  }
0x34: {  	v7 =	vld [tilespmem:s0+$0xFFFFFFE0]  }
0x35: {  	v2 =	vadd.f32 v3, v2;
	v3 =	vmul.f32 v6, v4;
	v4 =	vbroadcast v1, $0x5  }
0x36: {  	v6 =	vld [tilespmem:s0+$0xFFFFFFF0]  }
0x37: {  	v2 =	vadd.f32 v3, v2;
	v3 =	vmul.f32 v5, v4;
	v4 =	vbroadcast v1, $0x6  }
0x38: {  	v5 =	vld [tilespmem:s0+$0x0]  }
0x39: {  	v2 =	vadd.f32 v3, v2;
	v3 =	vmul.f32 v7, v4;
	v4 =	vbroadcast v1, $0x7  }
0x3a: {  	v7 =	vld [tilespmem:s0+$0x10]  }
0x3b: {  	v2 =	vadd.f32 v3, v2;
	v3 =	vmul.f32 v6, v4;
	v4 =	vbroadcast v1, $0x8  }
0x3c: {  	v6 =	vld [tilespmem:s0+$0x20]  }
0x3d: {  	v2 =	vadd.f32 v3, v2;
	v3 =	vmul.f32 v5, v4;
	v4 =	vbroadcast v1, $0x9  }
0x3e: {  	v5 =	vld [tilespmem:s0+$0x30]  }
0x3f: {  	v2 =	vadd.f32 v3, v2;
	v3 =	vmul.f32 v7, v4;
	v4 =	vbroadcast v1, $0xA  }
0x40: {  	v7 =	vld [tilespmem:s0+$0x40]  }
0x41: {  	v2 =	vadd.f32 v3, v2;
	v3 =	vmul.f32 v6, v4;
	v6 =	vbroadcast v1, $0xB  }
0x42: {  	v4 =	vld [tilespmem:s0+$0x50]  }
0x43: {  	v3 =	vadd.f32 v3, v2;
	v5 =	vmul.f32 v5, v6;
	v6 =	vbroadcast v1, $0xC  }
0x44: {  	v2 =	vld [tilespmem:s0+$0x60]  }
0x45: {  	s2 =	simm.s32 $0x10;
	s1 =	simm.s32 $0x80;
	v5 =	vadd.f32 v5, v3;
	v6 =	vmul.f32 v7, v6;
	v7 =	vbroadcast v1, $0xD;
	v3 =	vld [tilespmem:s0+$0x70]  }
.LBB2_2:
0x46: {  	p1 =	sne.s32 s1, $0x3C0;
	v8 =	vld [tilespmem:s2+$0x1000]  }
0x47: {  	s0 =	sadd.s32 $0x100, s0;
	v5 =	vadd.f32 v6, v5;
	v4 =	vmul.f32 v4, v7;
	v6 =	vbroadcast v1, $0xE  }
0x48: {  	v7 =	vld [tilespmem:s0+$0xFFFFFF80]  }
0x49: {  	v9 =	vbroadcast v1, $0xF;
	v4 =	vadd.f32 v4, v5;
	v2 =	vmul.f32 v2, v6  }
0x4a: {  	v5 =	vld [tilespmem:s0+$0xFFFFFF90]  }
0x4b: {  	v3 =	vmul.f32 v3, v9;
	v6 =	vbroadcast v8, $0x0;
	v2 =	vadd.f32 v2, v4;
	v1 =	vmovc v8  }
0x4c: {  	v4 =	vld [tilespmem:s0+$0xFFFFFFA0]  }
0x4d: {  	v6 =	vmul.f32 v7, v6;
	v7 =	vbroadcast v1, $0x1;
	v2 =	vadd.f32 v3, v2  }
0x4e: {  	v3 =	vld [tilespmem:s0+$0xFFFFFFB0]  }
0x4f: {  	v2 =	vadd.f32 v6, v2;
	v5 =	vmul.f32 v5, v7;
	v6 =	vbroadcast v1, $0x2  }
0x50: {  	v7 =	vld [tilespmem:s0+$0xFFFFFFC0]  }
0x51: {  	v2 =	vadd.f32 v5, v2;
	v4 =	vmul.f32 v4, v6;
	v5 =	vbroadcast v1, $0x3  }
0x52: {  	v6 =	vld [tilespmem:s0+$0xFFFFFFD0]  }
0x53: {  	v2 =	vadd.f32 v4, v2;
	v3 =	vmul.f32 v3, v5;
	v4 =	vbroadcast v1, $0x4  }
0x54: {  	v5 =	vld [tilespmem:s0+$0xFFFFFFE0]  }
0x55: {  	v2 =	vadd.f32 v3, v2;
	v3 =	vmul.f32 v7, v4;
	v4 =	vbroadcast v1, $0x5  }
0x56: {  	v7 =	vld [tilespmem:s0+$0xFFFFFFF0]  }
0x57: {  	v2 =	vadd.f32 v3, v2;
	v3 =	vmul.f32 v6, v4;
	v4 =	vbroadcast v1, $0x6  }
0x58: {  	v6 =	vld [tilespmem:s0+$0x0]  }
0x59: {  	v2 =	vadd.f32 v3, v2;
	v3 =	vmul.f32 v5, v4;
	v4 =	vbroadcast v1, $0x7  }
0x5a: {  	v5 =	vld [tilespmem:s0+$0x10]  }
0x5b: {  	v2 =	vadd.f32 v3, v2;
	v3 =	vmul.f32 v7, v4;
	v4 =	vbroadcast v1, $0x8  }
0x5c: {  	v7 =	vld [tilespmem:s0+$0x20]  }
0x5d: {  	v2 =	vadd.f32 v3, v2;
	v3 =	vmul.f32 v6, v4;
	v4 =	vbroadcast v1, $0x9  }
0x5e: {  	v6 =	vld [tilespmem:s0+$0x30]  }
0x5f: {  	v2 =	vadd.f32 v3, v2;
	v3 =	vmul.f32 v5, v4;
	v4 =	vbroadcast v1, $0xA  }
0x60: {  	v8 =	vld [tilespmem:s0+$0x40]  }
.Ltmp2:
0x61: {  	v5 =	vbroadcast v1, $0xB;
	v2 =	vadd.f32 v3, v2;
	v3 =	vmul.f32 v7, v4;
	(pc) =	sbr.rel @p1 .LBB2_2-.Ltmp2, $4  }
0x62: {  	v4 =	vld [tilespmem:s0+$0x50]  }
0x63: {  	v3 =	vadd.f32 v3, v2;
	v5 =	vmul.f32 v6, v5;
	v6 =	vbroadcast v1, $0xC  }
0x64: {  	v2 =	vld [tilespmem:s0+$0x60]  }
0x65: {  	s2 =	sshra.s32 s1, $0x2;
	s1 =	sadd.s32 $0x40, s1;
	v7 =	vbroadcast v1, $0xD;
	v5 =	vadd.f32 v5, v3;
	v6 =	vmul.f32 v8, v6;
	v3 =	vld [tilespmem:s0+$0x70]  }
0x66: {  	v8 =	vld [tilespmem:s2+$0x1000]  }
0x67: {  	v43 =	vbroadcast v1, $0xE;
	s0 =	sadd.s32 $0x100, s0;
	v5 =	vadd.f32 v6, v5;
	v4 =	vmul.f32 v4, v7  }
0x68: {  	v44 =	vld [tilespmem:s0+$0xFFFFFF80]  }
0x69: {  	v1 =	vbroadcast v1, $0xF;
	v4 =	vadd.f32 v4, v5;
	v2 =	vmul.f32 v2, v43  }
0x6a: {  	v45 =	vld [tilespmem:s0+$0xFFFFFF90]  }
0x6b: {  	v1 =	vmul.f32 v3, v1;
	v46 =	vbroadcast v8, $0x0;
	v2 =	vadd.f32 v2, v4  }
0x6c: {  	v3 =	vld [tilespmem:s0+$0xFFFFFFA0]  }
0x6d: {  	v48 =	vbroadcast v8, $0x1;
	v47 =	vmul.f32 v44, v46;
	v1 =	vadd.f32 v1, v2  }
0x6e: {  	v2 =	vld [tilespmem:s0+$0xFFFFFFB0]  }
0x6f: {  	v50 =	vbroadcast v8, $0x2;
	v49 =	vmul.f32 v45, v48;
	v1 =	vadd.f32 v47, v1  }
0x70: {  	v51 =	vld [tilespmem:s0+$0xFFFFFFC0]  }
0x71: {  	v52 =	vbroadcast v8, $0x3;
	v3 =	vmul.f32 v3, v50;
	v1 =	vadd.f32 v49, v1  }
0x72: {  	v53 =	vld [tilespmem:s0+$0xFFFFFFD0]  }
0x73: {  	v2 =	vmul.f32 v2, v52;
	v1 =	vadd.f32 v3, v1;
	v3 =	vbroadcast v8, $0x4  }
0x74: {  	v54 =	vld [tilespmem:s0+$0xFFFFFFE0]  }
0x75: {  	v1 =	vadd.f32 v2, v1;
	v2 =	vmul.f32 v51, v3;
	v3 =	vbroadcast v8, $0x5  }
0x76: {  	v55 =	vld [tilespmem:s0+$0xFFFFFFF0]  }
0x77: {  	v1 =	vadd.f32 v2, v1;
	v2 =	vmul.f32 v53, v3;
	v3 =	vbroadcast v8, $0x6  }
0x78: {  	v56 =	vld [tilespmem:s0+$0x0]  }
0x79: {  	v1 =	vadd.f32 v2, v1;
	v2 =	vmul.f32 v54, v3;
	v3 =	vbroadcast v8, $0x7  }
0x7a: {  	v57 =	vld [tilespmem:s0+$0x10]  }
0x7b: {  	v1 =	vadd.f32 v2, v1;
	v2 =	vmul.f32 v55, v3;
	v3 =	vbroadcast v8, $0x8  }
0x7c: {  	v58 =	vld [tilespmem:s0+$0x20]  }
0x7d: {  	v1 =	vadd.f32 v2, v1;
	v2 =	vmul.f32 v56, v3;
	v3 =	vbroadcast v8, $0x9  }
0x7e: {  	v59 =	vld [tilespmem:s0+$0x30]  }
0x7f: {  	v1 =	vadd.f32 v2, v1;
	v2 =	vmul.f32 v57, v3;
	v3 =	vbroadcast v8, $0xA  }
0x80: {  	v60 =	vld [tilespmem:s0+$0x40]  }
0x81: {  	v1 =	vadd.f32 v2, v1;
	v2 =	vmul.f32 v58, v3;
	v3 =	vbroadcast v8, $0xB  }
0x82: {  	v61 =	vld [tilespmem:s0+$0x50]  }
0x83: {  	v1 =	vadd.f32 v2, v1;
	v2 =	vmul.f32 v59, v3;
	v3 =	vbroadcast v8, $0xC  }
0x84: {  	v62 =	vld [tilespmem:s0+$0x60]  }
0x85: {  	v1 =	vadd.f32 v2, v1;
	v2 =	vmul.f32 v60, v3;
	v3 =	vbroadcast v8, $0xD  }
0x86: {  	v63 =	vld [tilespmem:s0+$0x70]  }
0x87: {  	v1 =	vadd.f32 v2, v1;
	v2 =	vmul.f32 v61, v3;
	v3 =	vbroadcast v8, $0xE;
	_ =	sdelay $0x1  }
0x88: {  	v1 =	vadd.f32 v2, v1;
	v2 =	vmul.f32 v62, v3;
	v3 =	vbroadcast v8, $0xF;
	_ =	sdelay $0x1  }
0x89: {  	v1 =	vadd.f32 v2, v1;
	v2 =	vmul.f32 v63, v3;
	_ =	sdelay $0x1  }
0x8a: {  	v1 =	vadd.f32 v2, v1;
	_ =	sdelay $0x1  }
0x8b: {  	(v2sf) =	vpush v1, $0x0  }
0x8c: {  	(v2sf) =	vpush v1, $0x1  }
0x8d: {  	(v2sf) =	vpush v1, $0x2  }
0x8e: {  	(v2sf) =	vpush v1, $0x3  }
0x8f: {  	(v2sf) =	vpush v1, $0x4  }
0x90: {  	(v2sf) =	vpush v1, $0x5  }
0x91: {  	(v2sf) =	vpush v1, $0x6  }
0x92: {  	(v2sf) =	vpush v1, $0x7;
	_ =	sdelay $0x1  }
0x93: {  	(v2sf) =	vpush v1, $0x8  }
0x94: {  	(v2sf) =	vpush v1, $0x9;
	_ =	sdelay $0x1  }
0x95: {  	(v2sf) =	vpush v1, $0xA  }
0x96: {  	(v2sf) =	vpush v1, $0xB  }
0x97: {  	(v2sf) =	vpush v1, $0xC  }
0x98: {  	s2 =	simm.s32 $0x1;
	(v2sf) =	vpush v1, $0xD;
	s24 =	spop (v2sf)  }
0x99: {  	s3 =	simm.s32 $0x1;
	s4 =	simm.s32 $0x1;
	s21 =	spop (v2sf)  }
0x9a: {  	s6 =	simm.s32 $0x1;
	s9 =	simm.s32 $0x1;
	s22 =	spop (v2sf)  }
0x9b: {  	s11 =	simm.s32 $0x1;
	p1 =	sge.f32 s24, s21;
	s0 =	spop (v2sf)  }
0x9c: {  	s12 =	simm.s32 $0x1;
	(v2sf) =	vpush v1, $0xE;
	p2 =	sgt.f32 s22, s21;
	s1 =	spop (v2sf)  }
0x9d: {  	s2 =	simm.s32 @!p1 $0x0;
	p1 =	sgt.f32 s0, s21;
	s8 =	spop (v2sf)  }
0x9e: {  	s3 =	simm.s32 @!p2 $0x0;
	p2 =	sgt.f32 s1, s21;
	s5 =	spop (v2sf)  }
0x9f: {  	(v2sf) =	vpush v1, $0xF;
	s2 =	sadd.s32 s3, s2;
	s3 =	simm.s32 $0x1;
	s7 =	spop (v2sf)  }
0xa0: {  	s3 =	simm.s32 @!p1 $0x0;
	p1 =	sgt.f32 s8, s21;
	s4 =	simm.s32 @!p2 $0x0  }
0xa1: {  	s31 =	spop (v2sf);
	s2 =	sadd.s32 s3, s2;
	s3 =	simm.s32 $0x1  }
0xa2: {  	p2 =	sgt.f32 s7, s21;
	s30 =	spop (v2sf);
	s2 =	sadd.s32 s4, s2  }
0xa3: {  	s3 =	simm.s32 @!p1 $0x0;
	p1 =	sgt.f32 s5, s21;
	s4 =	simm.s32 $0x1  }
0xa4: {  	s29 =	spop (v2sf);
	s2 =	sadd.s32 s3, s2;
	s3 =	simm.s32 $0x1  }
0xa5: {  	s25 =	spop (v2sf);
	s3 =	simm.s32 @!p1 $0x0;
	p1 =	sgt.f32 s31, s21  }
0xa6: {  	s4 =	simm.s32 @!p2 $0x0;
	p2 =	sgt.f32 s29, s21;
	s26 =	spop (v2sf)  }
0xa7: {  	s2 =	sadd.s32 s3, s2;
	s3 =	simm.s32 $0x1;
	s28 =	spop (v2sf)  }
0xa8: {  	s2 =	sadd.s32 s4, s2;
	s3 =	simm.s32 @!p1 $0x0;
	p1 =	sgt.f32 s30, s21  }
0xa9: {  	s4 =	simm.s32 $0x1;
	s2 =	sadd.s32 s3, s2;
	s3 =	simm.s32 $0x1  }
0xaa: {  	s4 =	simm.s32 @!p2 $0x0;
	p2 =	sgt.f32 s28, s21;
	s3 =	simm.s32 @!p1 $0x0  }
0xab: {  	p1 =	sgt.f32 s25, s21;
	s3 =	sadd.s32 s3, s2;
	s2 =	spop (v2sf)  }
0xac: {  	s9 =	simm.s32 @!p2 $0x0;
	p2 =	sge.f32 s24, s22;
	s4 =	sadd.s32 s4, s3  }
0xad: {  	s6 =	simm.s32 @!p1 $0x0;
	p1 =	sgt.f32 s26, s21;
	p3 =	sgt.f32 s2, s21  }
0xae: {  	s3 =	spop (v2sf);
	s4 =	sadd.s32 s6, s4;
	s6 =	simm.s32 $0x1  }
0xaf: {  	s6 =	simm.s32 @!p1 $0x0;
	s11 =	simm.s32 @!p3 $0x0;
	p1 =	sgt.f32 s3, s21  }
0xb0: {  	p3 =	sge.f32 s21, s22;
	s4 =	sadd.s32 s6, s4;
	s6 =	simm.s32 $0x1  }
0xb1: {  	s4 =	sadd.s32 s9, s4;
	s9 =	simm.s32 $0x1;
	s6 =	simm.s32 @!p1 $0x0  }
0xb2: {  	s12 =	simm.s32 @!p3 $0x0;
	p1 =	sgt.f32 s0, s22;
	p3 =	sge.f32 s21, s0  }
0xb3: {  	s9 =	simm.s32 @!p2 $0x0;
	s4 =	sadd.s32 s11, s4;
	s11 =	simm.s32 $0x1  }
0xb4: {  	p2 =	sgt.f32 s1, s22;
	s9 =	sadd.s32 s12, s9;
	s11 =	simm.s32 @!p1 $0x0  }
0xb5: {  	s12 =	simm.s32 $0x1;
	p1 =	sgt.f32 s8, s22;
	s4 =	sadd.s32 s6, s4  }
0xb6: {  	s6 =	simm.s32 $0x1;
	s9 =	sadd.s32 s11, s9;
	s12 =	simm.s32 @!p2 $0x0  }
0xb7: {  	s11 =	simm.s32 $0x1;
	p2 =	sgt.f32 s7, s22;
	[dreg:$0x12] =	wrdreg s4  }
0xb8: {  	s9 =	sadd.s32 s12, s9;
	s11 =	simm.s32 @!p1 $0x0;
	p1 =	sgt.f32 s5, s22  }
0xb9: {  	s12 =	simm.s32 $0x1;
	s9 =	sadd.s32 s11, s9;
	s11 =	simm.s32 $0x1  }
0xba: {  	s12 =	simm.s32 @!p2 $0x0;
	s11 =	simm.s32 @!p1 $0x0;
	p1 =	sgt.f32 s31, s22  }
0xbb: {  	p2 =	sgt.f32 s29, s22;
	s9 =	sadd.s32 s11, s9;
	s11 =	simm.s32 $0x1  }
0xbc: {  	s9 =	sadd.s32 s12, s9;
	s11 =	simm.s32 @!p1 $0x0;
	p1 =	sgt.f32 s30, s22  }
0xbd: {  	s12 =	simm.s32 $0x1;
	s9 =	sadd.s32 s11, s9;
	s11 =	simm.s32 $0x1  }
0xbe: {  	s12 =	simm.s32 @!p2 $0x0;
	s11 =	simm.s32 @!p1 $0x0;
	p1 =	sgt.f32 s25, s22  }
0xbf: {  	p2 =	sgt.f32 s28, s22;
	s9 =	sadd.s32 s11, s9;
	s11 =	simm.s32 $0x1  }
0xc0: {  	s9 =	sadd.s32 s12, s9;
	s11 =	simm.s32 @!p1 $0x0;
	p1 =	sgt.f32 s26, s22  }
0xc1: {  	s12 =	simm.s32 $0x1;
	s9 =	sadd.s32 s11, s9;
	s11 =	simm.s32 $0x1  }
0xc2: {  	s12 =	simm.s32 @!p2 $0x0;
	s11 =	simm.s32 @!p1 $0x0;
	p1 =	sgt.f32 s2, s22  }
0xc3: {  	p2 =	sge.f32 s24, s0;
	s9 =	sadd.s32 s11, s9;
	s11 =	simm.s32 $0x1  }
0xc4: {  	s12 =	sadd.s32 s12, s9;
	s11 =	simm.s32 @!p1 $0x0;
	s9 =	simm.s32 $0x1  }
0xc5: {  	p1 =	sgt.f32 s3, s22;
	s4 =	sadd.s32 s11, s12;
	s9 =	simm.s32 @!p2 $0x0  }
0xc6: {  	s11 =	simm.s32 $0x1;
	p2 =	sgt.f32 s1, s0;
	s12 =	simm.s32 $0x1  }
0xc7: {  	s6 =	simm.s32 @!p1 $0x0;
	s11 =	simm.s32 @!p3 $0x0;
	p1 =	sge.f32 s22, s0  }
0xc8: {  	p3 =	sge.f32 s21, s1;
	s4 =	sadd.s32 s6, s4;
	s13 =	sadd.s32 s11, s9  }
0xc9: {  	s6 =	simm.s32 $0x1;
	s9 =	simm.s32 $0x1;
	s11 =	simm.s32 $0x1  }
0xca: {  	[dreg:$0x13] =	wrdreg s4;
	s6 =	simm.s32 @!p1 $0x0;
	p1 =	sgt.f32 s8, s0  }
0xcb: {  	s9 =	simm.s32 @!p2 $0x0;
	s4 =	sadd.s32 s6, s13;
	s6 =	simm.s32 $0x1  }
0xcc: {  	s4 =	sadd.s32 s9, s4;
	s6 =	simm.s32 @!p1 $0x0;
	p1 =	sgt.f32 s5, s0  }
0xcd: {  	p2 =	sgt.f32 s7, s0;
	s4 =	sadd.s32 s6, s4;
	s6 =	simm.s32 $0x1  }
0xce: {  	s9 =	simm.s32 $0x1;
	s6 =	simm.s32 @!p1 $0x0;
	p1 =	sgt.f32 s31, s0  }
0xcf: {  	s9 =	simm.s32 @!p2 $0x0;
	s4 =	sadd.s32 s6, s4;
	s6 =	simm.s32 $0x1  }
0xd0: {  	s4 =	sadd.s32 s9, s4;
	s6 =	simm.s32 @!p1 $0x0;
	p1 =	sgt.f32 s30, s0  }
0xd1: {  	p2 =	sgt.f32 s29, s0;
	s4 =	sadd.s32 s6, s4;
	s6 =	simm.s32 $0x1  }
0xd2: {  	s9 =	simm.s32 $0x1;
	s6 =	simm.s32 @!p1 $0x0;
	p1 =	sgt.f32 s25, s0  }
0xd3: {  	s9 =	simm.s32 @!p2 $0x0;
	s4 =	sadd.s32 s6, s4;
	s6 =	simm.s32 $0x1  }
0xd4: {  	s4 =	sadd.s32 s9, s4;
	s6 =	simm.s32 @!p1 $0x0;
	p1 =	sgt.f32 s26, s0  }
0xd5: {  	p2 =	sgt.f32 s28, s0;
	s4 =	sadd.s32 s6, s4;
	s6 =	simm.s32 $0x1  }
0xd6: {  	s13 =	simm.s32 $0x1;
	s9 =	simm.s32 $0x1;
	s6 =	simm.s32 @!p1 $0x0  }
0xd7: {  	s9 =	simm.s32 @!p2 $0x0;
	p1 =	sgt.f32 s2, s0;
	s4 =	sadd.s32 s6, s4  }
0xd8: {  	p2 =	sge.f32 s24, s1;
	s6 =	simm.s32 $0x1;
	s4 =	sadd.s32 s9, s4  }
0xd9: {  	s6 =	simm.s32 @!p1 $0x0;
	p1 =	sgt.f32 s3, s0;
	s9 =	simm.s32 $0x1  }
0xda: {  	s4 =	sadd.s32 s6, s4;
	s6 =	simm.s32 $0x1;
	s9 =	simm.s32 @!p3 $0x0  }
0xdb: {  	p3 =	sge.f32 s0, s1;
	s6 =	simm.s32 @!p2 $0x0;
	p2 =	sge.f32 s22, s1  }
0xdc: {  	s11 =	simm.s32 @!p1 $0x0;
	p1 =	sgt.f32 s26, s1;
	s6 =	sadd.s32 s9, s6  }
0xdd: {  	s9 =	simm.s32 $0x1;
	s12 =	simm.s32 @!p3 $0x0;
	p3 =	sgt.f32 s7, s1  }
0xde: {  	s15 =	sadd.s32 s11, s4;
	s9 =	simm.s32 @!p2 $0x0;
	p2 =	sgt.f32 s8, s1  }
0xdf: {  	s11 =	simm.s32 $0x1;
	s6 =	sadd.s32 s9, s6;
	s9 =	simm.s32 $0x1  }
0xe0: {  	s6 =	sadd.s32 s12, s6;
	s9 =	simm.s32 @!p2 $0x0;
	p2 =	sgt.f32 s5, s1  }
0xe1: {  	s12 =	simm.s32 $0x1;
	s6 =	sadd.s32 s9, s6;
	s9 =	simm.s32 $0x1  }
0xe2: {  	s12 =	simm.s32 @!p3 $0x0;
	s9 =	simm.s32 @!p2 $0x0;
	p2 =	sgt.f32 s31, s1  }
0xe3: {  	p3 =	sgt.f32 s29, s1;
	s6 =	sadd.s32 s9, s6;
	s9 =	simm.s32 $0x1  }
0xe4: {  	s6 =	sadd.s32 s12, s6;
	s9 =	simm.s32 @!p2 $0x0;
	p2 =	sgt.f32 s30, s1  }
0xe5: {  	s12 =	simm.s32 $0x1;
	s6 =	sadd.s32 s9, s6;
	s9 =	simm.s32 $0x1  }
0xe6: {  	s12 =	simm.s32 @!p3 $0x0;
	p3 =	sgt.f32 s2, s1;
	s9 =	simm.s32 @!p2 $0x0  }
0xe7: {  	[dreg:$0x16] =	wrdreg s15;
	p2 =	sgt.f32 s25, s1;
	s6 =	sadd.s32 s9, s6  }
0xe8: {  	s9 =	simm.s32 $0x1;
	s11 =	simm.s32 @!p3 $0x0;
	p3 =	sge.f32 s21, s8  }
0xe9: {  	s6 =	sadd.s32 s12, s6;
	s9 =	simm.s32 @!p2 $0x0;
	p2 =	sgt.f32 s28, s1  }
0xea: {  	s12 =	simm.s32 $0x1;
	s14 =	sadd.s32 s9, s6;
	s6 =	simm.s32 $0x1  }
0xeb: {  	s9 =	simm.s32 $0x1;
	s12 =	simm.s32 @!p3 $0x0;
	p3 =	sge.f32 s21, s5  }
0xec: {  	s6 =	simm.s32 @!p1 $0x0;
	s9 =	simm.s32 @!p2 $0x0;
	p1 =	sgt.f32 s3, s1  }
0xed: {  	p2 =	sge.f32 s24, s8;
	s4 =	sadd.s32 s6, s14;
	s6 =	simm.s32 $0x1  }
0xee: {  	s4 =	sadd.s32 s9, s4;
	s9 =	simm.s32 $0x1;
	s6 =	simm.s32 @!p1 $0x0  }
0xef: {  	p1 =	sge.f32 s22, s8;
	s9 =	simm.s32 @!p2 $0x0;
	s4 =	sadd.s32 s11, s4  }
0xf0: {  	s11 =	simm.s32 $0x1;
	p2 =	sge.f32 s0, s8;
	s9 =	sadd.s32 s12, s9  }
0xf1: {  	s11 =	simm.s32 @!p1 $0x0;
	s12 =	simm.s32 $0x1;
	p1 =	sge.f32 s1, s8  }
0xf2: {  	s4 =	sadd.s32 s6, s4;
	s6 =	simm.s32 $0x1;
	s9 =	sadd.s32 s11, s9  }
0xf3: {  	s12 =	simm.s32 @!p2 $0x0;
	s11 =	simm.s32 $0x1;
	p2 =	sgt.f32 s7, s8  }
0xf4: {  	s9 =	sadd.s32 s12, s9;
	s11 =	simm.s32 @!p1 $0x0;
	p1 =	sgt.f32 s5, s8  }
0xf5: {  	[dreg:$0x14] =	wrdreg s4;
	s9 =	sadd.s32 s11, s9;
	s11 =	simm.s32 $0x1  }
0xf6: {  	s12 =	simm.s32 $0x1;
	s11 =	simm.s32 @!p1 $0x0;
	p1 =	sgt.f32 s31, s8  }
0xf7: {  	s12 =	simm.s32 @!p2 $0x0;
	s9 =	sadd.s32 s11, s9;
	s11 =	simm.s32 $0x1  }
0xf8: {  	s9 =	sadd.s32 s12, s9;
	s11 =	simm.s32 @!p1 $0x0;
	p1 =	sgt.f32 s30, s8  }
0xf9: {  	p2 =	sgt.f32 s29, s8;
	s9 =	sadd.s32 s11, s9;
	s11 =	simm.s32 $0x1  }
0xfa: {  	s12 =	simm.s32 $0x1;
	s11 =	simm.s32 @!p1 $0x0;
	p1 =	sgt.f32 s25, s8  }
0xfb: {  	s12 =	simm.s32 @!p2 $0x0;
	s9 =	sadd.s32 s11, s9;
	s11 =	simm.s32 $0x1  }
0xfc: {  	s9 =	sadd.s32 s12, s9;
	s11 =	simm.s32 @!p1 $0x0;
	p1 =	sgt.f32 s26, s8  }
0xfd: {  	p2 =	sgt.f32 s28, s8;
	s9 =	sadd.s32 s11, s9;
	s11 =	simm.s32 $0x1  }
0xfe: {  	s12 =	simm.s32 $0x1;
	s11 =	simm.s32 @!p1 $0x0;
	p1 =	sgt.f32 s2, s8  }
0xff: {  	s12 =	simm.s32 @!p2 $0x0;
	s9 =	sadd.s32 s11, s9;
	s11 =	simm.s32 $0x1  }
0x100: {  	p2 =	sge.f32 s24, s5;
	s16 =	sadd.s32 s12, s9;
	s11 =	simm.s32 @!p1 $0x0  }
0x101: {  	p1 =	sgt.f32 s3, s8;
	s9 =	simm.s32 $0x1;
	s12 =	simm.s32 $0x1  }
0x102: {  	s4 =	sadd.s32 s11, s16;
	s9 =	simm.s32 @!p2 $0x0;
	s11 =	simm.s32 $0x1  }
0x103: {  	p2 =	sge.f32 s0, s5;
	s6 =	simm.s32 @!p1 $0x0;
	s11 =	simm.s32 @!p3 $0x0  }
0x104: {  	p1 =	sge.f32 s22, s5;
	p3 =	sge.f32 s21, s7;
	s4 =	sadd.s32 s6, s4  }
0x105: {  	s18 =	sadd.s32 s11, s9;
	s6 =	simm.s32 $0x1;
	s9 =	simm.s32 $0x1  }
0x106: {  	s11 =	simm.s32 $0x1;
	[dreg:$0x15] =	wrdreg s4;
	s6 =	simm.s32 @!p1 $0x0  }
0x107: {  	p1 =	sge.f32 s1, s5;
	s9 =	simm.s32 @!p2 $0x0;
	p2 =	sgt.f32 s7, s5  }
0x108: {  	s4 =	sadd.s32 s6, s18;
	s6 =	simm.s32 $0x1;
	s18 =	simm.s32 $0x1  }
0x109: {  	s4 =	sadd.s32 s9, s4;
	s6 =	simm.s32 @!p1 $0x0;
	p1 =	sge.f32 s8, s5  }
0x10a: {  	s9 =	simm.s32 $0x1;
	s4 =	sadd.s32 s6, s4;
	s6 =	simm.s32 $0x1  }
0x10b: {  	s9 =	simm.s32 @!p2 $0x0;
	s6 =	simm.s32 @!p1 $0x0;
	p1 =	sgt.f32 s31, s5  }
0x10c: {  	p2 =	sgt.f32 s29, s5;
	s4 =	sadd.s32 s6, s4;
	s6 =	simm.s32 $0x1  }
0x10d: {  	s4 =	sadd.s32 s9, s4;
	s6 =	simm.s32 @!p1 $0x0;
	p1 =	sgt.f32 s30, s5  }
0x10e: {  	s9 =	simm.s32 $0x1;
	s4 =	sadd.s32 s6, s4;
	s6 =	simm.s32 $0x1  }
0x10f: {  	s9 =	simm.s32 @!p2 $0x0;
	s6 =	simm.s32 @!p1 $0x0;
	p1 =	sgt.f32 s25, s5  }
0x110: {  	p2 =	sgt.f32 s28, s5;
	s4 =	sadd.s32 s6, s4;
	s6 =	simm.s32 $0x1  }
0x111: {  	s4 =	sadd.s32 s9, s4;
	s6 =	simm.s32 @!p1 $0x0;
	p1 =	sgt.f32 s26, s5  }
0x112: {  	s9 =	simm.s32 $0x1;
	s4 =	sadd.s32 s6, s4;
	s6 =	simm.s32 $0x1  }
0x113: {  	s9 =	simm.s32 @!p2 $0x0;
	s6 =	simm.s32 @!p1 $0x0;
	p1 =	sgt.f32 s2, s5  }
0x114: {  	p2 =	sge.f32 s24, s7;
	s4 =	sadd.s32 s6, s4;
	s6 =	simm.s32 $0x1  }
0x115: {  	s4 =	sadd.s32 s9, s4;
	s6 =	simm.s32 @!p1 $0x0;
	p1 =	sgt.f32 s3, s5  }
0x116: {  	s9 =	simm.s32 $0x1;
	s4 =	sadd.s32 s6, s4;
	s6 =	simm.s32 $0x1  }
0x117: {  	s9 =	simm.s32 @!p3 $0x0;
	p3 =	sge.f32 s0, s7;
	s6 =	simm.s32 @!p2 $0x0  }
0x118: {  	p2 =	sge.f32 s22, s7;
	s11 =	simm.s32 @!p1 $0x0;
	p1 =	sgt.f32 s3, s7  }
0x119: {  	s6 =	sadd.s32 s9, s6;
	s9 =	simm.s32 $0x1;
	s12 =	simm.s32 @!p3 $0x0  }
0x11a: {  	p3 =	sge.f32 s5, s7;
	s9 =	simm.s32 @!p2 $0x0;
	p2 =	sge.f32 s1, s7  }
0x11b: {  	s4 =	sadd.s32 s11, s4;
	s6 =	sadd.s32 s9, s6;
	s9 =	simm.s32 $0x1  }
0x11c: {  	s6 =	sadd.s32 s12, s6;
	s9 =	simm.s32 @!p2 $0x0;
	p2 =	sge.f32 s8, s7  }
0x11d: {  	s11 =	simm.s32 $0x1;
	s6 =	sadd.s32 s9, s6;
	s9 =	simm.s32 $0x1  }
0x11e: {  	s12 =	simm.s32 $0x1;
	s9 =	simm.s32 @!p2 $0x0;
	p2 =	sgt.f32 s31, s7  }
0x11f: {  	s12 =	simm.s32 @!p3 $0x0;
	s6 =	sadd.s32 s9, s6;
	s9 =	simm.s32 $0x1  }
0x120: {  	s6 =	sadd.s32 s12, s6;
	s9 =	simm.s32 @!p2 $0x0;
	p2 =	sgt.f32 s30, s7  }
0x121: {  	p3 =	sgt.f32 s29, s7;
	s6 =	sadd.s32 s9, s6;
	s9 =	simm.s32 $0x1  }
0x122: {  	s12 =	simm.s32 $0x1;
	s9 =	simm.s32 @!p2 $0x0;
	p2 =	sgt.f32 s25, s7  }
0x123: {  	s12 =	simm.s32 @!p3 $0x0;
	s6 =	sadd.s32 s9, s6;
	s9 =	simm.s32 $0x1  }
0x124: {  	s6 =	sadd.s32 s12, s6;
	s9 =	simm.s32 @!p2 $0x0;
	p2 =	sgt.f32 s26, s7  }
0x125: {  	p3 =	sgt.f32 s28, s7;
	s6 =	sadd.s32 s9, s6;
	s9 =	simm.s32 $0x1  }
0x126: {  	s12 =	simm.s32 $0x1;
	s9 =	simm.s32 @!p2 $0x0;
	p2 =	sgt.f32 s2, s7  }
0x127: {  	s12 =	simm.s32 @!p3 $0x0;
	s6 =	sadd.s32 s9, s6;
	s9 =	simm.s32 $0x1  }
0x128: {  	s6 =	sadd.s32 s12, s6;
	s9 =	simm.s32 @!p2 $0x0;
	p2 =	sge.f32 s24, s31  }
0x129: {  	p3 =	sge.f32 s21, s31;
	s19 =	sadd.s32 s9, s6;
	s6 =	simm.s32 $0x1  }
0x12a: {  	[dreg:$0x17] =	wrdreg s4;
	s9 =	simm.s32 $0x1;
	s6 =	simm.s32 @!p2 $0x0  }
0x12b: {  	p2 =	sge.f32 s22, s31;
	s9 =	simm.s32 @!p3 $0x0;
	p3 =	sge.f32 s0, s31  }
0x12c: {  	s12 =	simm.s32 $0x1;
	s6 =	sadd.s32 s9, s6;
	s9 =	simm.s32 $0x1  }
0x12d: {  	s11 =	simm.s32 @!p2 $0x0;
	s9 =	simm.s32 @!p3 $0x0;
	p2 =	sge.f32 s1, s31  }
0x12e: {  	p3 =	sge.f32 s8, s31;
	s6 =	sadd.s32 s11, s6;
	s11 =	simm.s32 $0x1  }
0x12f: {  	s6 =	sadd.s32 s9, s6;
	s9 =	simm.s32 $0x1;
	s11 =	simm.s32 @!p1 $0x0  }
0x130: {  	s12 =	simm.s32 @!p3 $0x0;
	p1 =	sge.f32 s5, s31;
	p3 =	sgt.f32 s30, s31  }
0x131: {  	s9 =	simm.s32 @!p2 $0x0;
	s23 =	sadd.s32 s11, s19;
	p2 =	sge.f32 s7, s31  }
0x132: {  	s11 =	simm.s32 $0x1;
	s19 =	simm.s32 $0x1;
	s6 =	sadd.s32 s9, s6  }
0x133: {  	s9 =	simm.s32 $0x1;
	s11 =	simm.s32 @!p3 $0x0;
	p3 =	sge.f32 s22, s30  }
0x134: {  	s20 =	sadd.s32 s12, s6;
	s6 =	simm.s32 $0x1;
	s9 =	simm.s32 @!p2 $0x0  }
0x135: {  	p2 =	sge.f32 s21, s30;
	s12 =	simm.s32 $0x1;
	s6 =	simm.s32 @!p1 $0x0  }
0x136: {  	p1 =	sge.f32 s24, s30;
	s12 =	simm.s32 @!p3 $0x0;
	p3 =	sge.f32 s1, s30  }
0x137: {  	s4 =	sadd.s32 s6, s20;
	s6 =	simm.s32 $0x1;
	s20 =	simm.s32 $0x1  }
0x138: {  	s4 =	sadd.s32 s9, s4;
	s9 =	simm.s32 $0x1;
	s6 =	simm.s32 @!p1 $0x0  }
0x139: {  	p1 =	sgt.f32 s29, s31;
	s9 =	simm.s32 @!p2 $0x0;
	s4 =	sadd.s32 s11, s4  }
0x13a: {  	p2 =	sge.f32 s0, s30;
	s6 =	sadd.s32 s9, s6;
	s9 =	simm.s32 $0x1  }
0x13b: {  	s11 =	simm.s32 $0x1;
	s6 =	sadd.s32 s12, s6;
	s9 =	simm.s32 @!p1 $0x0  }
0x13c: {  	s11 =	simm.s32 @!p2 $0x0;
	s12 =	simm.s32 $0x1;
	p1 =	sgt.f32 s25, s31  }
0x13d: {  	p2 =	sge.f32 s8, s30;
	s4 =	sadd.s32 s9, s4;
	s6 =	sadd.s32 s11, s6  }
0x13e: {  	s12 =	simm.s32 @!p3 $0x0;
	s9 =	simm.s32 $0x1;
	p3 =	sge.f32 s5, s30  }
0x13f: {  	s11 =	simm.s32 $0x1;
	s6 =	sadd.s32 s12, s6;
	s9 =	simm.s32 @!p1 $0x0  }
0x140: {  	s11 =	simm.s32 @!p2 $0x0;
	s12 =	simm.s32 $0x1;
	p1 =	sgt.f32 s26, s31  }
0x141: {  	p2 =	sge.f32 s7, s30;
	s4 =	sadd.s32 s9, s4;
	s6 =	sadd.s32 s11, s6  }
0x142: {  	s12 =	simm.s32 @!p3 $0x0;
	s9 =	simm.s32 $0x1;
	p3 =	sge.f32 s31, s30  }
0x143: {  	s11 =	simm.s32 $0x1;
	s6 =	sadd.s32 s12, s6;
	s9 =	simm.s32 @!p1 $0x0  }
0x144: {  	s11 =	simm.s32 @!p2 $0x0;
	s12 =	simm.s32 $0x1;
	p1 =	sgt.f32 s28, s31  }
0x145: {  	p2 =	sgt.f32 s29, s30;
	s4 =	sadd.s32 s9, s4;
	s6 =	sadd.s32 s11, s6  }
0x146: {  	s12 =	simm.s32 @!p3 $0x0;
	s9 =	simm.s32 $0x1;
	p3 =	sgt.f32 s25, s30  }
0x147: {  	s11 =	simm.s32 $0x1;
	s6 =	sadd.s32 s12, s6;
	s9 =	simm.s32 @!p1 $0x0  }
0x148: {  	s11 =	simm.s32 @!p2 $0x0;
	s12 =	simm.s32 $0x1;
	p1 =	sgt.f32 s2, s31  }
0x149: {  	p2 =	sgt.f32 s26, s30;
	s4 =	sadd.s32 s9, s4;
	s6 =	sadd.s32 s11, s6  }
0x14a: {  	s12 =	simm.s32 @!p3 $0x0;
	s9 =	simm.s32 $0x1;
	p3 =	sgt.f32 s28, s30  }
0x14b: {  	s11 =	simm.s32 $0x1;
	s6 =	sadd.s32 s12, s6;
	s9 =	simm.s32 @!p1 $0x0  }
0x14c: {  	s11 =	simm.s32 @!p2 $0x0;
	s12 =	simm.s32 $0x1;
	p1 =	sgt.f32 s3, s31  }
0x14d: {  	p2 =	sgt.f32 s2, s30;
	s4 =	sadd.s32 s9, s4;
	s6 =	sadd.s32 s11, s6  }
0x14e: {  	s12 =	simm.s32 @!p3 $0x0;
	s9 =	simm.s32 $0x1;
	p3 =	sgt.f32 s3, s30  }
0x14f: {  	s11 =	simm.s32 $0x1;
	s6 =	sadd.s32 s12, s6;
	s9 =	simm.s32 @!p1 $0x0  }
0x150: {  	s11 =	simm.s32 @!p2 $0x0;
	s12 =	simm.s32 $0x1;
	p1 =	sge.f32 s24, s29  }
0x151: {  	p2 =	sge.f32 s21, s29;
	s16 =	sadd.s32 s9, s4;
	s9 =	sadd.s32 s11, s6  }
0x152: {  	s12 =	simm.s32 @!p3 $0x0;
	s4 =	simm.s32 $0x1;
	p3 =	sge.f32 s22, s29  }
0x153: {  	s6 =	simm.s32 $0x1;
	s12 =	sadd.s32 s12, s9;
	s4 =	simm.s32 @!p1 $0x0  }
0x154: {  	s6 =	simm.s32 @!p2 $0x0;
	s9 =	simm.s32 $0x1;
	p1 =	sge.f32 s0, s29  }
0x155: {  	p2 =	sge.f32 s1, s29;
	s4 =	sadd.s32 s6, s4;
	s9 =	simm.s32 @!p3 $0x0  }
0x156: {  	s6 =	simm.s32 $0x1;
	p3 =	sge.f32 s21, s26;
	s4 =	sadd.s32 s9, s4  }
0x157: {  	s6 =	simm.s32 @!p1 $0x0;
	p1 =	sge.f32 s8, s29;
	s9 =	simm.s32 $0x1  }
0x158: {  	s4 =	sadd.s32 s6, s4;
	s9 =	simm.s32 @!p2 $0x0;
	s6 =	simm.s32 $0x1  }
0x159: {  	s4 =	sadd.s32 s9, s4;
	s6 =	simm.s32 @!p1 $0x0;
	p1 =	sge.f32 s5, s29  }
0x15a: {  	p2 =	sge.f32 s7, s29;
	s4 =	sadd.s32 s6, s4;
	s6 =	simm.s32 $0x1  }
0x15b: {  	s9 =	simm.s32 $0x1;
	s6 =	simm.s32 @!p1 $0x0;
	p1 =	sge.f32 s31, s29  }
0x15c: {  	s9 =	simm.s32 @!p2 $0x0;
	s4 =	sadd.s32 s6, s4;
	s6 =	simm.s32 $0x1  }
0x15d: {  	s4 =	sadd.s32 s9, s4;
	s6 =	simm.s32 @!p1 $0x0;
	p1 =	sge.f32 s30, s29  }
0x15e: {  	p2 =	sgt.f32 s25, s29;
	s4 =	sadd.s32 s6, s4;
	s6 =	simm.s32 $0x1  }
0x15f: {  	s9 =	simm.s32 $0x1;
	s6 =	simm.s32 @!p1 $0x0;
	p1 =	sgt.f32 s26, s29  }
0x160: {  	s9 =	simm.s32 @!p2 $0x0;
	s4 =	sadd.s32 s6, s4;
	s6 =	simm.s32 $0x1  }
0x161: {  	s4 =	sadd.s32 s9, s4;
	s6 =	simm.s32 @!p1 $0x0;
	p1 =	sgt.f32 s28, s29  }
0x162: {  	p2 =	sgt.f32 s2, s29;
	s4 =	sadd.s32 s6, s4;
	s6 =	simm.s32 $0x1  }
0x163: {  	s9 =	simm.s32 $0x1;
	s6 =	simm.s32 @!p1 $0x0;
	p1 =	sgt.f32 s3, s29  }
0x164: {  	s9 =	simm.s32 @!p2 $0x0;
	s4 =	sadd.s32 s6, s4;
	s6 =	simm.s32 $0x1  }
0x165: {  	p2 =	sge.f32 s21, s25;
	s4 =	sadd.s32 s9, s4;
	s6 =	simm.s32 @!p1 $0x0  }
0x166: {  	p1 =	sge.f32 s24, s25;
	s4 =	sadd.s32 s6, s4;
	s6 =	simm.s32 $0x1  }
0x167: {  	[dreg:$0x19] =	wrdreg s4;
	s4 =	simm.s32 $0x1;
	s6 =	simm.s32 @!p2 $0x0  }
0x168: {  	p2 =	sge.f32 s0, s25;
	s4 =	simm.s32 @!p1 $0x0;
	p1 =	sge.f32 s22, s25  }
0x169: {  	s9 =	simm.s32 $0x1;
	s4 =	sadd.s32 s6, s4;
	s6 =	simm.s32 $0x1  }
0x16a: {  	s18 =	simm.s32 @!p3 $0x0;
	s9 =	simm.s32 @!p1 $0x0;
	s6 =	simm.s32 @!p2 $0x0  }
0x16b: {  	p1 =	sge.f32 s1, s25;
	p2 =	sge.f32 s8, s25;
	s4 =	sadd.s32 s9, s4  }
0x16c: {  	s9 =	simm.s32 $0x1;
	s4 =	sadd.s32 s6, s4;
	s6 =	simm.s32 $0x1  }
0x16d: {  	s9 =	simm.s32 @!p2 $0x0;
	s6 =	simm.s32 @!p1 $0x0;
	p1 =	sge.f32 s5, s25  }
0x16e: {  	p2 =	sge.f32 s31, s25;
	s4 =	sadd.s32 s6, s4;
	s6 =	simm.s32 $0x1  }
0x16f: {  	s4 =	sadd.s32 s9, s4;
	s6 =	simm.s32 @!p1 $0x0;
	p1 =	sge.f32 s7, s25  }
0x170: {  	s9 =	simm.s32 $0x1;
	s4 =	sadd.s32 s6, s4;
	s6 =	simm.s32 $0x1  }
0x171: {  	s9 =	simm.s32 @!p2 $0x0;
	p2 =	sge.f32 s24, s26;
	s6 =	simm.s32 @!p1 $0x0  }
0x172: {  	p3 =	sge.f32 s0, s26;
	p1 =	sge.f32 s30, s25;
	s4 =	sadd.s32 s6, s4  }
0x173: {  	s6 =	simm.s32 $0x1;
	s13 =	simm.s32 @!p2 $0x0;
	p2 =	sgt.f32 s26, s25  }
0x174: {  	s4 =	sadd.s32 s9, s4;
	s6 =	simm.s32 @!p1 $0x0;
	p1 =	sge.f32 s29, s25  }
0x175: {  	s9 =	simm.s32 $0x1;
	s10 =	sadd.s32 s18, s13;
	s13 =	simm.s32 $0x1  }
0x176: {  	s18 =	simm.s32 $0x1;
	s4 =	sadd.s32 s6, s4;
	s13 =	simm.s32 @!p2 $0x0  }
0x177: {  	s18 =	simm.s32 @!p3 $0x0;
	s9 =	simm.s32 @!p1 $0x0;
	p1 =	sge.f32 s22, s26  }
0x178: {  	p2 =	sgt.f32 s28, s25;
	s4 =	sadd.s32 s9, s4;
	s9 =	simm.s32 $0x1  }
0x179: {  	p3 =	sge.f32 s8, s26;
	s9 =	simm.s32 @!p1 $0x0;
	s4 =	sadd.s32 s13, s4  }
0x17a: {  	p1 =	sge.f32 s1, s26;
	s13 =	simm.s32 $0x1;
	s6 =	sadd.s32 s9, s10  }
0x17b: {  	s9 =	simm.s32 $0x1;
	s13 =	simm.s32 @!p2 $0x0;
	p2 =	sgt.f32 s2, s25  }
0x17c: {  	s6 =	sadd.s32 s18, s6;
	s9 =	simm.s32 @!p1 $0x0;
	s18 =	simm.s32 $0x1  }
0x17d: {  	s4 =	sadd.s32 s13, s4;
	p1 =	sge.f32 s5, s26;
	s13 =	simm.s32 $0x1  }
0x17e: {  	s6 =	sadd.s32 s9, s6;
	s18 =	simm.s32 @!p3 $0x0;
	p3 =	sge.f32 s7, s26  }
0x17f: {  	s9 =	simm.s32 $0x1;
	s13 =	simm.s32 @!p2 $0x0;
	p2 =	sgt.f32 s3, s25  }
0x180: {  	s6 =	sadd.s32 s18, s6;
	s9 =	simm.s32 @!p1 $0x0;
	s18 =	simm.s32 $0x1  }
0x181: {  	s4 =	sadd.s32 s13, s4;
	p1 =	sge.f32 s31, s26;
	s13 =	simm.s32 $0x1  }
0x182: {  	s6 =	sadd.s32 s9, s6;
	s18 =	simm.s32 @!p3 $0x0;
	p3 =	sge.f32 s30, s26  }
0x183: {  	s9 =	simm.s32 $0x1;
	s13 =	simm.s32 @!p2 $0x0;
	p2 =	sge.f32 s29, s26  }
0x184: {  	s6 =	sadd.s32 s18, s6;
	s9 =	simm.s32 @!p1 $0x0;
	s18 =	simm.s32 $0x1  }
0x185: {  	s10 =	sadd.s32 s13, s4;
	p1 =	sge.f32 s24, s28;
	s13 =	simm.s32 $0x1  }
0x186: {  	s6 =	sadd.s32 s9, s6;
	s18 =	simm.s32 @!p3 $0x0;
	p3 =	sge.f32 s21, s28  }
0x187: {  	s9 =	rddreg [dreg:$0x15];
	s11 =	sadd.s32 s18, s6;
	s6 =	simm.s32 $0x1  }
0x188: {  	s18 =	simm.s32 $0x1;
	s6 =	simm.s32 @!p1 $0x0;
	p1 =	sge.f32 s22, s28  }
0x189: {  	s13 =	simm.s32 @!p3 $0x0;
	s18 =	simm.s32 @!p2 $0x0;
	p2 =	sge.f32 s25, s26  }
0x18a: {  	p3 =	sge.f32 s1, s28;
	s6 =	sadd.s32 s13, s6;
	s4 =	sadd.s32 s18, s11  }
0x18b: {  	s13 =	simm.s32 $0x1;
	s18 =	simm.s32 $0x1;
	s11 =	rddreg [dreg:$0x13]  }
0x18c: {  	s19 =	simm.s32 @!p1 $0x0;
	p1 =	sge.f32 s0, s28;
	s18 =	simm.s32 @!p2 $0x0  }
0x18d: {  	p2 =	sgt.f32 s28, s26;
	s6 =	sadd.s32 s19, s6;
	s19 =	simm.s32 $0x1  }
0x18e: {  	s4 =	sadd.s32 s18, s4;
	s18 =	simm.s32 $0x1;
	s13 =	simm.s32 @!p1 $0x0  }
0x18f: {  	s19 =	simm.s32 @!p3 $0x0;
	p1 =	sge.f32 s8, s28;
	p3 =	sge.f32 s5, s28  }
0x190: {  	s18 =	simm.s32 @!p2 $0x0;
	p2 =	sgt.f32 s2, s26;
	s6 =	sadd.s32 s13, s6  }
0x191: {  	s13 =	simm.s32 $0x1;
	s4 =	sadd.s32 s18, s4;
	s18 =	simm.s32 $0x1  }
0x192: {  	s6 =	sadd.s32 s19, s6;
	s13 =	simm.s32 @!p1 $0x0;
	s19 =	simm.s32 $0x1  }
0x193: {  	p1 =	sge.f32 s7, s28;
	s18 =	simm.s32 @!p2 $0x0;
	p2 =	sgt.f32 s3, s26  }
0x194: {  	s6 =	sadd.s32 s13, s6;
	s19 =	simm.s32 @!p3 $0x0;
	p3 =	sge.f32 s31, s28  }
0x195: {  	s13 =	simm.s32 $0x1;
	s4 =	sadd.s32 s18, s4;
	s18 =	simm.s32 $0x1  }
0x196: {  	s6 =	sadd.s32 s19, s6;
	s13 =	simm.s32 @!p1 $0x0;
	s19 =	simm.s32 $0x1  }
0x197: {  	p1 =	sge.f32 s30, s28;
	s18 =	simm.s32 @!p2 $0x0;
	p2 =	sge.f32 s25, s28  }
0x198: {  	s6 =	sadd.s32 s13, s6;
	s19 =	simm.s32 @!p3 $0x0;
	s13 =	simm.s32 $0x1  }
0x199: {  	p3 =	sge.f32 s29, s28;
	s6 =	sadd.s32 s19, s6;
	s13 =	simm.s32 @!p1 $0x0  }
0x19a: {  	s19 =	sadd.s32 s18, s4;
	p1 =	sge.f32 s24, s2;
	s18 =	simm.s32 $0x1  }
0x19b: {  	s6 =	sadd.s32 s13, s6;
	s20 =	simm.s32 @!p3 $0x0;
	p3 =	sge.f32 s21, s2  }
0x19c: {  	s13 =	simm.s32 $0x1;
	s18 =	simm.s32 @!p2 $0x0;
	p2 =	sge.f32 s26, s28  }
0x19d: {  	s14 =	sadd.s32 s20, s6;
	s6 =	simm.s32 $0x1;
	s20 =	simm.s32 $0x1  }
0x19e: {  	s6 =	simm.s32 @!p1 $0x0;
	p1 =	sge.f32 s22, s2;
	s13 =	simm.s32 @!p3 $0x0  }
0x19f: {  	s4 =	sadd.s32 s18, s14;
	p3 =	sge.f32 s1, s2;
	s18 =	simm.s32 $0x1  }
0x1a0: {  	s14 =	simm.s32 $0x1;
	s6 =	sadd.s32 s13, s6;
	s13 =	simm.s32 $0x1  }
0x1a1: {  	s18 =	simm.s32 @!p2 $0x0;
	p2 =	sgt.f32 s2, s28;
	s20 =	simm.s32 @!p1 $0x0  }
0x1a2: {  	p1 =	sge.f32 s0, s2;
	s4 =	sadd.s32 s18, s4;
	s18 =	simm.s32 $0x1  }
0x1a3: {  	s6 =	sadd.s32 s20, s6;
	s20 =	simm.s32 $0x1;
	s18 =	simm.s32 @!p2 $0x0  }
0x1a4: {  	p2 =	sgt.f32 s3, s28;
	s13 =	simm.s32 @!p1 $0x0;
	s20 =	simm.s32 @!p3 $0x0  }
0x1a5: {  	p1 =	sge.f32 s8, s2;
	p3 =	sge.f32 s5, s2;
	s4 =	sadd.s32 s18, s4  }
0x1a6: {  	s18 =	simm.s32 $0x1;
	s6 =	sadd.s32 s13, s6;
	s13 =	simm.s32 $0x1  }
0x1a7: {  	s18 =	simm.s32 @!p2 $0x0;
	p2 =	sge.f32 s29, s2;
	s6 =	sadd.s32 s20, s6  }
0x1a8: {  	s13 =	simm.s32 @!p1 $0x0;
	s20 =	simm.s32 $0x1;
	p1 =	sge.f32 s7, s2  }
0x1a9: {  	s4 =	sadd.s32 s18, s4;
	s18 =	simm.s32 $0x1;
	s6 =	sadd.s32 s13, s6  }
0x1aa: {  	s20 =	simm.s32 @!p3 $0x0;
	p3 =	sge.f32 s31, s2;
	s13 =	simm.s32 $0x1  }
0x1ab: {  	s18 =	simm.s32 @!p2 $0x0;
	p2 =	sge.f32 s21, s3;
	s6 =	sadd.s32 s20, s6  }
0x1ac: {  	s13 =	simm.s32 @!p1 $0x0;
	s20 =	simm.s32 $0x1;
	p1 =	sge.f32 s30, s2  }
0x1ad: {  	s6 =	sadd.s32 s13, s6;
	s20 =	simm.s32 @!p3 $0x0;
	s13 =	simm.s32 $0x1  }
0x1ae: {  	p3 =	sge.f32 s25, s2;
	s6 =	sadd.s32 s20, s6;
	s13 =	simm.s32 @!p1 $0x0  }
0x1af: {  	s20 =	simm.s32 $0x1;
	p1 =	sge.f32 s24, s3;
	s6 =	sadd.s32 s13, s6  }
0x1b0: {  	s20 =	simm.s32 @!p3 $0x0;
	p3 =	sge.f32 s22, s3;
	s13 =	simm.s32 $0x1  }
0x1b1: {  	s6 =	sadd.s32 s18, s6;
	s18 =	simm.s32 $0x1;
	s13 =	simm.s32 @!p1 $0x0  }
0x1b2: {  	p1 =	sge.f32 s26, s2;
	s18 =	simm.s32 @!p2 $0x0;
	s6 =	sadd.s32 s20, s6  }
0x1b3: {  	s14 =	simm.s32 @!p3 $0x0;
	p2 =	sge.f32 s0, s3;
	p3 =	sge.f32 s1, s3  }
0x1b4: {  	s20 =	simm.s32 $0x1;
	s13 =	sadd.s32 s18, s13;
	s18 =	simm.s32 $0x1  }
0x1b5: {  	s13 =	sadd.s32 s14, s13;
	s14 =	simm.s32 $0x1;
	s18 =	simm.s32 @!p2 $0x0  }
0x1b6: {  	s20 =	simm.s32 @!p3 $0x0;
	p2 =	sge.f32 s8, s3;
	p3 =	sge.f32 s5, s3  }
0x1b7: {  	s14 =	simm.s32 @!p1 $0x0;
	s13 =	sadd.s32 s18, s13;
	p1 =	sge.f32 s28, s2  }
0x1b8: {  	s18 =	simm.s32 $0x1;
	s6 =	sadd.s32 s14, s6;
	s13 =	sadd.s32 s20, s13  }
0x1b9: {  	s14 =	simm.s32 $0x1;
	s18 =	simm.s32 @!p2 $0x0;
	s20 =	simm.s32 $0x1  }
0x1ba: {  	p2 =	sge.f32 s7, s3;
	s14 =	simm.s32 @!p1 $0x0;
	s13 =	sadd.s32 s18, s13  }
0x1bb: {  	s20 =	simm.s32 @!p3 $0x0;
	p1 =	sgt.f32 s3, s2;
	p3 =	sge.f32 s31, s3  }
0x1bc: {  	s18 =	simm.s32 $0x1;
	s6 =	sadd.s32 s14, s6;
	s13 =	sadd.s32 s20, s13  }
0x1bd: {  	s14 =	simm.s32 $0x1;
	s18 =	simm.s32 @!p2 $0x0;
	s20 =	simm.s32 $0x1  }
0x1be: {  	s14 =	simm.s32 @!p1 $0x0;
	s13 =	sadd.s32 s18, s13;
	s20 =	simm.s32 @!p3 $0x0  }
0x1bf: {  	p1 =	sge.f32 s30, s3;
	s18 =	sadd.s32 s14, s6;
	s6 =	sadd.s32 s20, s13  }
0x1c0: {  	s13 =	simm.s32 $0x1;
	s20 =	rddreg [dreg:$0x12];
	s14 =	simm.s32 $0x1  }
0x1c1: {  	s13 =	simm.s32 @!p1 $0x0;
	p1 =	seq.s32 s20, s17;
	s20 =	simm.s32 $0x2  }
0x1c2: {  	s14 =	simm.s32 @!p1 $0x0;
	p1 =	seq.s32 s11, s17;
	s6 =	sadd.s32 s13, s6  }
0x1c3: {  	s20 =	simm.s32 @!p1 $0x0;
	p1 =	seq.s32 s15, s17;
	s15 =	simm.s32 $0x3  }
0x1c4: {  	s14 =	sor.u32 s14, s20;
	s15 =	simm.s32 @!p1 $0x0;
	p1 =	sge.f32 s29, s3  }
0x1c5: {  	s20 =	rddreg [dreg:$0x14];
	s13 =	sadd.s32 s15, s14;
	s14 =	simm.s32 $0x1  }
0x1c6: {  	s15 =	simm.s32 $0x4;
	s14 =	simm.s32 @!p1 $0x0;
	p1 =	seq.s32 s20, s17  }
0x1c7: {  	s11 =	rddreg [dreg:$0x17];
	s20 =	simm.s32 $0x5;
	s15 =	simm.s32 @!p1 $0x0  }
0x1c8: {  	p1 =	seq.s32 s9, s17;
	s6 =	sadd.s32 s14, s6;
	s14 =	simm.s32 $0x1  }
0x1c9: {  	s13 =	sadd.s32 s15, s13;
	s20 =	simm.s32 @!p1 $0x0;
	p1 =	sge.f32 s25, s3  }
0x1ca: {  	s9 =	smov.u32 s12;
	s15 =	simm.s32 $0x6;
	s13 =	sadd.s32 s20, s13  }
0x1cb: {  	s20 =	simm.s32 $0x7;
	s14 =	simm.s32 @!p1 $0x0;
	p1 =	seq.s32 s11, s17  }
0x1cc: {  	s15 =	simm.s32 @!p1 $0x0;
	p1 =	seq.s32 s23, s17;
	s6 =	sadd.s32 s14, s6  }
0x1cd: {  	s13 =	sadd.s32 s15, s13;
	s20 =	simm.s32 @!p1 $0x0;
	p1 =	sge.f32 s26, s3  }
0x1ce: {  	s14 =	simm.s32 $0x1;
	s15 =	simm.s32 $0x8;
	s13 =	sadd.s32 s20, s13  }
0x1cf: {  	s20 =	simm.s32 $0x9;
	s14 =	simm.s32 @!p1 $0x0;
	p1 =	seq.s32 s16, s17  }
0x1d0: {  	s15 =	simm.s32 @!p1 $0x0;
	p1 =	seq.s32 s12, s17;
	s12 =	rddreg [dreg:$0x19]  }
0x1d1: {  	s6 =	sadd.s32 s14, s6;
	s20 =	simm.s32 @!p1 $0x0;
	p1 =	sge.f32 s28, s3  }
0x1d2: {  	s14 =	simm.s32 $0x1;
	s13 =	sadd.s32 s15, s13;
	s15 =	simm.s32 $0xA  }
0x1d3: {  	s13 =	sadd.s32 s20, s13;
	s14 =	simm.s32 @!p1 $0x0;
	p1 =	seq.s32 s12, s17  }
0x1d4: {  	s20 =	simm.s32 $0xB;
	s15 =	simm.s32 @!p1 $0x0;
	p1 =	seq.s32 s10, s17  }
0x1d5: {  	s6 =	sadd.s32 s14, s6;
	s20 =	simm.s32 @!p1 $0x0;
	p1 =	sge.f32 s2, s3  }
0x1d6: {  	s14 =	simm.s32 $0x1;
	s13 =	sadd.s32 s15, s13;
	s15 =	simm.s32 $0xC  }
0x1d7: {  	s13 =	sadd.s32 s20, s13;
	s14 =	simm.s32 @!p1 $0x0;
	p1 =	seq.s32 s19, s17  }
0x1d8: {  	s20 =	simm.s32 $0xD;
	s15 =	simm.s32 @!p1 $0x0;
	p1 =	seq.s32 s4, s17  }
0x1d9: {  	s6 =	sadd.s32 s14, s6;
	s14 =	simm.s32 $0xE;
	s13 =	sadd.s32 s15, s13  }
0x1da: {  	s20 =	simm.s32 @!p1 $0x0;
	p1 =	seq.s32 s18, s17;
	s15 =	simm.s32 $0xF  }
0x1db: {  	s13 =	sadd.s32 s20, s13;
	s14 =	simm.s32 @!p1 $0x0;
	p1 =	seq.s32 s6, s17  }
0x1dc: {  	[dreg:$0x18] =	wrdreg s23;
	s13 =	sadd.s32 s14, s13;
	s15 =	simm.s32 @!p1 $0x0  }
0x1dd: {  	s11 =	smov.u32 s10;
	s23 =	smov.u32 s16;
	s13 =	sadd.s32 s15, s13  }
0x1de: {  	s16 =	rddreg [dreg:$0xb];
	s20 =	stileid.u32;
	s15 =	sshll.u32 s13, $0xB  }
0x1df: {  	s10 =	rddreg [dreg:$0x0];
	s20 =	sshll.u32 s20, $0x6;
	s14 =	sor.u32 s16, s15  }
0x1e0: {  	s20 =	sor.u32 $0x1C01, s20;
	s15 =	sshrl.u32 s14, $0x3;
	s14 =	sshll.u32 s14, $0x4  }
0x1e1: {  	s14 =	sadd.s32 s10, s14;
	s15 =	smul.u32 $0x300, s15;
	s10 =	rddreg [dreg:$0xd]  }
0x1e2: {  	[hbm:s10], [sflag:s20] =	dma.local [hbm:s14], $0x2000  }
0x1e3: {  	s14 =	rddreg [dreg:$0x1]  }
0x1e4: {  	s10 =	smul.u32 $0x6000, s13;
	s16 =	rddreg [dreg:$0xe];
	s14 =	sadd.s32 s14, s15  }
0x1e5: {  	[hbm:s16], [sflag:s20] =	dma.local [hbm:s14], $0xC000  }
0x1e6: {  	s14 =	rddreg [dreg:$0xc]  }
0x1e7: {  	s14 =	sadd.s32 s14, s10  }
0x1e8: {  	s10 =	rddreg [dreg:$0x2];
	s14 =	sshrl.u32 s14, $0x3  }
0x1e9: {  	s16 =	simm.s32 $0x0;
	s20 =	simm.s32 $0x1100;
	s14 =	sadd.s32 s10, s14  }
0x1ea: {  	[tilespmem:s20], [sflag:$0x2] =	stream.linear.gather [hbm4b:s14+s16], $0x1800, $0x38;
	[tilespmem:$0x2A00] =	vst v63  }
0x1eb: {  	s16 =	simm.s32 $0x2  }
0x1ec: {  	s13 =	ssub.s32 s17, s13;
	_ =	swait.ge [sflag:s16], $0x1800  }
0x1ed: {  	s13 =	sshll.u32 s13, $0xB;
	s15 =	simm.s32 $0x1100;
	[sflag:s16] =	ssyncset.done $0x0  }
0x1ee: {  	v1 =	vmov s13;
	s13 =	simm.s32 $0x40;
	s20 =	simm.s32 $0x0;
	[sflag:s16] =	ssyncadd.s32 $0xFFFFE800  }
.LBB2_4:
0x1ef: {  	p1 =	sne.s32 s13, $0x5FC0;
	v2 =	vld [tilespmem:s20+$0x1100];
	_ =	sdelay $0x1  }
.Ltmp3:
0x1f0: {  	(pc) =	sbr.rel @p1 .LBB2_4-.Ltmp3, $3  }
0x1f1: {  	_ =	sdelay $0x1  }
0x1f2: {  	v2 =	vadd.s32 v1, v2  }
0x1f3: {  	[tilespmem:s20+$0x1100] =	vst v2;
	s20 =	sshra.s32 s13, $0x2;
	s13 =	sadd.s32 $0x40, s13  }
0x1f4: {  	v2 =	vld [tilespmem:s20+$0x1100];
	_ =	sdelay $0x4  }
0x1f5: {  	v1 =	vadd.s32 v1, v2  }
.Ltmp4:
0x1f6: {  	s14 =	simm.s32 $0x0;
	s13 =	rddreg [dreg:$0xf];
	[tilespmem:s20+$0x1100] =	vst v1;
	(pc) =	sbr.rel @p0 .LBB2_7-.Ltmp4, $4  }
0x1f7: {  	[hbm4b:s13+s14] =	stream.linear.scatter [tilespmem:s15], [sflag:$0x2], $0x1800, $0x38;
	[tilespmem:$0x2A00] =	vst v63  }
0x1f8: {  	_ =	swait.ge [sflag:s16], $0x1800  }
0x1f9: {  	[sflag:s16] =	ssyncset.done $0x0  }
0x1fa: {  	s15 =	rddreg [dreg:$0x11];
	[sflag:s16] =	ssyncadd.s32 $0xFFFFE800  }
0x1fb: {  	p1 =	sgt.f32 s21, s24  }
0x1fc: {  	p2 =	sgt.f32 s22, s24;
	p3 =	sgt.f32 s0, s24  }
0x1fd: {  	p4 =	sgt.f32 s1, s24;
	s0 =	simm.s32 $0x1;
	s1 =	simm.s32 $0x1  }
0x1fe: {  	s13 =	simm.s32 $0x1;
	s20 =	simm.s32 $0x2900;
	s0 =	simm.s32 @!p1 $0x0  }
0x1ff: {  	s1 =	simm.s32 @!p2 $0x0;
	s13 =	simm.s32 @!p3 $0x0;
	p1 =	sgt.f32 s8, s24  }
0x200: {  	p2 =	sgt.f32 s5, s24;
	p3 =	sgt.f32 s7, s24;
	s0 =	sadd.s32 s1, s0  }
0x201: {  	s5 =	simm.s32 $0x1;
	s1 =	simm.s32 $0x1;
	s0 =	sadd.s32 s13, s0  }
0x202: {  	s1 =	simm.s32 @!p4 $0x0;
	s5 =	simm.s32 @!p2 $0x0;
	p2 =	sgt.f32 s30, s24  }
0x203: {  	s13 =	rddreg [dreg:$0x5];
	s0 =	sadd.s32 s1, s0;
	s1 =	simm.s32 $0x1  }
0x204: {  	[tilespmem:s20], [sflag:$0x2] =	stream.linear.gather [hbm4b:s13+s14], $0x80, $0x38;
	[tilespmem:$0x2A00] =	vst v63  }
0x205: {  	s1 =	simm.s32 @!p1 $0x0;
	p1 =	sgt.f32 s31, s24;
	_ =	swait.ge [sflag:s16], $0x80  }
0x206: {  	s0 =	sadd.s32 s1, s0;
	s1 =	simm.s32 $0x1;
	s21 =	rddreg [dreg:$0x12]  }
0x207: {  	[sflag:s16] =	ssyncset.done $0x0;
	s22 =	rddreg [dreg:$0x13];
	s0 =	sadd.s32 s5, s0  }
0x208: {  	s1 =	simm.s32 @!p3 $0x0;
	s5 =	simm.s32 $0x1;
	p3 =	sgt.f32 s2, s24  }
0x209: {  	s2 =	simm.s32 $0x1;
	s0 =	sadd.s32 s1, s0;
	s1 =	simm.s32 $0x1  }
0x20a: {  	[sflag:s16] =	ssyncadd.s32 $0xFFFFFF80;
	s1 =	simm.s32 @!p1 $0x0;
	p1 =	sgt.f32 s29, s24  }
0x20b: {  	s5 =	simm.s32 @!p2 $0x0;
	s0 =	sadd.s32 s1, s0;
	s1 =	simm.s32 $0x1  }
0x20c: {  	p2 =	sgt.f32 s25, s24;
	s0 =	sadd.s32 s5, s0;
	s1 =	simm.s32 @!p1 $0x0  }
0x20d: {  	p1 =	sgt.f32 s26, s24;
	s0 =	sadd.s32 s1, s0;
	s1 =	simm.s32 $0x1  }
0x20e: {  	s5 =	simm.s32 $0x1;
	s1 =	simm.s32 @!p2 $0x0;
	p2 =	sgt.f32 s28, s24  }
0x20f: {  	v10 =	vmov s23;
	v2 =	vld [tilespmem:$0x2900];
	s5 =	simm.s32 @!p1 $0x0;
	s0 =	sadd.s32 s1, s0;
	s1 =	simm.s32 $0x1  }
0x210: {  	v11 =	vmov s9;
	v12 =	vmov s12;
	v13 =	vmov s11;
	p1 =	sgt.f32 s3, s24;
	s0 =	sadd.s32 s5, s0;
	s1 =	simm.s32 @!p2 $0x0  }
0x211: {  	v14 =	vmov s19;
	v15 =	vmov s4;
	v16 =	vmov s18;
	s2 =	simm.s32 @!p3 $0x0;
	s0 =	sadd.s32 s1, s0;
	s1 =	simm.s32 $0x1  }
0x212: {  	v18 =	vmov s6;
	v3 =	vmov s21;
	v4 =	vmov s22;
	s25 =	rddreg [dreg:$0x14];
	s0 =	sadd.s32 s2, s0;
	s1 =	simm.s32 @!p1 $0x0  }
0x213: {  	vm13 =	veq.s32 v3, v0;
	vm14 =	veq.s32 v4, v0;
	v6 =	vmov s25;
	s29 =	rddreg [dreg:$0x18];
	s0 =	sadd.s32 s1, s0  }
0x214: {  	v9 =	vmov s29;
	v17 =	vbroadcast v2, $0x0;
	v1 =	vmov s0  }
0x215: {  	vm4 =	veq.s32 v6, v0;
	s26 =	rddreg [dreg:$0x15];
	vm0 =	veq.s32 v1, v0;
	v1 =	vbroadcast v2, $0x1  }
0x216: {  	v7 =	vmov s26;
	s24 =	rddreg [dreg:$0x16];
	v3 =	vbroadcast v2, $0x2;
	v17 =	vnsel vm0, $0x0, v17  }
0x217: {  	v58 =	vbroadcast v2, $0x3;
	v5 =	vmov s24;
	v1 =	vsel vm13, v1, v17  }
0x218: {  	vm15 =	veq.s32 v5, v0;
	v1 =	vsel vm14, v3, v1;
	v3 =	vbroadcast v2, $0x4  }
0x219: {  	s28 =	rddreg [dreg:$0x17];
	v59 =	vbroadcast v2, $0x5;
	vm5 =	veq.s32 v7, v0;
	v1 =	vsel vm15, v58, v1  }
0x21a: {  	v8 =	vmov s28;
	v1 =	vsel vm4, v3, v1;
	v3 =	vbroadcast v2, $0x6  }
0x21b: {  	v60 =	vbroadcast v2, $0x7;
	vm6 =	veq.s32 v8, v0;
	v1 =	vsel vm5, v59, v1  }
0x21c: {  	vm7 =	veq.s32 v9, v0;
	v1 =	vsel vm6, v3, v1;
	v3 =	vbroadcast v2, $0x8  }
0x21d: {  	vm8 =	veq.s32 v10, v0;
	v61 =	vbroadcast v2, $0x9;
	v1 =	vsel vm7, v60, v1  }
0x21e: {  	vm9 =	veq.s32 v11, v0;
	v1 =	vsel vm8, v3, v1;
	v3 =	vbroadcast v2, $0xA  }
0x21f: {  	vm10 =	veq.s32 v12, v0;
	v62 =	vbroadcast v2, $0xB;
	v1 =	vsel vm9, v61, v1  }
0x220: {  	vm11 =	veq.s32 v13, v0;
	v1 =	vsel vm10, v3, v1;
	v3 =	vbroadcast v2, $0xC  }
0x221: {  	vm12 =	veq.s32 v14, v0;
	v63 =	vbroadcast v2, $0xD;
	v1 =	vsel vm11, v62, v1  }
0x222: {  	vm13 =	veq.s32 v15, v0;
	v1 =	vsel vm12, v3, v1;
	v3 =	vbroadcast v2, $0xE  }
0x223: {  	vm14 =	veq.s32 v16, v0;
	v2 =	vbroadcast v2, $0xF;
	v1 =	vsel vm13, v63, v1  }
0x224: {  	vm15 =	veq.s32 v18, v0;
	v1 =	vsel vm14, v3, v1  }
0x225: {  	v1 =	vsel vm15, v2, v1  }
.Ltmp5:
0x226: {  	s31 =	simm.s32 $0x2980;
	s30 =	rddreg [dreg:$0x9];
	[tilespmem:$0x2980] =	vst v1;
	(pc) =	sbr.rel .LBB2_7-.Ltmp5, $4  }
0x227: {  	[hbm4b:s30+s14] =	stream.linear.scatter [tilespmem:s31], [sflag:$0x2], $0x8, $0x38;
	[tilespmem:$0x2A00] =	vst v63  }
0x228: {  	_ =	swait.ge [sflag:s16], $0x8  }
0x229: {  	[sflag:s16] =	ssyncset.done $0x0  }
0x22a: {  	[sflag:s16] =	ssyncadd.s32 $0xFFFFFFF8  }
.LBB2_8:
0x22b: {  	_ =	sfence.sel $0x180000  }
0x22c: {  	[bflag:$0x0] =	sbarrier.arrive $0xFFFF  }
0x22d: {  	_ =	strace $0x90000047  }
0x22e: {  	s0 =	stileid.u32;
	[bflag:$0x2] =	sbarrier.arrive $0xFFFF  }
0x22f: {  	p0 =	sne.s32 s0, $0x0;
	s0 =	rddreg [dreg:$0xa]  }
0x230: {  	s0 =	sadd.s32 @!p0 $0x100000, s0  }
0x231: {  	[sflag:s0] =	ssyncadd.tile.s32 @!p0 $0x1;
	_ =	shalt  }
.Lfunc_end2:
_tile_overlayer_lowered:
.L_overlay_start_2:
0x232: {  	(tag) =	ssettag $0x2  }
0x233: {  	s0 =	rddreg [dreg:$0x0];
	s2 =	stileid.u32  }
0x234: {  	s1 =	rddreg [dreg:$0x1];
	p0 =	sne.s32 s2, $0x0  }
0x235: {  	s3 =	rddreg [dreg:$0x2];
	[bflag:$0x3] =	sbarrier.arrive $0xFFFF;
	s2 =	simm.s32 @!p0 $0x1C02  }
0x236: {  	[timem:s3], [sflag:s2] =	dma.local @!p0 [hbm:s0], s1  }
0x237: {  	s0 =	simm.s32 @!p0 $0x2  }
0x238: {  	_ =	swait.ge @!p0 [sflag:s0], s1  }
0x239: {  	s1 =	ssub.s32 @!p0 $0x0, s1;
	[sflag:s0] =	ssyncset.done @!p0 $0x0  }
0x23a: {  	[sflag:s0] =	ssyncadd.s32 @!p0 s1  }
0x23b: {  	[bflag:$0x3] =	sbarrier.arrive $0xFFFF  }
0x23c: {  	_ =	shalt  }

</sc_bundles>
